<compile_context>
chip_gen: v7x
topology: tpu7x:2x2x1
jax: 0.10.2.dev20260603
libtpu: 0.0.44.dev20260713+nightly
codegen_flags: <defaults>
</compile_context>

<pallas_src>
import functools
import math

import jax
import jax.numpy as jnp
import numpy as np
from jax import lax
from jax.experimental import pallas as pl
from jax.experimental.pallas import tpu as pltpu
from jax.experimental.pallas import tpu_sc as plsc

SS = ((64, 64), (32, 32), (16, 16), (8, 8))
BS = 4
LQ = 5440
D = 256
NH = 8
NL = 4
NP = 4
HD = D // NH
TP = NH * NL * NP
LV = sum(h * w for h, w in SS)
TQ = 320
NT = LQ // TQ
CH = 160
NCH = LQ // CH
NK = 4 * NL * NP

_colW = np.zeros((128,), np.float32)
_colH = np.zeros((128,), np.float32)
_colS = np.zeros((128,), np.float32)
_starts = [0, 4096, 5120, 5376]
for _h in range(NH):
    for _l in range(NL):
        for _p in range(NP):
            c = _h * 16 + _l * 4 + _p
            _colW[c] = SS[_l][1]
            _colH[c] = SS[_l][0]
            _colS[c] = _starts[_l]
_G = np.zeros((128, 128), np.float32)
for c in range(128):
    g = c // 16
    _G[c, g * 16:(g + 1) * 16] = 1.0
_Ex = np.zeros((8, 128), np.float32)
_Ey = np.zeros((8, 128), np.float32)
for c in range(128):
    _l = (c % 16) // 4
    _Ex[2 * _l, c] = 1.0
    _Ey[2 * _l + 1, c] = 1.0

_CORNERS = ((0.0, 0.0), (0.0, 1.0), (1.0, 0.0), (1.0, 1.0))
_HI = lax.Precision.HIGHEST


def _prep_body(value_b, query_b, ref_b, WvT, bv, WoxT, box, WoyT, boy,
               WaT, ba, G, Ex, Ey, colW, colH, colS,
               v_out, idx_out, cw_out):
    value_b = value_b[0]
    query_b = query_b[0]
    ref_b = ref_b[0]
    v = jnp.dot(value_b, WvT[...], preferred_element_type=jnp.float32,
                precision=lax.Precision.DEFAULT) + bv[...]
    v_out[0] = v
    offx = jnp.dot(query_b, WoxT[...], preferred_element_type=jnp.float32,
                   precision=_HI) + box[...]
    offy = jnp.dot(query_b, WoyT[...], preferred_element_type=jnp.float32,
                   precision=_HI) + boy[...]
    logits = jnp.dot(query_b, WaT[...], preferred_element_type=jnp.float32,
                     precision=_HI) + ba[...]
    m = jnp.max(logits, axis=-1, keepdims=True)
    e = jnp.exp(logits - m)
    denom = jnp.dot(e, G[...], preferred_element_type=jnp.float32,
                    precision=_HI)
    aw = e / denom
    refx = jnp.dot(ref_b, Ex[...], preferred_element_type=jnp.float32,
                   precision=_HI)
    refy = jnp.dot(ref_b, Ey[...], preferred_element_type=jnp.float32,
                   precision=_HI)
    cW = colW[...]
    cH = colH[...]
    cS = colS[...]
    px = refx * cW + offx - 0.5
    py = refy * cH + offy - 0.5
    x0 = jnp.floor(px)
    y0 = jnp.floor(py)
    fx = px - x0
    fy = py - y0
    for ci, (dx, dy) in enumerate(_CORNERS):
        xi = x0 + dx
        yi = y0 + dy
        valid = ((xi >= 0.0) & (xi <= cW - 1.0)
                 & (yi >= 0.0) & (yi <= cH - 1.0))
        wx = fx if dx else 1.0 - fx
        wy = fy if dy else 1.0 - fy
        cw = jnp.where(valid, aw * wx * wy, 0.0)
        xc = jnp.clip(xi, 0.0, cW - 1.0)
        yc = jnp.clip(yi, 0.0, cH - 1.0)
        rows = (cS + yc * cW + xc).astype(jnp.int32)
        idx_out[0, :, ci, :] = rows * 17
        cw_out[0, :, ci, :] = cw


def _outproj_body(x_b, WoT, bo, out_b):
    acc = bo[...]
    for hh in range(NH):
        acc = acc + jnp.dot(x_b[0, hh, :, :HD],
                            WoT[pl.ds(hh * HD, HD), :],
                            preferred_element_type=jnp.float32,
                            precision=_HI)
    out_b[0] = acc


_sc_mesh = plsc.VectorSubcoreMesh(core_axis_name="c", subcore_axis_name="s")


@functools.partial(
    pl.kernel,
    out_type=jax.ShapeDtypeStruct((BS * NH * LQ * 33,), jnp.float32),
    mesh=_sc_mesh,
    compiler_params=pltpu.CompilerParams(needs_layout_passes=False),
    scratch_types=[
        pltpu.VMEM((LV * 17,), jnp.int32),
        pltpu.VMEM((CH * 65,), jnp.int32),
        pltpu.VMEM((CH * 65,), jnp.float32),
        pltpu.VMEM((CH * 33,), jnp.float32),
    ],
)
def _sc_sample(tbl_hbm, idx_hbm, cw_hbm, out_hbm, tbl_v, idx_v, cw_v, out_v):
    cid = lax.axis_index("c")
    sid = lax.axis_index("s")
    wid = sid * 2 + cid
    pltpu.sync_copy(tbl_hbm.at[pl.ds(wid * (LV * 17), LV * 17)], tbl_v)
    lanes = lax.iota(jnp.int32, 16)

    def chunk_body(ci, _):
        q0 = ci * CH
        off = wid * (LQ * 65) + q0 * 65
        pltpu.sync_copy(idx_hbm.at[pl.ds(off, CH * 65)], idx_v)
        pltpu.sync_copy(cw_hbm.at[pl.ds(off, CH * 65)], cw_v)

        def qblk_body(qi, _):
            qrow = qi * 16 + lanes
            qk = qrow * 65
            qd = qrow * 33
            zero = jnp.zeros((16,), jnp.float32)
            accs = (zero,) * HD

            def k_body(k, accs):
                base = qk + k
                rowb = plsc.load_gather(idx_v, [base])
                w = plsc.load_gather(cw_v, [base])
                w2 = plsc.pack(w, w, format=plsc.PackFormat.INTERLEAVED)
                accs = list(accs)
                for j in range(16):
                    g = plsc.load_gather(tbl_v, [rowb + j])
                    gb = plsc.bitcast(g, jnp.bfloat16)
                    ea, eb = plsc.unpack(
                        gb * w2, format=plsc.PackFormat.INTERLEAVED,
                        preferred_element_type=jnp.float32)
                    accs[2 * j] = accs[2 * j] + ea
                    accs[2 * j + 1] = accs[2 * j + 1] + eb
                return tuple(accs)

            accs = lax.fori_loop(0, NK, k_body, accs)
            for d in range(HD):
                plsc.store_scatter(out_v, [qd + d], accs[d])
            return 0

        lax.fori_loop(0, CH // 16, qblk_body, 0)
        pltpu.sync_copy(out_v, out_hbm.at[pl.ds(wid * (LQ * 33) + q0 * 33, CH * 33)])
        return 0

    lax.fori_loop(0, NCH, chunk_body, 0)


@jax.jit
def _run(query, reference_points, value, W_value, b_value, W_off, b_off,
         W_attn, b_attn, W_out, b_out):
    WvT = W_value.T
    WoxT = W_off[0::2].T
    WoyT = W_off[1::2].T
    box = b_off[0::2]
    boy = b_off[1::2]
    WaT = W_attn.T
    ref_flat = reference_points.reshape(BS, LQ, NL * 2)

    tok = lambda i, b: (b, i, 0)
    full = lambda i, b: (0, 0)
    vec = lambda i, b: (0,)
    v_p, idx_p, cw_p = pl.pallas_call(
        _prep_body,
        grid=(NT, BS),
        in_specs=[
            pl.BlockSpec((1, TQ, D), tok),
            pl.BlockSpec((1, TQ, D), tok),
            pl.BlockSpec((1, TQ, NL * 2), tok),
            pl.BlockSpec((D, D), full),
            pl.BlockSpec((D,), vec),
            pl.BlockSpec((D, 128), full),
            pl.BlockSpec((128,), vec),
            pl.BlockSpec((D, 128), full),
            pl.BlockSpec((128,), vec),
            pl.BlockSpec((D, 128), full),
            pl.BlockSpec((128,), vec),
            pl.BlockSpec((128, 128), full),
            pl.BlockSpec((8, 128), full),
            pl.BlockSpec((8, 128), full),
            pl.BlockSpec((128,), vec),
            pl.BlockSpec((128,), vec),
            pl.BlockSpec((128,), vec),
        ],
        out_specs=[
            pl.BlockSpec((1, TQ, D), tok),
            pl.BlockSpec((1, TQ, 4, 128), lambda i, b: (b, i, 0, 0)),
            pl.BlockSpec((1, TQ, 4, 128), lambda i, b: (b, i, 0, 0)),
        ],
        out_shape=[
            jax.ShapeDtypeStruct((BS, LQ, D), jnp.float32),
            jax.ShapeDtypeStruct((BS, LQ, 4, 128), jnp.int32),
            jax.ShapeDtypeStruct((BS, LQ, 4, 128), jnp.float32),
        ],
    )(value, query, ref_flat, WvT, b_value, WoxT, box, WoyT, boy,
      WaT, b_attn, jnp.asarray(_G), jnp.asarray(_Ex), jnp.asarray(_Ey),
      jnp.asarray(_colW), jnp.asarray(_colH), jnp.asarray(_colS))

    v4 = v_p.reshape(BS, LV, NH, HD).transpose(0, 2, 1, 3)
    vb = v4.astype(jnp.bfloat16).reshape(BS, NH, LV, 16, 2)
    tbl = lax.bitcast_convert_type(vb, jnp.int32)
    tbl = jnp.pad(tbl, ((0, 0), (0, 0), (0, 0), (0, 1)))
    tbl = tbl.reshape(BS * NH * LV * 17)
    idx_r = idx_p.reshape(BS, LQ, 4, NH, 16).transpose(0, 3, 1, 2, 4)
    idx_r = idx_r.reshape(BS, NH, LQ, NK)
    idx_r = jnp.pad(idx_r, ((0, 0), (0, 0), (0, 0), (0, 1)))
    idx_r = idx_r.reshape(BS * NH * LQ * 65)
    cw_r = cw_p.reshape(BS, LQ, 4, NH, 16).transpose(0, 3, 1, 2, 4)
    cw_r = cw_r.reshape(BS, NH, LQ, NK)
    cw_r = jnp.pad(cw_r, ((0, 0), (0, 0), (0, 0), (0, 1)))
    cw_r = cw_r.reshape(BS * NH * LQ * 65)

    samp = _sc_sample(tbl, idx_r, cw_r)
    samp = samp.reshape(BS, NH, LQ, 33)

    out = pl.pallas_call(
        _outproj_body,
        grid=(NT, BS),
        in_specs=[
            pl.BlockSpec((1, NH, TQ, 33), lambda i, b: (b, 0, i, 0)),
            pl.BlockSpec((D, D), full),
            pl.BlockSpec((D,), vec),
        ],
        out_specs=pl.BlockSpec((1, TQ, D), tok),
        out_shape=jax.ShapeDtypeStruct((BS, LQ, D), jnp.float32),
    )(samp, W_out.T, b_out)
    return out


def kernel(query, reference_points, value, value_spatial_shapes,
           value_level_start_index, W_value, b_value, W_off, b_off,
           W_attn, b_attn, W_out, b_out):
    return _run(query, reference_points, value, W_value, b_value,
                W_off, b_off, W_attn, b_attn, W_out, b_out)

# --- scband reference (transcript-rebuilt; emitter-appended) ---
"""Pipeline reference for scband-msdeformable-attention-75179107549552 (READ-ONLY COPY).

The authoritative reference and input builder live on the scoring server;
editing this copy changes nothing except your own understanding.
"""

import jax, jax.numpy as jnp
import numpy as np
import math

SS = ((64, 64), (32, 32), (16, 16), (8, 8))
BS = 4
LQ = 5440
D = 256
NH = 8
NL = 4
NP = 4
HD = D // NH
TP = NH * NL * NP


def setup_inputs(seed: int = 0):
    key = jax.random.key(seed)
    ks = jax.random.split(key, 10)
    query = jax.random.normal(ks[0], (BS, LQ, D), dtype=jnp.float32)
    reference_points = jax.random.uniform(ks[1], (BS, LQ, NL, 2), dtype=jnp.float32)
    value = jax.random.normal(ks[2], (BS, LQ, D), dtype=jnp.float32)
    value_spatial_shapes = jnp.array(SS, dtype=jnp.int32)
    value_level_start_index = jnp.array([0, 4096, 5120, 5376], dtype=jnp.int32)
    W_value = jax.random.normal(ks[3], (D, D), dtype=jnp.float32) * 0.02
    b_value = jnp.zeros((D,), dtype=jnp.float32)
    W_off = jax.random.normal(ks[4], (TP * 2, D), dtype=jnp.float32) * 0.02
    thetas = jnp.arange(NH, dtype=jnp.float32) * (2.0 * math.pi / NH)
    grid_init = jnp.stack([jnp.cos(thetas), jnp.sin(thetas)], -1)
    grid_init = grid_init / jnp.max(jnp.abs(grid_init), axis=-1, keepdims=True)
    grid_init = jnp.tile(grid_init.reshape(NH, 1, 1, 2), (1, NL, NP, 1))
    scaling = jnp.arange(1, NP + 1, dtype=jnp.float32).reshape(1, 1, -1, 1)
    b_off = (grid_init * scaling).reshape(-1)
    W_attn = jax.random.normal(ks[5], (TP, D), dtype=jnp.float32) * 0.02
    b_attn = jnp.zeros((TP,), dtype=jnp.float32)
    W_out = jax.random.normal(ks[6], (D, D), dtype=jnp.float32) * 0.02
    b_out = jnp.zeros((D,), dtype=jnp.float32)
    return {"query": query, "reference_points": reference_points, "value": value,
            "value_spatial_shapes": value_spatial_shapes,
            "value_level_start_index": value_level_start_index,
            "W_value": W_value, "b_value": b_value, "W_off": W_off, "b_off": b_off,
            "W_attn": W_attn, "b_attn": b_attn, "W_out": W_out, "b_out": b_out}


def grid_sample(img, grid):
    # img: [B, C, H, W]; grid: [B, Hg, Wg, 2] (x, y) in [-1, 1]
    # bilinear, padding_mode='zeros', align_corners=False
    B, C, H, W = img.shape
    Hg, Wg = grid.shape[1], grid.shape[2]
    x = ((grid[..., 0] + 1.0) * W - 1.0) / 2.0
    y = ((grid[..., 1] + 1.0) * H - 1.0) / 2.0
    x0 = jnp.floor(x)
    y0 = jnp.floor(y)
    x1 = x0 + 1.0
    y1 = y0 + 1.0
    wa = (x1 - x) * (y1 - y)
    wb = (x1 - x) * (y - y0)
    wc = (x - x0) * (y1 - y)
    wd = (x - x0) * (y - y0)
    imgf = img.reshape(B, C, H * W)

    def gather(xi, yi):
        valid = (xi >= 0) & (xi <= W - 1) & (yi >= 0) & (yi <= H - 1)
        xi_c = jnp.clip(xi, 0, W - 1).astype(jnp.int32)
        yi_c = jnp.clip(yi, 0, H - 1).astype(jnp.int32)
        idx = (yi_c * W + xi_c).reshape(B, 1, Hg * Wg)
        v = jnp.take_along_axis(imgf, jnp.broadcast_to(idx, (B, C, Hg * Wg)), axis=2)
        v = v.reshape(B, C, Hg, Wg)
        return v * valid.astype(img.dtype).reshape(B, 1, Hg, Wg)

    out = (gather(x0, y0) * wa[:, None] + gather(x0, y1) * wb[:, None]
           + gather(x1, y0) * wc[:, None] + gather(x1, y1) * wd[:, None])
    return out


def _forward(query, reference_points, value, W_value, b_value, W_off, b_off, W_attn, b_attn, W_out, b_out):
    bs, Len_q = query.shape[0], query.shape[1]
    Len_v = value.shape[1]
    v = jnp.matmul(value, W_value.T) + b_value
    v = v.reshape(bs, Len_v, NH, HD)
    off = (jnp.matmul(query, W_off.T) + b_off).reshape(bs, Len_q, NH, NL, NP, 2)
    aw = (jnp.matmul(query, W_attn.T) + b_attn).reshape(bs, Len_q, NH, NL * NP)
    aw = jax.nn.softmax(aw, axis=-1).reshape(bs, Len_q, NH, NL, NP)
    offset_normalizer = jnp.array([[w, h] for (h, w) in SS], dtype=jnp.float32).reshape(1, 1, 1, NL, 1, 2)
    loc = reference_points.reshape(bs, Len_q, 1, NL, 1, 2) + off / offset_normalizer
    grids = 2.0 * loc - 1.0
    outs = []
    start = 0
    for lev, (h, w) in enumerate(SS):
        vl = v[:, start:start + h * w]
        vl = jnp.transpose(vl, (0, 2, 3, 1)).reshape(bs * NH, HD, h, w)
        g = jnp.transpose(grids[:, :, :, lev], (0, 2, 1, 3, 4)).reshape(bs * NH, Len_q, NP, 2)
        outs.append(grid_sample(vl, g))
        start += h * w
    awr = jnp.transpose(aw, (0, 2, 1, 3, 4)).reshape(bs * NH, 1, Len_q, NL * NP)
    stacked = jnp.stack(outs, axis=-2).reshape(bs * NH, HD, Len_q, NL * NP)
    out = (stacked * awr).sum(-1).reshape(bs, NH * HD, Len_q)
    out = jnp.transpose(out, (0, 2, 1))
    return jnp.matmul(out, W_out.T) + b_out


def reference(query, reference_points, value, value_spatial_shapes, value_level_start_index,
              W_value, b_value, W_off, b_off, W_attn, b_attn, W_out, b_out):
    # value_spatial_shapes / value_level_start_index are static constants (SS) for this config
    return _forward(query, reference_points, value, W_value, b_value, W_off, b_off,
                    W_attn, b_attn, W_out, b_out)

if __name__ == "__main__":
    import jax
    _d = setup_inputs()
    print(jax.jit(kernel)(*tuple(_d.values())))

</pallas_src>

<mosaic_0001>
#map = affine_map<(d0, d1) -> (0)>
module attributes {stable_mosaic.version = 14 : i64} {
  func.func @_sc_sample(%arg0: i32, %arg1: i32, %arg2: memref<2959360xi32, #tpu.memory_space<hbm>>, %arg3: memref<11315200xi32, #tpu.memory_space<hbm>>, %arg4: memref<11315200xf32, #tpu.memory_space<hbm>>, %arg5: memref<5744640xf32, #tpu.memory_space<hbm>>, %arg6: memref<92480xi32, #tpu.memory_space<vmem>>, %arg7: memref<10400xi32, #tpu.memory_space<vmem>>, %arg8: memref<10400xf32, #tpu.memory_space<vmem>>, %arg9: memref<5280xf32, #tpu.memory_space<vmem>>) attributes {dimension_semantics = [#tpu.dimension_semantics<core_parallel>, #tpu.dimension_semantics<subcore_parallel>], iteration_bounds = array<i64: 2, 16>, scalar_prefetch = 0 : i64, scratch_operands = 4 : i64, tpu.core_type = #tpu.core_type<sc_vector_subcore>, window_params = [{transform_indices = #map}, {transform_indices = #map}, {transform_indices = #map}, {transform_indices = #map}]} {
    %mul3A = arith.constant 2 : i32
    %mul3A_0 = arith.muli %arg1, %mul3A : i32
    %add3A = arith.addi %mul3A_0, %arg0 : i32
    %mul3A_1 = arith.constant 92480 : i32
    %mul3A_2 = arith.muli %add3A, %mul3A_1 : i32
    "tpu.region"() ({
      %run_scoped3A = tpu.sem_alloc : memref<!tpu.dma_semaphore, #tpu.memory_space<semaphore_mem>>
      %dma_start3A = tpu.memref_slice %arg2[%mul3A_2] : memref<2959360xi32, #tpu.memory_space<hbm>> -> memref<92480xi32, #tpu.memory_space<hbm>>
      %dma_start3A_9 = tpu.memref_slice %arg2[%mul3A_2] : memref<2959360xi32, #tpu.memory_space<hbm>> -> memref<92480xi32, #tpu.memory_space<hbm>>
      tpu.enqueue_dma source(%dma_start3A_9 : memref<92480xi32, #tpu.memory_space<hbm>>) target(%arg6 : memref<92480xi32, #tpu.memory_space<vmem>>) target_semaphore(%run_scoped3A : memref<!tpu.dma_semaphore, #tpu.memory_space<semaphore_mem>>)
      %dma_wait3A = tpu.memref_slice %arg2[%mul3A_2] : memref<2959360xi32, #tpu.memory_space<hbm>> -> memref<92480xi32, #tpu.memory_space<hbm>>
      %dma_wait3A_10 = tpu.memref_slice %arg2[%mul3A_2] : memref<2959360xi32, #tpu.memory_space<hbm>> -> memref<92480xi32, #tpu.memory_space<hbm>>
      tpu.wait_dma2 semaphore(%run_scoped3A : memref<!tpu.dma_semaphore, #tpu.memory_space<semaphore_mem>>) src(%dma_wait3A_10 : memref<92480xi32, #tpu.memory_space<hbm>>) dst(%arg6 : memref<92480xi32, #tpu.memory_space<vmem>>)
      tpu.yield
    }) : () -> ()
    %iota3A = tpu.iota {dimensions = array<i32: 0>} : vector<16xi32>
    %scan3A = arith.constant 0 : i32
    %scan3A_3 = arith.constant 0 : i32
    %scan3A_4 = arith.constant 34 : i32
    %scan3A_5 = arith.addi %scan3A_3, %scan3A_4 : i32
    %scan3A_6 = arith.constant 1 : i32
    %scan3A_7 = scf.for %scan3A_9 = %scan3A_3 to %scan3A_5 step %scan3A_6 iter_args(%scan3A_10 = %scan3A) -> (i32)  : i32 {
      %mul3A_11 = arith.constant 160 : i32
      %mul3A_12 = arith.muli %scan3A_9, %mul3A_11 : i32
      %mul3A_13 = arith.constant 353600 : i32
      %mul3A_14 = arith.muli %add3A, %mul3A_13 : i32
      %mul3A_15 = arith.constant 65 : i32
      %mul3A_16 = arith.muli %mul3A_12, %mul3A_15 : i32
      %add3A_17 = arith.addi %mul3A_14, %mul3A_16 : i32
      "tpu.region"() ({
        %run_scoped3A = tpu.sem_alloc : memref<!tpu.dma_semaphore, #tpu.memory_space<semaphore_mem>>
        %dma_start3A = tpu.memref_slice %arg3[%add3A_17] : memref<11315200xi32, #tpu.memory_space<hbm>> -> memref<10400xi32, #tpu.memory_space<hbm>>
        %dma_start3A_31 = tpu.memref_slice %arg3[%add3A_17] : memref<11315200xi32, #tpu.memory_space<hbm>> -> memref<10400xi32, #tpu.memory_space<hbm>>
        tpu.enqueue_dma source(%dma_start3A_31 : memref<10400xi32, #tpu.memory_space<hbm>>) target(%arg7 : memref<10400xi32, #tpu.memory_space<vmem>>) target_semaphore(%run_scoped3A : memref<!tpu.dma_semaphore, #tpu.memory_space<semaphore_mem>>)
        %dma_wait3A = tpu.memref_slice %arg3[%add3A_17] : memref<11315200xi32, #tpu.memory_space<hbm>> -> memref<10400xi32, #tpu.memory_space<hbm>>
        %dma_wait3A_32 = tpu.memref_slice %arg3[%add3A_17] : memref<11315200xi32, #tpu.memory_space<hbm>> -> memref<10400xi32, #tpu.memory_space<hbm>>
        tpu.wait_dma2 semaphore(%run_scoped3A : memref<!tpu.dma_semaphore, #tpu.memory_space<semaphore_mem>>) src(%dma_wait3A_32 : memref<10400xi32, #tpu.memory_space<hbm>>) dst(%arg7 : memref<10400xi32, #tpu.memory_space<vmem>>)
        tpu.yield
      }) : () -> ()
      "tpu.region"() ({
        %run_scoped3A = tpu.sem_alloc : memref<!tpu.dma_semaphore, #tpu.memory_space<semaphore_mem>>
        %dma_start3A = tpu.memref_slice %arg4[%add3A_17] : memref<11315200xf32, #tpu.memory_space<hbm>> -> memref<10400xf32, #tpu.memory_space<hbm>>
        %dma_start3A_31 = tpu.memref_slice %arg4[%add3A_17] : memref<11315200xf32, #tpu.memory_space<hbm>> -> memref<10400xf32, #tpu.memory_space<hbm>>
        tpu.enqueue_dma source(%dma_start3A_31 : memref<10400xf32, #tpu.memory_space<hbm>>) target(%arg8 : memref<10400xf32, #tpu.memory_space<vmem>>) target_semaphore(%run_scoped3A : memref<!tpu.dma_semaphore, #tpu.memory_space<semaphore_mem>>)
        %dma_wait3A = tpu.memref_slice %arg4[%add3A_17] : memref<11315200xf32, #tpu.memory_space<hbm>> -> memref<10400xf32, #tpu.memory_space<hbm>>
        %dma_wait3A_32 = tpu.memref_slice %arg4[%add3A_17] : memref<11315200xf32, #tpu.memory_space<hbm>> -> memref<10400xf32, #tpu.memory_space<hbm>>
        tpu.wait_dma2 semaphore(%run_scoped3A : memref<!tpu.dma_semaphore, #tpu.memory_space<semaphore_mem>>) src(%dma_wait3A_32 : memref<10400xf32, #tpu.memory_space<hbm>>) dst(%arg8 : memref<10400xf32, #tpu.memory_space<vmem>>)
        tpu.yield
      }) : () -> ()
      %scan3A_18 = arith.constant 0 : i32
      %scan3A_19 = arith.constant 0 : i32
      %scan3A_20 = arith.constant 10 : i32
      %scan3A_21 = arith.addi %scan3A_19, %scan3A_20 : i32
      %scan3A_22 = arith.constant 1 : i32
      %scan3A_23 = scf.for %scan3A_31 = %scan3A_19 to %scan3A_21 step %scan3A_22 iter_args(%scan3A_32 = %scan3A_18) -> (i32)  : i32 {
        %mul3A_33 = arith.constant 16 : i32
        %mul3A_34 = arith.muli %scan3A_31, %mul3A_33 : i32
        %add3A_35 = vector.broadcast %mul3A_34 : i32 to vector<16xi32>
        %add3A_36 = arith.addi %add3A_35, %iota3A : vector<16xi32>
        %mul3A_37 = arith.constant 65 : i32
        %mul3A_38 = vector.broadcast %mul3A_37 : i32 to vector<16xi32>
        %mul3A_39 = arith.muli %add3A_36, %mul3A_38 : vector<16xi32>
        %mul3A_40 = arith.constant 33 : i32
        %mul3A_41 = vector.broadcast %mul3A_40 : i32 to vector<16xi32>
        %mul3A_42 = arith.muli %add3A_36, %mul3A_41 : vector<16xi32>
        %broadcast_in_dim3A = arith.constant 0.000000e+00 : f32
        %broadcast_in_dim3A_43 = vector.broadcast %broadcast_in_dim3A : f32 to vector<16xf32>
        %scan3A_44 = arith.constant 0 : i32
        %scan3A_45 = arith.constant 64 : i32
        %scan3A_46 = arith.addi %scan3A_44, %scan3A_45 : i32
        %scan3A_47 = arith.constant 1 : i32
        %scan3A_48:32 = scf.for %scan3A_147 = %scan3A_44 to %scan3A_46 step %scan3A_47 iter_args(%scan3A_148 = %broadcast_in_dim3A_43, %scan3A_149 = %broadcast_in_dim3A_43, %scan3A_150 = %broadcast_in_dim3A_43, %scan3A_151 = %broadcast_in_dim3A_43, %scan3A_152 = %broadcast_in_dim3A_43, %scan3A_153 = %broadcast_in_dim3A_43, %scan3A_154 = %broadcast_in_dim3A_43, %scan3A_155 = %broadcast_in_dim3A_43, %scan3A_156 = %broadcast_in_dim3A_43, %scan3A_157 = %broadcast_in_dim3A_43, %scan3A_158 = %broadcast_in_dim3A_43, %scan3A_159 = %broadcast_in_dim3A_43, %scan3A_160 = %broadcast_in_dim3A_43, %scan3A_161 = %broadcast_in_dim3A_43, %scan3A_162 = %broadcast_in_dim3A_43, %scan3A_163 = %broadcast_in_dim3A_43, %scan3A_164 = %broadcast_in_dim3A_43, %scan3A_165 = %broadcast_in_dim3A_43, %scan3A_166 = %broadcast_in_dim3A_43, %scan3A_167 = %broadcast_in_dim3A_43, %scan3A_168 = %broadcast_in_dim3A_43, %scan3A_169 = %broadcast_in_dim3A_43, %scan3A_170 = %broadcast_in_dim3A_43, %scan3A_171 = %broadcast_in_dim3A_43, %scan3A_172 = %broadcast_in_dim3A_43, %scan3A_173 = %broadcast_in_dim3A_43, %scan3A_174 = %broadcast_in_dim3A_43, %scan3A_175 = %broadcast_in_dim3A_43, %scan3A_176 = %broadcast_in_dim3A_43, %scan3A_177 = %broadcast_in_dim3A_43, %scan3A_178 = %broadcast_in_dim3A_43, %scan3A_179 = %broadcast_in_dim3A_43) -> (vector<16xf32>, vector<16xf32>, vector<16xf32>, vector<16xf32>, vector<16xf32>, vector<16xf32>, vector<16xf32>, vector<16xf32>, vector<16xf32>, vector<16xf32>, vector<16xf32>, vector<16xf32>, vector<16xf32>, vector<16xf32>, vector<16xf32>, vector<16xf32>, vector<16xf32>, vector<16xf32>, vector<16xf32>, vector<16xf32>, vector<16xf32>, vector<16xf32>, vector<16xf32>, vector<16xf32>, vector<16xf32>, vector<16xf32>, vector<16xf32>, vector<16xf32>, vector<16xf32>, vector<16xf32>, vector<16xf32>, vector<16xf32>)  : i32 {
          %add3A_180 = vector.broadcast %scan3A_147 : i32 to vector<16xi32>
          %add3A_181 = arith.addi %mul3A_39, %add3A_180 : vector<16xi32>
          %gather3A = tpu.vector_load_idx %arg7[%add3A_181] : memref<10400xi32, #tpu.memory_space<vmem>>[vector<16xi32>], vector<16xi32>,
          %gather3A_182 = tpu.vector_load_idx %arg8[%add3A_181] : memref<10400xf32, #tpu.memory_space<vmem>>[vector<16xi32>], vector<16xf32>,
          %pack3A = tpu.pack_subelements %gather3A_182, %gather3A_182 {pack_format = #tpu.pack_format<interleaved>, positions = array<i32: 0, 1>} : vector<16xf32>, vector<16xf32> -> vector<32xbf16>
          %add3A_183 = arith.constant 0 : i32
          %add3A_184 = vector.broadcast %add3A_183 : i32 to vector<16xi32>
          %add3A_185 = arith.addi %gather3A, %add3A_184 : vector<16xi32>
          %gather3A_186 = tpu.vector_load_idx %arg6[%add3A_185] : memref<92480xi32, #tpu.memory_space<vmem>>[vector<16xi32>], vector<16xi32>,
          %bitcast3A = vector.bitcast %gather3A_186 : vector<16xi32> to vector<32xbf16>
          %mul3A_187 = arith.mulf %bitcast3A, %pack3A : vector<32xbf16>
          %unpack3A = tpu.unpack_subelements %mul3A_187, 0 {pack_format = #tpu.pack_format<interleaved>} : vector<32xbf16> -> vector<16xf32>
          %unpack3A_188 = tpu.unpack_subelements %mul3A_187, 1 {pack_format = #tpu.pack_format<interleaved>} : vector<32xbf16> -> vector<16xf32>
          %add3A_189 = arith.addf %scan3A_148, %unpack3A : vector<16xf32>
          %add3A_190 = arith.addf %scan3A_149, %unpack3A_188 : vector<16xf32>
          %add3A_191 = arith.constant 1 : i32
          %add3A_192 = vector.broadcast %add3A_191 : i32 to vector<16xi32>
          %add3A_193 = arith.addi %gather3A, %add3A_192 : vector<16xi32>
          %gather3A_194 = tpu.vector_load_idx %arg6[%add3A_193] : memref<92480xi32, #tpu.memory_space<vmem>>[vector<16xi32>], vector<16xi32>,
          %bitcast3A_195 = vector.bitcast %gather3A_194 : vector<16xi32> to vector<32xbf16>
          %mul3A_196 = arith.mulf %bitcast3A_195, %pack3A : vector<32xbf16>
          %unpack3A_197 = tpu.unpack_subelements %mul3A_196, 0 {pack_format = #tpu.pack_format<interleaved>} : vector<32xbf16> -> vector<16xf32>
          %unpack3A_198 = tpu.unpack_subelements %mul3A_196, 1 {pack_format = #tpu.pack_format<interleaved>} : vector<32xbf16> -> vector<16xf32>
          %add3A_199 = arith.addf %scan3A_150, %unpack3A_197 : vector<16xf32>
          %add3A_200 = arith.addf %scan3A_151, %unpack3A_198 : vector<16xf32>
          %add3A_201 = arith.constant 2 : i32
          %add3A_202 = vector.broadcast %add3A_201 : i32 to vector<16xi32>
          %add3A_203 = arith.addi %gather3A, %add3A_202 : vector<16xi32>
          %gather3A_204 = tpu.vector_load_idx %arg6[%add3A_203] : memref<92480xi32, #tpu.memory_space<vmem>>[vector<16xi32>], vector<16xi32>,
          %bitcast3A_205 = vector.bitcast %gather3A_204 : vector<16xi32> to vector<32xbf16>
          %mul3A_206 = arith.mulf %bitcast3A_205, %pack3A : vector<32xbf16>
          %unpack3A_207 = tpu.unpack_subelements %mul3A_206, 0 {pack_format = #tpu.pack_format<interleaved>} : vector<32xbf16> -> vector<16xf32>
          %unpack3A_208 = tpu.unpack_subelements %mul3A_206, 1 {pack_format = #tpu.pack_format<interleaved>} : vector<32xbf16> -> vector<16xf32>
          %add3A_209 = arith.addf %scan3A_152, %unpack3A_207 : vector<16xf32>
          %add3A_210 = arith.addf %scan3A_153, %unpack3A_208 : vector<16xf32>
          %add3A_211 = arith.constant 3 : i32
          %add3A_212 = vector.broadcast %add3A_211 : i32 to vector<16xi32>
          %add3A_213 = arith.addi %gather3A, %add3A_212 : vector<16xi32>
          %gather3A_214 = tpu.vector_load_idx %arg6[%add3A_213] : memref<92480xi32, #tpu.memory_space<vmem>>[vector<16xi32>], vector<16xi32>,
          %bitcast3A_215 = vector.bitcast %gather3A_214 : vector<16xi32> to vector<32xbf16>
          %mul3A_216 = arith.mulf %bitcast3A_215, %pack3A : vector<32xbf16>
          %unpack3A_217 = tpu.unpack_subelements %mul3A_216, 0 {pack_format = #tpu.pack_format<interleaved>} : vector<32xbf16> -> vector<16xf32>
          %unpack3A_218 = tpu.unpack_subelements %mul3A_216, 1 {pack_format = #tpu.pack_format<interleaved>} : vector<32xbf16> -> vector<16xf32>
          %add3A_219 = arith.addf %scan3A_154, %unpack3A_217 : vector<16xf32>
          %add3A_220 = arith.addf %scan3A_155, %unpack3A_218 : vector<16xf32>
          %add3A_221 = arith.constant 4 : i32
          %add3A_222 = vector.broadcast %add3A_221 : i32 to vector<16xi32>
          %add3A_223 = arith.addi %gather3A, %add3A_222 : vector<16xi32>
          %gather3A_224 = tpu.vector_load_idx %arg6[%add3A_223] : memref<92480xi32, #tpu.memory_space<vmem>>[vector<16xi32>], vector<16xi32>,
          %bitcast3A_225 = vector.bitcast %gather3A_224 : vector<16xi32> to vector<32xbf16>
          %mul3A_226 = arith.mulf %bitcast3A_225, %pack3A : vector<32xbf16>
          %unpack3A_227 = tpu.unpack_subelements %mul3A_226, 0 {pack_format = #tpu.pack_format<interleaved>} : vector<32xbf16> -> vector<16xf32>
          %unpack3A_228 = tpu.unpack_subelements %mul3A_226, 1 {pack_format = #tpu.pack_format<interleaved>} : vector<32xbf16> -> vector<16xf32>
          %add3A_229 = arith.addf %scan3A_156, %unpack3A_227 : vector<16xf32>
          %add3A_230 = arith.addf %scan3A_157, %unpack3A_228 : vector<16xf32>
          %add3A_231 = arith.constant 5 : i32
          %add3A_232 = vector.broadcast %add3A_231 : i32 to vector<16xi32>
          %add3A_233 = arith.addi %gather3A, %add3A_232 : vector<16xi32>
          %gather3A_234 = tpu.vector_load_idx %arg6[%add3A_233] : memref<92480xi32, #tpu.memory_space<vmem>>[vector<16xi32>], vector<16xi32>,
          %bitcast3A_235 = vector.bitcast %gather3A_234 : vector<16xi32> to vector<32xbf16>
          %mul3A_236 = arith.mulf %bitcast3A_235, %pack3A : vector<32xbf16>
          %unpack3A_237 = tpu.unpack_subelements %mul3A_236, 0 {pack_format = #tpu.pack_format<interleaved>} : vector<32xbf16> -> vector<16xf32>
          %unpack3A_238 = tpu.unpack_subelements %mul3A_236, 1 {pack_format = #tpu.pack_format<interleaved>} : vector<32xbf16> -> vector<16xf32>
          %add3A_239 = arith.addf %scan3A_158, %unpack3A_237 : vector<16xf32>
          %add3A_240 = arith.addf %scan3A_159, %unpack3A_238 : vector<16xf32>
          %add3A_241 = arith.constant 6 : i32
          %add3A_242 = vector.broadcast %add3A_241 : i32 to vector<16xi32>
          %add3A_243 = arith.addi %gather3A, %add3A_242 : vector<16xi32>
          %gather3A_244 = tpu.vector_load_idx %arg6[%add3A_243] : memref<92480xi32, #tpu.memory_space<vmem>>[vector<16xi32>], vector<16xi32>,
          %bitcast3A_245 = vector.bitcast %gather3A_244 : vector<16xi32> to vector<32xbf16>
          %mul3A_246 = arith.mulf %bitcast3A_245, %pack3A : vector<32xbf16>
          %unpack3A_247 = tpu.unpack_subelements %mul3A_246, 0 {pack_format = #tpu.pack_format<interleaved>} : vector<32xbf16> -> vector<16xf32>
          %unpack3A_248 = tpu.unpack_subelements %mul3A_246, 1 {pack_format = #tpu.pack_format<interleaved>} : vector<32xbf16> -> vector<16xf32>
          %add3A_249 = arith.addf %scan3A_160, %unpack3A_247 : vector<16xf32>
          %add3A_250 = arith.addf %scan3A_161, %unpack3A_248 : vector<16xf32>
          %add3A_251 = arith.constant 7 : i32
          %add3A_252 = vector.broadcast %add3A_251 : i32 to vector<16xi32>
          %add3A_253 = arith.addi %gather3A, %add3A_252 : vector<16xi32>
          %gather3A_254 = tpu.vector_load_idx %arg6[%add3A_253] : memref<92480xi32, #tpu.memory_space<vmem>>[vector<16xi32>], vector<16xi32>,
          %bitcast3A_255 = vector.bitcast %gather3A_254 : vector<16xi32> to vector<32xbf16>
          %mul3A_256 = arith.mulf %bitcast3A_255, %pack3A : vector<32xbf16>
          %unpack3A_257 = tpu.unpack_subelements %mul3A_256, 0 {pack_format = #tpu.pack_format<interleaved>} : vector<32xbf16> -> vector<16xf32>
          %unpack3A_258 = tpu.unpack_subelements %mul3A_256, 1 {pack_format = #tpu.pack_format<interleaved>} : vector<32xbf16> -> vector<16xf32>
          %add3A_259 = arith.addf %scan3A_162, %unpack3A_257 : vector<16xf32>
          %add3A_260 = arith.addf %scan3A_163, %unpack3A_258 : vector<16xf32>
          %add3A_261 = arith.constant 8 : i32
          %add3A_262 = vector.broadcast %add3A_261 : i32 to vector<16xi32>
          %add3A_263 = arith.addi %gather3A, %add3A_262 : vector<16xi32>
          %gather3A_264 = tpu.vector_load_idx %arg6[%add3A_263] : memref<92480xi32, #tpu.memory_space<vmem>>[vector<16xi32>], vector<16xi32>,
          %bitcast3A_265 = vector.bitcast %gather3A_264 : vector<16xi32> to vector<32xbf16>
          %mul3A_266 = arith.mulf %bitcast3A_265, %pack3A : vector<32xbf16>
          %unpack3A_267 = tpu.unpack_subelements %mul3A_266, 0 {pack_format = #tpu.pack_format<interleaved>} : vector<32xbf16> -> vector<16xf32>
          %unpack3A_268 = tpu.unpack_subelements %mul3A_266, 1 {pack_format = #tpu.pack_format<interleaved>} : vector<32xbf16> -> vector<16xf32>
          %add3A_269 = arith.addf %scan3A_164, %unpack3A_267 : vector<16xf32>
          %add3A_270 = arith.addf %scan3A_165, %unpack3A_268 : vector<16xf32>
          %add3A_271 = arith.constant 9 : i32
          %add3A_272 = vector.broadcast %add3A_271 : i32 to vector<16xi32>
          %add3A_273 = arith.addi %gather3A, %add3A_272 : vector<16xi32>
          %gather3A_274 = tpu.vector_load_idx %arg6[%add3A_273] : memref<92480xi32, #tpu.memory_space<vmem>>[vector<16xi32>], vector<16xi32>,
          %bitcast3A_275 = vector.bitcast %gather3A_274 : vector<16xi32> to vector<32xbf16>
          %mul3A_276 = arith.mulf %bitcast3A_275, %pack3A : vector<32xbf16>
          %unpack3A_277 = tpu.unpack_subelements %mul3A_276, 0 {pack_format = #tpu.pack_format<interleaved>} : vector<32xbf16> -> vector<16xf32>
          %unpack3A_278 = tpu.unpack_subelements %mul3A_276, 1 {pack_format = #tpu.pack_format<interleaved>} : vector<32xbf16> -> vector<16xf32>
          %add3A_279 = arith.addf %scan3A_166, %unpack3A_277 : vector<16xf32>
          %add3A_280 = arith.addf %scan3A_167, %unpack3A_278 : vector<16xf32>
          %add3A_281 = arith.constant 10 : i32
          %add3A_282 = vector.broadcast %add3A_281 : i32 to vector<16xi32>
          %add3A_283 = arith.addi %gather3A, %add3A_282 : vector<16xi32>
          %gather3A_284 = tpu.vector_load_idx %arg6[%add3A_283] : memref<92480xi32, #tpu.memory_space<vmem>>[vector<16xi32>], vector<16xi32>,
          %bitcast3A_285 = vector.bitcast %gather3A_284 : vector<16xi32> to vector<32xbf16>
          %mul3A_286 = arith.mulf %bitcast3A_285, %pack3A : vector<32xbf16>
          %unpack3A_287 = tpu.unpack_subelements %mul3A_286, 0 {pack_format = #tpu.pack_format<interleaved>} : vector<32xbf16> -> vector<16xf32>
          %unpack3A_288 = tpu.unpack_subelements %mul3A_286, 1 {pack_format = #tpu.pack_format<interleaved>} : vector<32xbf16> -> vector<16xf32>
          %add3A_289 = arith.addf %scan3A_168, %unpack3A_287 : vector<16xf32>
          %add3A_290 = arith.addf %scan3A_169, %unpack3A_288 : vector<16xf32>
          %add3A_291 = arith.constant 11 : i32
          %add3A_292 = vector.broadcast %add3A_291 : i32 to vector<16xi32>
          %add3A_293 = arith.addi %gather3A, %add3A_292 : vector<16xi32>
          %gather3A_294 = tpu.vector_load_idx %arg6[%add3A_293] : memref<92480xi32, #tpu.memory_space<vmem>>[vector<16xi32>], vector<16xi32>,
          %bitcast3A_295 = vector.bitcast %gather3A_294 : vector<16xi32> to vector<32xbf16>
          %mul3A_296 = arith.mulf %bitcast3A_295, %pack3A : vector<32xbf16>
          %unpack3A_297 = tpu.unpack_subelements %mul3A_296, 0 {pack_format = #tpu.pack_format<interleaved>} : vector<32xbf16> -> vector<16xf32>
          %unpack3A_298 = tpu.unpack_subelements %mul3A_296, 1 {pack_format = #tpu.pack_format<interleaved>} : vector<32xbf16> -> vector<16xf32>
          %add3A_299 = arith.addf %scan3A_170, %unpack3A_297 : vector<16xf32>
          %add3A_300 = arith.addf %scan3A_171, %unpack3A_298 : vector<16xf32>
          %add3A_301 = arith.constant 12 : i32
          %add3A_302 = vector.broadcast %add3A_301 : i32 to vector<16xi32>
          %add3A_303 = arith.addi %gather3A, %add3A_302 : vector<16xi32>
          %gather3A_304 = tpu.vector_load_idx %arg6[%add3A_303] : memref<92480xi32, #tpu.memory_space<vmem>>[vector<16xi32>], vector<16xi32>,
          %bitcast3A_305 = vector.bitcast %gather3A_304 : vector<16xi32> to vector<32xbf16>
          %mul3A_306 = arith.mulf %bitcast3A_305, %pack3A : vector<32xbf16>
          %unpack3A_307 = tpu.unpack_subelements %mul3A_306, 0 {pack_format = #tpu.pack_format<interleaved>} : vector<32xbf16> -> vector<16xf32>
          %unpack3A_308 = tpu.unpack_subelements %mul3A_306, 1 {pack_format = #tpu.pack_format<interleaved>} : vector<32xbf16> -> vector<16xf32>
          %add3A_309 = arith.addf %scan3A_172, %unpack3A_307 : vector<16xf32>
          %add3A_310 = arith.addf %scan3A_173, %unpack3A_308 : vector<16xf32>
          %add3A_311 = arith.constant 13 : i32
          %add3A_312 = vector.broadcast %add3A_311 : i32 to vector<16xi32>
          %add3A_313 = arith.addi %gather3A, %add3A_312 : vector<16xi32>
          %gather3A_314 = tpu.vector_load_idx %arg6[%add3A_313] : memref<92480xi32, #tpu.memory_space<vmem>>[vector<16xi32>], vector<16xi32>,
          %bitcast3A_315 = vector.bitcast %gather3A_314 : vector<16xi32> to vector<32xbf16>
          %mul3A_316 = arith.mulf %bitcast3A_315, %pack3A : vector<32xbf16>
          %unpack3A_317 = tpu.unpack_subelements %mul3A_316, 0 {pack_format = #tpu.pack_format<interleaved>} : vector<32xbf16> -> vector<16xf32>
          %unpack3A_318 = tpu.unpack_subelements %mul3A_316, 1 {pack_format = #tpu.pack_format<interleaved>} : vector<32xbf16> -> vector<16xf32>
          %add3A_319 = arith.addf %scan3A_174, %unpack3A_317 : vector<16xf32>
          %add3A_320 = arith.addf %scan3A_175, %unpack3A_318 : vector<16xf32>
          %add3A_321 = arith.constant 14 : i32
          %add3A_322 = vector.broadcast %add3A_321 : i32 to vector<16xi32>
          %add3A_323 = arith.addi %gather3A, %add3A_322 : vector<16xi32>
          %gather3A_324 = tpu.vector_load_idx %arg6[%add3A_323] : memref<92480xi32, #tpu.memory_space<vmem>>[vector<16xi32>], vector<16xi32>,
          %bitcast3A_325 = vector.bitcast %gather3A_324 : vector<16xi32> to vector<32xbf16>
          %mul3A_326 = arith.mulf %bitcast3A_325, %pack3A : vector<32xbf16>
          %unpack3A_327 = tpu.unpack_subelements %mul3A_326, 0 {pack_format = #tpu.pack_format<interleaved>} : vector<32xbf16> -> vector<16xf32>
          %unpack3A_328 = tpu.unpack_subelements %mul3A_326, 1 {pack_format = #tpu.pack_format<interleaved>} : vector<32xbf16> -> vector<16xf32>
          %add3A_329 = arith.addf %scan3A_176, %unpack3A_327 : vector<16xf32>
          %add3A_330 = arith.addf %scan3A_177, %unpack3A_328 : vector<16xf32>
          %add3A_331 = arith.constant 15 : i32
          %add3A_332 = vector.broadcast %add3A_331 : i32 to vector<16xi32>
          %add3A_333 = arith.addi %gather3A, %add3A_332 : vector<16xi32>
          %gather3A_334 = tpu.vector_load_idx %arg6[%add3A_333] : memref<92480xi32, #tpu.memory_space<vmem>>[vector<16xi32>], vector<16xi32>,
          %bitcast3A_335 = vector.bitcast %gather3A_334 : vector<16xi32> to vector<32xbf16>
          %mul3A_336 = arith.mulf %bitcast3A_335, %pack3A : vector<32xbf16>
          %unpack3A_337 = tpu.unpack_subelements %mul3A_336, 0 {pack_format = #tpu.pack_format<interleaved>} : vector<32xbf16> -> vector<16xf32>
          %unpack3A_338 = tpu.unpack_subelements %mul3A_336, 1 {pack_format = #tpu.pack_format<interleaved>} : vector<32xbf16> -> vector<16xf32>
          %add3A_339 = arith.addf %scan3A_178, %unpack3A_337 : vector<16xf32>
          %add3A_340 = arith.addf %scan3A_179, %unpack3A_338 : vector<16xf32>
          scf.yield %add3A_189, %add3A_190, %add3A_199, %add3A_200, %add3A_209, %add3A_210, %add3A_219, %add3A_220, %add3A_229, %add3A_230, %add3A_239, %add3A_240, %add3A_249, %add3A_250, %add3A_259, %add3A_260, %add3A_269, %add3A_270, %add3A_279, %add3A_280, %add3A_289, %add3A_290, %add3A_299, %add3A_300, %add3A_309, %add3A_310, %add3A_319, %add3A_320, %add3A_329, %add3A_330, %add3A_339, %add3A_340 : vector<16xf32>, vector<16xf32>, vector<16xf32>, vector<16xf32>, vector<16xf32>, vector<16xf32>, vector<16xf32>, vector<16xf32>, vector<16xf32>, vector<16xf32>, vector<16xf32>, vector<16xf32>, vector<16xf32>, vector<16xf32>, vector<16xf32>, vector<16xf32>, vector<16xf32>, vector<16xf32>, vector<16xf32>, vector<16xf32>, vector<16xf32>, vector<16xf32>, vector<16xf32>, vector<16xf32>, vector<16xf32>, vector<16xf32>, vector<16xf32>, vector<16xf32>, vector<16xf32>, vector<16xf32>, vector<16xf32>, vector<16xf32>
        }
        %scan3A_49 = arith.constant 64 : i32
        %add3A_50 = arith.constant 0 : i32
        %add3A_51 = vector.broadcast %add3A_50 : i32 to vector<16xi32>
        %add3A_52 = arith.addi %mul3A_42, %add3A_51 : vector<16xi32>
        tpu.vector_store_idx %arg9[%add3A_52], %scan3A_48#0 : memref<5280xf32, #tpu.memory_space<vmem>>[vector<16xi32>], vector<16xf32>,
        %add3A_53 = arith.constant 1 : i32
        %add3A_54 = vector.broadcast %add3A_53 : i32 to vector<16xi32>
        %add3A_55 = arith.addi %mul3A_42, %add3A_54 : vector<16xi32>
        tpu.vector_store_idx %arg9[%add3A_55], %scan3A_48#1 : memref<5280xf32, #tpu.memory_space<vmem>>[vector<16xi32>], vector<16xf32>,
        %add3A_56 = arith.constant 2 : i32
        %add3A_57 = vector.broadcast %add3A_56 : i32 to vector<16xi32>
        %add3A_58 = arith.addi %mul3A_42, %add3A_57 : vector<16xi32>
        tpu.vector_store_idx %arg9[%add3A_58], %scan3A_48#2 : memref<5280xf32, #tpu.memory_space<vmem>>[vector<16xi32>], vector<16xf32>,
        %add3A_59 = arith.constant 3 : i32
        %add3A_60 = vector.broadcast %add3A_59 : i32 to vector<16xi32>
        %add3A_61 = arith.addi %mul3A_42, %add3A_60 : vector<16xi32>
        tpu.vector_store_idx %arg9[%add3A_61], %scan3A_48#3 : memref<5280xf32, #tpu.memory_space<vmem>>[vector<16xi32>], vector<16xf32>,
        %add3A_62 = arith.constant 4 : i32
        %add3A_63 = vector.broadcast %add3A_62 : i32 to vector<16xi32>
        %add3A_64 = arith.addi %mul3A_42, %add3A_63 : vector<16xi32>
        tpu.vector_store_idx %arg9[%add3A_64], %scan3A_48#4 : memref<5280xf32, #tpu.memory_space<vmem>>[vector<16xi32>], vector<16xf32>,
        %add3A_65 = arith.constant 5 : i32
        %add3A_66 = vector.broadcast %add3A_65 : i32 to vector<16xi32>
        %add3A_67 = arith.addi %mul3A_42, %add3A_66 : vector<16xi32>
        tpu.vector_store_idx %arg9[%add3A_67], %scan3A_48#5 : memref<5280xf32, #tpu.memory_space<vmem>>[vector<16xi32>], vector<16xf32>,
        %add3A_68 = arith.constant 6 : i32
        %add3A_69 = vector.broadcast %add3A_68 : i32 to vector<16xi32>
        %add3A_70 = arith.addi %mul3A_42, %add3A_69 : vector<16xi32>
        tpu.vector_store_idx %arg9[%add3A_70], %scan3A_48#6 : memref<5280xf32, #tpu.memory_space<vmem>>[vector<16xi32>], vector<16xf32>,
        %add3A_71 = arith.constant 7 : i32
        %add3A_72 = vector.broadcast %add3A_71 : i32 to vector<16xi32>
        %add3A_73 = arith.addi %mul3A_42, %add3A_72 : vector<16xi32>
        tpu.vector_store_idx %arg9[%add3A_73], %scan3A_48#7 : memref<5280xf32, #tpu.memory_space<vmem>>[vector<16xi32>], vector<16xf32>,
        %add3A_74 = arith.constant 8 : i32
        %add3A_75 = vector.broadcast %add3A_74 : i32 to vector<16xi32>
        %add3A_76 = arith.addi %mul3A_42, %add3A_75 : vector<16xi32>
        tpu.vector_store_idx %arg9[%add3A_76], %scan3A_48#8 : memref<5280xf32, #tpu.memory_space<vmem>>[vector<16xi32>], vector<16xf32>,
        %add3A_77 = arith.constant 9 : i32
        %add3A_78 = vector.broadcast %add3A_77 : i32 to vector<16xi32>
        %add3A_79 = arith.addi %mul3A_42, %add3A_78 : vector<16xi32>
        tpu.vector_store_idx %arg9[%add3A_79], %scan3A_48#9 : memref<5280xf32, #tpu.memory_space<vmem>>[vector<16xi32>], vector<16xf32>,
        %add3A_80 = arith.constant 10 : i32
        %add3A_81 = vector.broadcast %add3A_80 : i32 to vector<16xi32>
        %add3A_82 = arith.addi %mul3A_42, %add3A_81 : vector<16xi32>
        tpu.vector_store_idx %arg9[%add3A_82], %scan3A_48#10 : memref<5280xf32, #tpu.memory_space<vmem>>[vector<16xi32>], vector<16xf32>,
        %add3A_83 = arith.constant 11 : i32
        %add3A_84 = vector.broadcast %add3A_83 : i32 to vector<16xi32>
        %add3A_85 = arith.addi %mul3A_42, %add3A_84 : vector<16xi32>
        tpu.vector_store_idx %arg9[%add3A_85], %scan3A_48#11 : memref<5280xf32, #tpu.memory_space<vmem>>[vector<16xi32>], vector<16xf32>,
        %add3A_86 = arith.constant 12 : i32
        %add3A_87 = vector.broadcast %add3A_86 : i32 to vector<16xi32>
        %add3A_88 = arith.addi %mul3A_42, %add3A_87 : vector<16xi32>
        tpu.vector_store_idx %arg9[%add3A_88], %scan3A_48#12 : memref<5280xf32, #tpu.memory_space<vmem>>[vector<16xi32>], vector<16xf32>,
        %add3A_89 = arith.constant 13 : i32
        %add3A_90 = vector.broadcast %add3A_89 : i32 to vector<16xi32>
        %add3A_91 = arith.addi %mul3A_42, %add3A_90 : vector<16xi32>
        tpu.vector_store_idx %arg9[%add3A_91], %scan3A_48#13 : memref<5280xf32, #tpu.memory_space<vmem>>[vector<16xi32>], vector<16xf32>,
        %add3A_92 = arith.constant 14 : i32
        %add3A_93 = vector.broadcast %add3A_92 : i32 to vector<16xi32>
        %add3A_94 = arith.addi %mul3A_42, %add3A_93 : vector<16xi32>
        tpu.vector_store_idx %arg9[%add3A_94], %scan3A_48#14 : memref<5280xf32, #tpu.memory_space<vmem>>[vector<16xi32>], vector<16xf32>,
        %add3A_95 = arith.constant 15 : i32
        %add3A_96 = vector.broadcast %add3A_95 : i32 to vector<16xi32>
        %add3A_97 = arith.addi %mul3A_42, %add3A_96 : vector<16xi32>
        tpu.vector_store_idx %arg9[%add3A_97], %scan3A_48#15 : memref<5280xf32, #tpu.memory_space<vmem>>[vector<16xi32>], vector<16xf32>,
        %add3A_98 = arith.constant 16 : i32
        %add3A_99 = vector.broadcast %add3A_98 : i32 to vector<16xi32>
        %add3A_100 = arith.addi %mul3A_42, %add3A_99 : vector<16xi32>
        tpu.vector_store_idx %arg9[%add3A_100], %scan3A_48#16 : memref<5280xf32, #tpu.memory_space<vmem>>[vector<16xi32>], vector<16xf32>,
        %add3A_101 = arith.constant 17 : i32
        %add3A_102 = vector.broadcast %add3A_101 : i32 to vector<16xi32>
        %add3A_103 = arith.addi %mul3A_42, %add3A_102 : vector<16xi32>
        tpu.vector_store_idx %arg9[%add3A_103], %scan3A_48#17 : memref<5280xf32, #tpu.memory_space<vmem>>[vector<16xi32>], vector<16xf32>,
        %add3A_104 = arith.constant 18 : i32
        %add3A_105 = vector.broadcast %add3A_104 : i32 to vector<16xi32>
        %add3A_106 = arith.addi %mul3A_42, %add3A_105 : vector<16xi32>
        tpu.vector_store_idx %arg9[%add3A_106], %scan3A_48#18 : memref<5280xf32, #tpu.memory_space<vmem>>[vector<16xi32>], vector<16xf32>,
        %add3A_107 = arith.constant 19 : i32
        %add3A_108 = vector.broadcast %add3A_107 : i32 to vector<16xi32>
        %add3A_109 = arith.addi %mul3A_42, %add3A_108 : vector<16xi32>
        tpu.vector_store_idx %arg9[%add3A_109], %scan3A_48#19 : memref<5280xf32, #tpu.memory_space<vmem>>[vector<16xi32>], vector<16xf32>,
        %add3A_110 = arith.constant 20 : i32
        %add3A_111 = vector.broadcast %add3A_110 : i32 to vector<16xi32>
        %add3A_112 = arith.addi %mul3A_42, %add3A_111 : vector<16xi32>
        tpu.vector_store_idx %arg9[%add3A_112], %scan3A_48#20 : memref<5280xf32, #tpu.memory_space<vmem>>[vector<16xi32>], vector<16xf32>,
        %add3A_113 = arith.constant 21 : i32
        %add3A_114 = vector.broadcast %add3A_113 : i32 to vector<16xi32>
        %add3A_115 = arith.addi %mul3A_42, %add3A_114 : vector<16xi32>
        tpu.vector_store_idx %arg9[%add3A_115], %scan3A_48#21 : memref<5280xf32, #tpu.memory_space<vmem>>[vector<16xi32>], vector<16xf32>,
        %add3A_116 = arith.constant 22 : i32
        %add3A_117 = vector.broadcast %add3A_116 : i32 to vector<16xi32>
        %add3A_118 = arith.addi %mul3A_42, %add3A_117 : vector<16xi32>
        tpu.vector_store_idx %arg9[%add3A_118], %scan3A_48#22 : memref<5280xf32, #tpu.memory_space<vmem>>[vector<16xi32>], vector<16xf32>,
        %add3A_119 = arith.constant 23 : i32
        %add3A_120 = vector.broadcast %add3A_119 : i32 to vector<16xi32>
        %add3A_121 = arith.addi %mul3A_42, %add3A_120 : vector<16xi32>
        tpu.vector_store_idx %arg9[%add3A_121], %scan3A_48#23 : memref<5280xf32, #tpu.memory_space<vmem>>[vector<16xi32>], vector<16xf32>,
        %add3A_122 = arith.constant 24 : i32
        %add3A_123 = vector.broadcast %add3A_122 : i32 to vector<16xi32>
        %add3A_124 = arith.addi %mul3A_42, %add3A_123 : vector<16xi32>
        tpu.vector_store_idx %arg9[%add3A_124], %scan3A_48#24 : memref<5280xf32, #tpu.memory_space<vmem>>[vector<16xi32>], vector<16xf32>,
        %add3A_125 = arith.constant 25 : i32
        %add3A_126 = vector.broadcast %add3A_125 : i32 to vector<16xi32>
        %add3A_127 = arith.addi %mul3A_42, %add3A_126 : vector<16xi32>
        tpu.vector_store_idx %arg9[%add3A_127], %scan3A_48#25 : memref<5280xf32, #tpu.memory_space<vmem>>[vector<16xi32>], vector<16xf32>,
        %add3A_128 = arith.constant 26 : i32
        %add3A_129 = vector.broadcast %add3A_128 : i32 to vector<16xi32>
        %add3A_130 = arith.addi %mul3A_42, %add3A_129 : vector<16xi32>
        tpu.vector_store_idx %arg9[%add3A_130], %scan3A_48#26 : memref<5280xf32, #tpu.memory_space<vmem>>[vector<16xi32>], vector<16xf32>,
        %add3A_131 = arith.constant 27 : i32
        %add3A_132 = vector.broadcast %add3A_131 : i32 to vector<16xi32>
        %add3A_133 = arith.addi %mul3A_42, %add3A_132 : vector<16xi32>
        tpu.vector_store_idx %arg9[%add3A_133], %scan3A_48#27 : memref<5280xf32, #tpu.memory_space<vmem>>[vector<16xi32>], vector<16xf32>,
        %add3A_134 = arith.constant 28 : i32
        %add3A_135 = vector.broadcast %add3A_134 : i32 to vector<16xi32>
        %add3A_136 = arith.addi %mul3A_42, %add3A_135 : vector<16xi32>
        tpu.vector_store_idx %arg9[%add3A_136], %scan3A_48#28 : memref<5280xf32, #tpu.memory_space<vmem>>[vector<16xi32>], vector<16xf32>,
        %add3A_137 = arith.constant 29 : i32
        %add3A_138 = vector.broadcast %add3A_137 : i32 to vector<16xi32>
        %add3A_139 = arith.addi %mul3A_42, %add3A_138 : vector<16xi32>
        tpu.vector_store_idx %arg9[%add3A_139], %scan3A_48#29 : memref<5280xf32, #tpu.memory_space<vmem>>[vector<16xi32>], vector<16xf32>,
        %add3A_140 = arith.constant 30 : i32
        %add3A_141 = vector.broadcast %add3A_140 : i32 to vector<16xi32>
        %add3A_142 = arith.addi %mul3A_42, %add3A_141 : vector<16xi32>
        tpu.vector_store_idx %arg9[%add3A_142], %scan3A_48#30 : memref<5280xf32, #tpu.memory_space<vmem>>[vector<16xi32>], vector<16xf32>,
        %add3A_143 = arith.constant 31 : i32
        %add3A_144 = vector.broadcast %add3A_143 : i32 to vector<16xi32>
        %add3A_145 = arith.addi %mul3A_42, %add3A_144 : vector<16xi32>
        tpu.vector_store_idx %arg9[%add3A_145], %scan3A_48#31 : memref<5280xf32, #tpu.memory_space<vmem>>[vector<16xi32>], vector<16xf32>,
        %scan3A_146 = arith.constant 0 : i32
        scf.yield %scan3A_146 : i32
      }
      %scan3A_24 = arith.constant 10 : i32
      %mul3A_25 = arith.constant 179520 : i32
      %mul3A_26 = arith.muli %add3A, %mul3A_25 : i32
      %mul3A_27 = arith.constant 33 : i32
      %mul3A_28 = arith.muli %mul3A_12, %mul3A_27 : i32
      %add3A_29 = arith.addi %mul3A_26, %mul3A_28 : i32
      "tpu.region"() ({
        %run_scoped3A = tpu.sem_alloc : memref<!tpu.dma_semaphore, #tpu.memory_space<semaphore_mem>>
        %dma_start3A = tpu.memref_slice %arg5[%add3A_29] : memref<5744640xf32, #tpu.memory_space<hbm>> -> memref<5280xf32, #tpu.memory_space<hbm>>
        %dma_start3A_31 = tpu.memref_slice %arg5[%add3A_29] : memref<5744640xf32, #tpu.memory_space<hbm>> -> memref<5280xf32, #tpu.memory_space<hbm>>
        tpu.enqueue_dma source(%arg9 : memref<5280xf32, #tpu.memory_space<vmem>>) target(%dma_start3A_31 : memref<5280xf32, #tpu.memory_space<hbm>>) target_semaphore(%run_scoped3A : memref<!tpu.dma_semaphore, #tpu.memory_space<semaphore_mem>>)
        %dma_wait3A = tpu.memref_slice %arg5[%add3A_29] : memref<5744640xf32, #tpu.memory_space<hbm>> -> memref<5280xf32, #tpu.memory_space<hbm>>
        %dma_wait3A_32 = tpu.memref_slice %arg5[%add3A_29] : memref<5744640xf32, #tpu.memory_space<hbm>> -> memref<5280xf32, #tpu.memory_space<hbm>>
        tpu.wait_dma2 semaphore(%run_scoped3A : memref<!tpu.dma_semaphore, #tpu.memory_space<semaphore_mem>>) src(%arg9 : memref<5280xf32, #tpu.memory_space<vmem>>) dst(%dma_wait3A_32 : memref<5280xf32, #tpu.memory_space<hbm>>)
        tpu.yield
      }) : () -> ()
      %scan3A_30 = arith.constant 0 : i32
      scf.yield %scan3A_30 : i32
    }
    %scan3A_8 = arith.constant 34 : i32
    return
  }
}

module attributes {stable_mosaic.version = 14 : i64} {
  func.func @_prep_body(%arg0: i32, %arg1: i32, %arg2: memref<1x320x256xf32, #tpu.memory_space<vmem>>, %arg3: memref<1x320x256xf32, #tpu.memory_space<vmem>>, %arg4: memref<1x320x8xf32, #tpu.memory_space<vmem>>, %arg5: memref<256x256xf32, #tpu.memory_space<vmem>>, %arg6: memref<256xf32, #tpu.memory_space<vmem>>, %arg7: memref<256x128xf32, #tpu.memory_space<vmem>>, %arg8: memref<128xf32, #tpu.memory_space<vmem>>, %arg9: memref<256x128xf32, #tpu.memory_space<vmem>>, %arg10: memref<128xf32, #tpu.memory_space<vmem>>, %arg11: memref<256x128xf32, #tpu.memory_space<vmem>>, %arg12: memref<128xf32, #tpu.memory_space<vmem>>, %arg13: memref<128x128xf32, #tpu.memory_space<vmem>>, %arg14: memref<8x128xf32, #tpu.memory_space<vmem>>, %arg15: memref<8x128xf32, #tpu.memory_space<vmem>>, %arg16: memref<128xf32, #tpu.memory_space<vmem>>, %arg17: memref<128xf32, #tpu.memory_space<vmem>>, %arg18: memref<128xf32, #tpu.memory_space<vmem>>, %arg19: memref<1x320x256xf32, #tpu.memory_space<vmem>>, %arg20: memref<1x320x4x128xi32, #tpu.memory_space<vmem>>, %arg21: memref<1x320x4x128xf32, #tpu.memory_space<vmem>>) attributes {dimension_semantics = [#tpu.dimension_semantics<arbitrary>, #tpu.dimension_semantics<arbitrary>], iteration_bounds = array<i64: 17, 4>, scalar_prefetch = 0 : i64, scratch_operands = 0 : i64, tpu.core_type = #tpu.core_type<tc>, window_params = [{transform_indices = @transform_0, window_bounds = array<i64: 1, 320, 256>}, {transform_indices = @transform_1, window_bounds = array<i64: 1, 320, 256>}, {transform_indices = @transform_2, window_bounds = array<i64: 1, 320, 8>}, {pipeline_mode = #tpu.pipeline_mode<synchronous>, transform_indices = @transform_3, window_bounds = array<i64: 256, 256>}, {pipeline_mode = #tpu.pipeline_mode<synchronous>, transform_indices = @transform_4, window_bounds = array<i64: 256>}, {pipeline_mode = #tpu.pipeline_mode<synchronous>, transform_indices = @transform_5, window_bounds = array<i64: 256, 128>}, {pipeline_mode = #tpu.pipeline_mode<synchronous>, transform_indices = @transform_6, window_bounds = array<i64: 128>}, {pipeline_mode = #tpu.pipeline_mode<synchronous>, transform_indices = @transform_7, window_bounds = array<i64: 256, 128>}, {pipeline_mode = #tpu.pipeline_mode<synchronous>, transform_indices = @transform_8, window_bounds = array<i64: 128>}, {pipeline_mode = #tpu.pipeline_mode<synchronous>, transform_indices = @transform_9, window_bounds = array<i64: 256, 128>}, {pipeline_mode = #tpu.pipeline_mode<synchronous>, transform_indices = @transform_10, window_bounds = array<i64: 128>}, {pipeline_mode = #tpu.pipeline_mode<synchronous>, transform_indices = @transform_11, window_bounds = array<i64: 128, 128>}, {pipeline_mode = #tpu.pipeline_mode<synchronous>, transform_indices = @transform_12, window_bounds = array<i64: 8, 128>}, {pipeline_mode = #tpu.pipeline_mode<synchronous>, transform_indices = @transform_13, window_bounds = array<i64: 8, 128>}, {pipeline_mode = #tpu.pipeline_mode<synchronous>, transform_indices = @transform_14, window_bounds = array<i64: 128>}, {pipeline_mode = #tpu.pipeline_mode<synchronous>, transform_indices = @transform_15, window_bounds = array<i64: 128>}, {pipeline_mode = #tpu.pipeline_mode<synchronous>, transform_indices = @transform_16, window_bounds = array<i64: 128>}, {transform_indices = @transform_17, window_bounds = array<i64: 1, 320, 256>}, {transform_indices = @transform_18, window_bounds = array<i64: 1, 320, 4, 128>}, {transform_indices = @transform_19, window_bounds = array<i64: 1, 320, 4, 128>}]} {
    %get3A = arith.constant 0 : index
    %get3A_0 = arith.constant 0 : index
    %get3A_1 = arith.constant 0 : index
    %get3A_2 = vector.load %arg2[%get3A, %get3A_0, %get3A_1] : memref<1x320x256xf32, #tpu.memory_space<vmem>>, vector<1x320x256xf32>
    %get3A_3 = vector.shape_cast %get3A_2 : vector<1x320x256xf32> to vector<320x256xf32>
    %get3A_4 = arith.constant 0 : index
    %get3A_5 = arith.constant 0 : index
    %get3A_6 = arith.constant 0 : index
    %get3A_7 = vector.load %arg3[%get3A_4, %get3A_5, %get3A_6] : memref<1x320x256xf32, #tpu.memory_space<vmem>>, vector<1x320x256xf32>
    %get3A_8 = vector.shape_cast %get3A_7 : vector<1x320x256xf32> to vector<320x256xf32>
    %get3A_9 = arith.constant 0 : index
    %get3A_10 = arith.constant 0 : index
    %get3A_11 = arith.constant 0 : index
    %get3A_12 = vector.load %arg4[%get3A_9, %get3A_10, %get3A_11] : memref<1x320x8xf32, #tpu.memory_space<vmem>>, vector<1x320x8xf32>
    %get3A_13 = vector.shape_cast %get3A_12 : vector<1x320x8xf32> to vector<320x8xf32>
    %get3A_14 = arith.constant 0 : index
    %get3A_15 = arith.constant 0 : index
    %get3A_16 = vector.load %arg5[%get3A_14, %get3A_15] : memref<256x256xf32, #tpu.memory_space<vmem>>, vector<256x256xf32>
    %dot_general3A = arith.constant dense<0.000000e+00> : vector<320x256xf32>
    %dot_general3A_17 = tpu.matmul %get3A_3, %get3A_16, %dot_general3A {dimension_numbers = #tpu.dot_dimension_numbers<[1], [0], [0], [1], [0, 0, 1, 1], [], []>, transpose_lhs_hint = false} : vector<320x256xf32>, vector<256x256xf32>, vector<320x256xf32> -> vector<320x256xf32>
    %get3A_18 = arith.constant 0 : index
    %get3A_19 = vector.load %arg6[%get3A_18] : memref<256xf32, #tpu.memory_space<vmem>>, vector<256xf32>
    %broadcast_in_dim3A = vector.shape_cast %get3A_19 : vector<256xf32> to vector<1x256xf32>
    %add3A = vector.broadcast %broadcast_in_dim3A : vector<1x256xf32> to vector<320x256xf32>
    %add3A_20 = arith.addf %dot_general3A_17, %add3A : vector<320x256xf32>
    %swap3A = arith.constant 0 : index
    %swap3A_21 = arith.constant 0 : index
    %swap3A_22 = arith.constant 0 : index
    %swap3A_23 = vector.load %arg19[%swap3A, %swap3A_21, %swap3A_22] : memref<1x320x256xf32, #tpu.memory_space<vmem>>, vector<1x320x256xf32>
    %swap3A_24 = vector.shape_cast %swap3A_23 : vector<1x320x256xf32> to vector<320x256xf32>
    %swap3A_25 = vector.shape_cast %add3A_20 : vector<320x256xf32> to vector<1x320x256xf32>
    tpu.vector_store %arg19[%swap3A, %swap3A_21, %swap3A_22], %swap3A_25 {strides = array<i32>} : memref<1x320x256xf32, #tpu.memory_space<vmem>>, vector<1x320x256xf32>,
    %get3A_26 = arith.constant 0 : index
    %get3A_27 = arith.constant 0 : index
    %get3A_28 = vector.load %arg7[%get3A_26, %get3A_27] : memref<256x128xf32, #tpu.memory_space<vmem>>, vector<256x128xf32>
    %dot_general3A_29 = arith.constant dense<0.000000e+00> : vector<320x128xf32>
    %dot_general3A_30 = tpu.matmul %get3A_8, %get3A_28, %dot_general3A_29 {dimension_numbers = #tpu.dot_dimension_numbers<[1], [0], [0], [1], [0, 0, 1, 1], [], []>, precision = #tpu.contract_precision<fp32>, transpose_lhs_hint = false} : vector<320x256xf32>, vector<256x128xf32>, vector<320x128xf32> -> vector<320x128xf32>
    %get3A_31 = arith.constant 0 : index
    %get3A_32 = vector.load %arg8[%get3A_31] : memref<128xf32, #tpu.memory_space<vmem>>, vector<128xf32>
    %broadcast_in_dim3A_33 = vector.shape_cast %get3A_32 : vector<128xf32> to vector<1x128xf32>
    %add3A_34 = vector.broadcast %broadcast_in_dim3A_33 : vector<1x128xf32> to vector<320x128xf32>
    %add3A_35 = arith.addf %dot_general3A_30, %add3A_34 : vector<320x128xf32>
    %get3A_36 = arith.constant 0 : index
    %get3A_37 = arith.constant 0 : index
    %get3A_38 = vector.load %arg9[%get3A_36, %get3A_37] : memref<256x128xf32, #tpu.memory_space<vmem>>, vector<256x128xf32>
    %dot_general3A_39 = arith.constant dense<0.000000e+00> : vector<320x128xf32>
    %dot_general3A_40 = tpu.matmul %get3A_8, %get3A_38, %dot_general3A_39 {dimension_numbers = #tpu.dot_dimension_numbers<[1], [0], [0], [1], [0, 0, 1, 1], [], []>, precision = #tpu.contract_precision<fp32>, transpose_lhs_hint = false} : vector<320x256xf32>, vector<256x128xf32>, vector<320x128xf32> -> vector<320x128xf32>
    %get3A_41 = arith.constant 0 : index
    %get3A_42 = vector.load %arg10[%get3A_41] : memref<128xf32, #tpu.memory_space<vmem>>, vector<128xf32>
    %broadcast_in_dim3A_43 = vector.shape_cast %get3A_42 : vector<128xf32> to vector<1x128xf32>
    %add3A_44 = vector.broadcast %broadcast_in_dim3A_43 : vector<1x128xf32> to vector<320x128xf32>
    %add3A_45 = arith.addf %dot_general3A_40, %add3A_44 : vector<320x128xf32>
    %get3A_46 = arith.constant 0 : index
    %get3A_47 = arith.constant 0 : index
    %get3A_48 = vector.load %arg11[%get3A_46, %get3A_47] : memref<256x128xf32, #tpu.memory_space<vmem>>, vector<256x128xf32>
    %dot_general3A_49 = arith.constant dense<0.000000e+00> : vector<320x128xf32>
    %dot_general3A_50 = tpu.matmul %get3A_8, %get3A_48, %dot_general3A_49 {dimension_numbers = #tpu.dot_dimension_numbers<[1], [0], [0], [1], [0, 0, 1, 1], [], []>, precision = #tpu.contract_precision<fp32>, transpose_lhs_hint = false} : vector<320x256xf32>, vector<256x128xf32>, vector<320x128xf32> -> vector<320x128xf32>
    %get3A_51 = arith.constant 0 : index
    %get3A_52 = vector.load %arg12[%get3A_51] : memref<128xf32, #tpu.memory_space<vmem>>, vector<128xf32>
    %broadcast_in_dim3A_53 = vector.shape_cast %get3A_52 : vector<128xf32> to vector<1x128xf32>
    %add3A_54 = vector.broadcast %broadcast_in_dim3A_53 : vector<1x128xf32> to vector<320x128xf32>
    %add3A_55 = arith.addf %dot_general3A_50, %add3A_54 : vector<320x128xf32>
    %reduce_max3A = arith.constant dense<0xFF800000> : vector<320xf32>
    %reduce_max3A_56 = vector.multi_reduction <maximumf>, %add3A_55, %reduce_max3A [1] : vector<320x128xf32> to vector<320xf32>
    %broadcast_in_dim3A_57 = vector.shape_cast %reduce_max3A_56 : vector<320xf32> to vector<320x1xf32>
    %sub3A = vector.broadcast %broadcast_in_dim3A_57 : vector<320x1xf32> to vector<320x128xf32>
    %sub3A_58 = arith.subf %add3A_55, %sub3A : vector<320x128xf32>
    %exp3A = math.exp %sub3A_58 : vector<320x128xf32>
    %get3A_59 = arith.constant 0 : index
    %get3A_60 = arith.constant 0 : index
    %get3A_61 = vector.load %arg13[%get3A_59, %get3A_60] : memref<128x128xf32, #tpu.memory_space<vmem>>, vector<128x128xf32>
    %dot_general3A_62 = arith.constant dense<0.000000e+00> : vector<320x128xf32>
    %dot_general3A_63 = tpu.matmul %exp3A, %get3A_61, %dot_general3A_62 {dimension_numbers = #tpu.dot_dimension_numbers<[1], [0], [0], [1], [0, 0, 1, 1], [], []>, precision = #tpu.contract_precision<fp32>, transpose_lhs_hint = false} : vector<320x128xf32>, vector<128x128xf32>, vector<320x128xf32> -> vector<320x128xf32>
    %div3A = arith.divf %exp3A, %dot_general3A_63 : vector<320x128xf32>
    %get3A_64 = arith.constant 0 : index
    %get3A_65 = arith.constant 0 : index
    %get3A_66 = vector.load %arg14[%get3A_64, %get3A_65] : memref<8x128xf32, #tpu.memory_space<vmem>>, vector<8x128xf32>
    %dot_general3A_67 = arith.constant dense<0.000000e+00> : vector<320x128xf32>
    %dot_general3A_68 = tpu.matmul %get3A_13, %get3A_66, %dot_general3A_67 {dimension_numbers = #tpu.dot_dimension_numbers<[1], [0], [0], [1], [0, 0, 1, 1], [], []>, precision = #tpu.contract_precision<fp32>, transpose_lhs_hint = false} : vector<320x8xf32>, vector<8x128xf32>, vector<320x128xf32> -> vector<320x128xf32>
    %get3A_69 = arith.constant 0 : index
    %get3A_70 = arith.constant 0 : index
    %get3A_71 = vector.load %arg15[%get3A_69, %get3A_70] : memref<8x128xf32, #tpu.memory_space<vmem>>, vector<8x128xf32>
    %dot_general3A_72 = arith.constant dense<0.000000e+00> : vector<320x128xf32>
    %dot_general3A_73 = tpu.matmul %get3A_13, %get3A_71, %dot_general3A_72 {dimension_numbers = #tpu.dot_dimension_numbers<[1], [0], [0], [1], [0, 0, 1, 1], [], []>, precision = #tpu.contract_precision<fp32>, transpose_lhs_hint = false} : vector<320x8xf32>, vector<8x128xf32>, vector<320x128xf32> -> vector<320x128xf32>
    %get3A_74 = arith.constant 0 : index
    %get3A_75 = vector.load %arg16[%get3A_74] : memref<128xf32, #tpu.memory_space<vmem>>, vector<128xf32>
    %get3A_76 = arith.constant 0 : index
    %get3A_77 = vector.load %arg17[%get3A_76] : memref<128xf32, #tpu.memory_space<vmem>>, vector<128xf32>
    %get3A_78 = arith.constant 0 : index
    %get3A_79 = vector.load %arg18[%get3A_78] : memref<128xf32, #tpu.memory_space<vmem>>, vector<128xf32>
    %broadcast_in_dim3A_80 = vector.shape_cast %get3A_75 : vector<128xf32> to vector<1x128xf32>
    %mul3A = vector.broadcast %broadcast_in_dim3A_80 : vector<1x128xf32> to vector<320x128xf32>
    %mul3A_81 = arith.mulf %dot_general3A_68, %mul3A : vector<320x128xf32>
    %add3A_82 = arith.addf %mul3A_81, %add3A_35 : vector<320x128xf32>
    %sub3A_83 = arith.constant 5.000000e-01 : f32
    %sub3A_84 = vector.broadcast %sub3A_83 : f32 to vector<320x128xf32>
    %sub3A_85 = arith.subf %add3A_82, %sub3A_84 : vector<320x128xf32>
    %broadcast_in_dim3A_86 = vector.shape_cast %get3A_77 : vector<128xf32> to vector<1x128xf32>
    %mul3A_87 = vector.broadcast %broadcast_in_dim3A_86 : vector<1x128xf32> to vector<320x128xf32>
    %mul3A_88 = arith.mulf %dot_general3A_73, %mul3A_87 : vector<320x128xf32>
    %add3A_89 = arith.addf %mul3A_88, %add3A_45 : vector<320x128xf32>
    %sub3A_90 = arith.constant 5.000000e-01 : f32
    %sub3A_91 = vector.broadcast %sub3A_90 : f32 to vector<320x128xf32>
    %sub3A_92 = arith.subf %add3A_89, %sub3A_91 : vector<320x128xf32>
    %floor3A = math.floor %sub3A_85 : vector<320x128xf32>
    %floor3A_93 = math.floor %sub3A_92 : vector<320x128xf32>
    %sub3A_94 = arith.subf %sub3A_85, %floor3A : vector<320x128xf32>
    %sub3A_95 = arith.subf %sub3A_92, %floor3A_93 : vector<320x128xf32>
    %add3A_96 = arith.constant 0.000000e+00 : f32
    %add3A_97 = vector.broadcast %add3A_96 : f32 to vector<320x128xf32>
    %add3A_98 = arith.addf %floor3A, %add3A_97 : vector<320x128xf32>
    %add3A_99 = arith.constant 0.000000e+00 : f32
    %add3A_100 = vector.broadcast %add3A_99 : f32 to vector<320x128xf32>
    %add3A_101 = arith.addf %floor3A_93, %add3A_100 : vector<320x128xf32>
    %ge3A = arith.constant 0.000000e+00 : f32
    %ge3A_102 = vector.broadcast %ge3A : f32 to vector<320x128xf32>
    %ge3A_103 = arith.cmpf oge, %add3A_98, %ge3A_102 : vector<320x128xf32>
    %sub3A_104 = arith.constant 1.000000e+00 : f32
    %sub3A_105 = vector.broadcast %sub3A_104 : f32 to vector<128xf32>
    %sub3A_106 = arith.subf %get3A_75, %sub3A_105 : vector<128xf32>
    %broadcast_in_dim3A_107 = vector.shape_cast %sub3A_106 : vector<128xf32> to vector<1x128xf32>
    %le3A = vector.broadcast %broadcast_in_dim3A_107 : vector<1x128xf32> to vector<320x128xf32>
    %le3A_108 = arith.cmpf ole, %add3A_98, %le3A : vector<320x128xf32>
    %and3A = arith.andi %ge3A_103, %le3A_108 : vector<320x128xi1>
    %ge3A_109 = arith.constant 0.000000e+00 : f32
    %ge3A_110 = vector.broadcast %ge3A_109 : f32 to vector<320x128xf32>
    %ge3A_111 = arith.cmpf oge, %add3A_101, %ge3A_110 : vector<320x128xf32>
    %and3A_112 = arith.andi %and3A, %ge3A_111 : vector<320x128xi1>
    %sub3A_113 = arith.constant 1.000000e+00 : f32
    %sub3A_114 = vector.broadcast %sub3A_113 : f32 to vector<128xf32>
    %sub3A_115 = arith.subf %get3A_77, %sub3A_114 : vector<128xf32>
    %broadcast_in_dim3A_116 = vector.shape_cast %sub3A_115 : vector<128xf32> to vector<1x128xf32>
    %le3A_117 = vector.broadcast %broadcast_in_dim3A_116 : vector<1x128xf32> to vector<320x128xf32>
    %le3A_118 = arith.cmpf ole, %add3A_101, %le3A_117 : vector<320x128xf32>
    %and3A_119 = arith.andi %and3A_112, %le3A_118 : vector<320x128xi1>
    %sub3A_120 = arith.constant 1.000000e+00 : f32
    %sub3A_121 = vector.broadcast %sub3A_120 : f32 to vector<320x128xf32>
    %sub3A_122 = arith.subf %sub3A_121, %sub3A_94 : vector<320x128xf32>
    %sub3A_123 = arith.constant 1.000000e+00 : f32
    %sub3A_124 = vector.broadcast %sub3A_123 : f32 to vector<320x128xf32>
    %sub3A_125 = arith.subf %sub3A_124, %sub3A_95 : vector<320x128xf32>
    %mul3A_126 = arith.mulf %div3A, %sub3A_122 : vector<320x128xf32>
    %mul3A_127 = arith.mulf %mul3A_126, %sub3A_125 : vector<320x128xf32>
    %jit3A = arith.constant 0.000000e+00 : f32
    %broadcast_in_dim3A_128 = vector.broadcast %jit3A : f32 to vector<320x128xf32>
    %select_n3A = arith.select %and3A_119, %mul3A_127, %broadcast_in_dim3A_128 : vector<320x128xi1>, vector<320x128xf32>
    %sub3A_129 = arith.constant 1.000000e+00 : f32
    %sub3A_130 = vector.broadcast %sub3A_129 : f32 to vector<128xf32>
    %sub3A_131 = arith.subf %get3A_75, %sub3A_130 : vector<128xf32>
    %jit3A_132 = arith.constant 0.000000e+00 : f32
    %max3A = vector.broadcast %jit3A_132 : f32 to vector<320x128xf32>
    %max3A_133 = arith.maximumf %max3A, %add3A_98 : vector<320x128xf32>
    %broadcast_in_dim3A_134 = vector.shape_cast %sub3A_131 : vector<128xf32> to vector<1x128xf32>
    %min3A = vector.broadcast %broadcast_in_dim3A_134 : vector<1x128xf32> to vector<320x128xf32>
    %min3A_135 = arith.minimumf %min3A, %max3A_133 : vector<320x128xf32>
    %sub3A_136 = arith.constant 1.000000e+00 : f32
    %sub3A_137 = vector.broadcast %sub3A_136 : f32 to vector<128xf32>
    %sub3A_138 = arith.subf %get3A_77, %sub3A_137 : vector<128xf32>
    %jit3A_139 = arith.constant 0.000000e+00 : f32
    %max3A_140 = vector.broadcast %jit3A_139 : f32 to vector<320x128xf32>
    %max3A_141 = arith.maximumf %max3A_140, %add3A_101 : vector<320x128xf32>
    %broadcast_in_dim3A_142 = vector.shape_cast %sub3A_138 : vector<128xf32> to vector<1x128xf32>
    %min3A_143 = vector.broadcast %broadcast_in_dim3A_142 : vector<1x128xf32> to vector<320x128xf32>
    %min3A_144 = arith.minimumf %min3A_143, %max3A_141 : vector<320x128xf32>
    %broadcast_in_dim3A_145 = vector.shape_cast %get3A_75 : vector<128xf32> to vector<1x128xf32>
    %mul3A_146 = vector.broadcast %broadcast_in_dim3A_145 : vector<1x128xf32> to vector<320x128xf32>
    %mul3A_147 = arith.mulf %min3A_144, %mul3A_146 : vector<320x128xf32>
    %broadcast_in_dim3A_148 = vector.shape_cast %get3A_79 : vector<128xf32> to vector<1x128xf32>
    %add3A_149 = vector.broadcast %broadcast_in_dim3A_148 : vector<1x128xf32> to vector<320x128xf32>
    %add3A_150 = arith.addf %add3A_149, %mul3A_147 : vector<320x128xf32>
    %add3A_151 = arith.addf %add3A_150, %min3A_135 : vector<320x128xf32>
    %convert_element_type3A = arith.fptosi %add3A_151 : vector<320x128xf32> to vector<320x128xi32>
    %mul3A_152 = arith.constant 17 : i32
    %mul3A_153 = vector.broadcast %mul3A_152 : i32 to vector<320x128xi32>
    %mul3A_154 = arith.muli %convert_element_type3A, %mul3A_153 : vector<320x128xi32>
    %swap3A_155 = arith.constant 0 : index
    %swap3A_156 = arith.constant 0 : index
    %swap3A_157 = arith.constant 0 : index
    %swap3A_158 = arith.constant 0 : index
    %swap3A_159 = vector.load %arg20[%swap3A_155, %swap3A_156, %swap3A_157, %swap3A_158] : memref<1x320x4x128xi32, #tpu.memory_space<vmem>>, vector<1x320x1x128xi32>
    %swap3A_160 = vector.shape_cast %swap3A_159 : vector<1x320x1x128xi32> to vector<320x128xi32>
    %swap3A_161 = vector.shape_cast %mul3A_154 : vector<320x128xi32> to vector<1x320x1x128xi32>
    tpu.vector_store %arg20[%swap3A_155, %swap3A_156, %swap3A_157, %swap3A_158], %swap3A_161 {strides = array<i32>} : memref<1x320x4x128xi32, #tpu.memory_space<vmem>>, vector<1x320x1x128xi32>,
    %swap3A_162 = arith.constant 0 : index
    %swap3A_163 = arith.constant 0 : index
    %swap3A_164 = arith.constant 0 : index
    %swap3A_165 = arith.constant 0 : index
    %swap3A_166 = vector.load %arg21[%swap3A_162, %swap3A_163, %swap3A_164, %swap3A_165] : memref<1x320x4x128xf32, #tpu.memory_space<vmem>>, vector<1x320x1x128xf32>
    %swap3A_167 = vector.shape_cast %swap3A_166 : vector<1x320x1x128xf32> to vector<320x128xf32>
    %swap3A_168 = vector.shape_cast %select_n3A : vector<320x128xf32> to vector<1x320x1x128xf32>
    tpu.vector_store %arg21[%swap3A_162, %swap3A_163, %swap3A_164, %swap3A_165], %swap3A_168 {strides = array<i32>} : memref<1x320x4x128xf32, #tpu.memory_space<vmem>>, vector<1x320x1x128xf32>,
    %add3A_169 = arith.constant 0.000000e+00 : f32
    %add3A_170 = vector.broadcast %add3A_169 : f32 to vector<320x128xf32>
    %add3A_171 = arith.addf %floor3A, %add3A_170 : vector<320x128xf32>
    %add3A_172 = arith.constant 1.000000e+00 : f32
    %add3A_173 = vector.broadcast %add3A_172 : f32 to vector<320x128xf32>
    %add3A_174 = arith.addf %floor3A_93, %add3A_173 : vector<320x128xf32>
    %ge3A_175 = arith.constant 0.000000e+00 : f32
    %ge3A_176 = vector.broadcast %ge3A_175 : f32 to vector<320x128xf32>
    %ge3A_177 = arith.cmpf oge, %add3A_171, %ge3A_176 : vector<320x128xf32>
    %sub3A_178 = arith.constant 1.000000e+00 : f32
    %sub3A_179 = vector.broadcast %sub3A_178 : f32 to vector<128xf32>
    %sub3A_180 = arith.subf %get3A_75, %sub3A_179 : vector<128xf32>
    %broadcast_in_dim3A_181 = vector.shape_cast %sub3A_180 : vector<128xf32> to vector<1x128xf32>
    %le3A_182 = vector.broadcast %broadcast_in_dim3A_181 : vector<1x128xf32> to vector<320x128xf32>
    %le3A_183 = arith.cmpf ole, %add3A_171, %le3A_182 : vector<320x128xf32>
    %and3A_184 = arith.andi %ge3A_177, %le3A_183 : vector<320x128xi1>
    %ge3A_185 = arith.constant 0.000000e+00 : f32
    %ge3A_186 = vector.broadcast %ge3A_185 : f32 to vector<320x128xf32>
    %ge3A_187 = arith.cmpf oge, %add3A_174, %ge3A_186 : vector<320x128xf32>
    %and3A_188 = arith.andi %and3A_184, %ge3A_187 : vector<320x128xi1>
    %sub3A_189 = arith.constant 1.000000e+00 : f32
    %sub3A_190 = vector.broadcast %sub3A_189 : f32 to vector<128xf32>
    %sub3A_191 = arith.subf %get3A_77, %sub3A_190 : vector<128xf32>
    %broadcast_in_dim3A_192 = vector.shape_cast %sub3A_191 : vector<128xf32> to vector<1x128xf32>
    %le3A_193 = vector.broadcast %broadcast_in_dim3A_192 : vector<1x128xf32> to vector<320x128xf32>
    %le3A_194 = arith.cmpf ole, %add3A_174, %le3A_193 : vector<320x128xf32>
    %and3A_195 = arith.andi %and3A_188, %le3A_194 : vector<320x128xi1>
    %sub3A_196 = arith.constant 1.000000e+00 : f32
    %sub3A_197 = vector.broadcast %sub3A_196 : f32 to vector<320x128xf32>
    %sub3A_198 = arith.subf %sub3A_197, %sub3A_94 : vector<320x128xf32>
    %mul3A_199 = arith.mulf %div3A, %sub3A_198 : vector<320x128xf32>
    %mul3A_200 = arith.mulf %mul3A_199, %sub3A_95 : vector<320x128xf32>
    %jit3A_201 = arith.constant 0.000000e+00 : f32
    %broadcast_in_dim3A_202 = vector.broadcast %jit3A_201 : f32 to vector<320x128xf32>
    %select_n3A_203 = arith.select %and3A_195, %mul3A_200, %broadcast_in_dim3A_202 : vector<320x128xi1>, vector<320x128xf32>
    %sub3A_204 = arith.constant 1.000000e+00 : f32
    %sub3A_205 = vector.broadcast %sub3A_204 : f32 to vector<128xf32>
    %sub3A_206 = arith.subf %get3A_75, %sub3A_205 : vector<128xf32>
    %jit3A_207 = arith.constant 0.000000e+00 : f32
    %max3A_208 = vector.broadcast %jit3A_207 : f32 to vector<320x128xf32>
    %max3A_209 = arith.maximumf %max3A_208, %add3A_171 : vector<320x128xf32>
    %broadcast_in_dim3A_210 = vector.shape_cast %sub3A_206 : vector<128xf32> to vector<1x128xf32>
    %min3A_211 = vector.broadcast %broadcast_in_dim3A_210 : vector<1x128xf32> to vector<320x128xf32>
    %min3A_212 = arith.minimumf %min3A_211, %max3A_209 : vector<320x128xf32>
    %sub3A_213 = arith.constant 1.000000e+00 : f32
    %sub3A_214 = vector.broadcast %sub3A_213 : f32 to vector<128xf32>
    %sub3A_215 = arith.subf %get3A_77, %sub3A_214 : vector<128xf32>
    %jit3A_216 = arith.constant 0.000000e+00 : f32
    %max3A_217 = vector.broadcast %jit3A_216 : f32 to vector<320x128xf32>
    %max3A_218 = arith.maximumf %max3A_217, %add3A_174 : vector<320x128xf32>
    %broadcast_in_dim3A_219 = vector.shape_cast %sub3A_215 : vector<128xf32> to vector<1x128xf32>
    %min3A_220 = vector.broadcast %broadcast_in_dim3A_219 : vector<1x128xf32> to vector<320x128xf32>
    %min3A_221 = arith.minimumf %min3A_220, %max3A_218 : vector<320x128xf32>
    %broadcast_in_dim3A_222 = vector.shape_cast %get3A_75 : vector<128xf32> to vector<1x128xf32>
    %mul3A_223 = vector.broadcast %broadcast_in_dim3A_222 : vector<1x128xf32> to vector<320x128xf32>
    %mul3A_224 = arith.mulf %min3A_221, %mul3A_223 : vector<320x128xf32>
    %broadcast_in_dim3A_225 = vector.shape_cast %get3A_79 : vector<128xf32> to vector<1x128xf32>
    %add3A_226 = vector.broadcast %broadcast_in_dim3A_225 : vector<1x128xf32> to vector<320x128xf32>
    %add3A_227 = arith.addf %add3A_226, %mul3A_224 : vector<320x128xf32>
    %add3A_228 = arith.addf %add3A_227, %min3A_212 : vector<320x128xf32>
    %convert_element_type3A_229 = arith.fptosi %add3A_228 : vector<320x128xf32> to vector<320x128xi32>
    %mul3A_230 = arith.constant 17 : i32
    %mul3A_231 = vector.broadcast %mul3A_230 : i32 to vector<320x128xi32>
    %mul3A_232 = arith.muli %convert_element_type3A_229, %mul3A_231 : vector<320x128xi32>
    %swap3A_233 = arith.constant 0 : index
    %swap3A_234 = arith.constant 0 : index
    %swap3A_235 = arith.constant 1 : index
    %swap3A_236 = arith.constant 0 : index
    %swap3A_237 = vector.load %arg20[%swap3A_233, %swap3A_234, %swap3A_235, %swap3A_236] : memref<1x320x4x128xi32, #tpu.memory_space<vmem>>, vector<1x320x1x128xi32>
    %swap3A_238 = vector.shape_cast %swap3A_237 : vector<1x320x1x128xi32> to vector<320x128xi32>
    %swap3A_239 = vector.shape_cast %mul3A_232 : vector<320x128xi32> to vector<1x320x1x128xi32>
    tpu.vector_store %arg20[%swap3A_233, %swap3A_234, %swap3A_235, %swap3A_236], %swap3A_239 {strides = array<i32>} : memref<1x320x4x128xi32, #tpu.memory_space<vmem>>, vector<1x320x1x128xi32>,
    %swap3A_240 = arith.constant 0 : index
    %swap3A_241 = arith.constant 0 : index
    %swap3A_242 = arith.constant 1 : index
    %swap3A_243 = arith.constant 0 : index
    %swap3A_244 = vector.load %arg21[%swap3A_240, %swap3A_241, %swap3A_242, %swap3A_243] : memref<1x320x4x128xf32, #tpu.memory_space<vmem>>, vector<1x320x1x128xf32>
    %swap3A_245 = vector.shape_cast %swap3A_244 : vector<1x320x1x128xf32> to vector<320x128xf32>
    %swap3A_246 = vector.shape_cast %select_n3A_203 : vector<320x128xf32> to vector<1x320x1x128xf32>
    tpu.vector_store %arg21[%swap3A_240, %swap3A_241, %swap3A_242, %swap3A_243], %swap3A_246 {strides = array<i32>} : memref<1x320x4x128xf32, #tpu.memory_space<vmem>>, vector<1x320x1x128xf32>,
    %add3A_247 = arith.constant 1.000000e+00 : f32
    %add3A_248 = vector.broadcast %add3A_247 : f32 to vector<320x128xf32>
    %add3A_249 = arith.addf %floor3A, %add3A_248 : vector<320x128xf32>
    %add3A_250 = arith.constant 0.000000e+00 : f32
    %add3A_251 = vector.broadcast %add3A_250 : f32 to vector<320x128xf32>
    %add3A_252 = arith.addf %floor3A_93, %add3A_251 : vector<320x128xf32>
    %ge3A_253 = arith.constant 0.000000e+00 : f32
    %ge3A_254 = vector.broadcast %ge3A_253 : f32 to vector<320x128xf32>
    %ge3A_255 = arith.cmpf oge, %add3A_249, %ge3A_254 : vector<320x128xf32>
    %sub3A_256 = arith.constant 1.000000e+00 : f32
    %sub3A_257 = vector.broadcast %sub3A_256 : f32 to vector<128xf32>
    %sub3A_258 = arith.subf %get3A_75, %sub3A_257 : vector<128xf32>
    %broadcast_in_dim3A_259 = vector.shape_cast %sub3A_258 : vector<128xf32> to vector<1x128xf32>
    %le3A_260 = vector.broadcast %broadcast_in_dim3A_259 : vector<1x128xf32> to vector<320x128xf32>
    %le3A_261 = arith.cmpf ole, %add3A_249, %le3A_260 : vector<320x128xf32>
    %and3A_262 = arith.andi %ge3A_255, %le3A_261 : vector<320x128xi1>
    %ge3A_263 = arith.constant 0.000000e+00 : f32
    %ge3A_264 = vector.broadcast %ge3A_263 : f32 to vector<320x128xf32>
    %ge3A_265 = arith.cmpf oge, %add3A_252, %ge3A_264 : vector<320x128xf32>
    %and3A_266 = arith.andi %and3A_262, %ge3A_265 : vector<320x128xi1>
    %sub3A_267 = arith.constant 1.000000e+00 : f32
    %sub3A_268 = vector.broadcast %sub3A_267 : f32 to vector<128xf32>
    %sub3A_269 = arith.subf %get3A_77, %sub3A_268 : vector<128xf32>
    %broadcast_in_dim3A_270 = vector.shape_cast %sub3A_269 : vector<128xf32> to vector<1x128xf32>
    %le3A_271 = vector.broadcast %broadcast_in_dim3A_270 : vector<1x128xf32> to vector<320x128xf32>
    %le3A_272 = arith.cmpf ole, %add3A_252, %le3A_271 : vector<320x128xf32>
    %and3A_273 = arith.andi %and3A_266, %le3A_272 : vector<320x128xi1>
    %sub3A_274 = arith.constant 1.000000e+00 : f32
    %sub3A_275 = vector.broadcast %sub3A_274 : f32 to vector<320x128xf32>
    %sub3A_276 = arith.subf %sub3A_275, %sub3A_95 : vector<320x128xf32>
    %mul3A_277 = arith.mulf %div3A, %sub3A_94 : vector<320x128xf32>
    %mul3A_278 = arith.mulf %mul3A_277, %sub3A_276 : vector<320x128xf32>
    %jit3A_279 = arith.constant 0.000000e+00 : f32
    %broadcast_in_dim3A_280 = vector.broadcast %jit3A_279 : f32 to vector<320x128xf32>
    %select_n3A_281 = arith.select %and3A_273, %mul3A_278, %broadcast_in_dim3A_280 : vector<320x128xi1>, vector<320x128xf32>
    %sub3A_282 = arith.constant 1.000000e+00 : f32
    %sub3A_283 = vector.broadcast %sub3A_282 : f32 to vector<128xf32>
    %sub3A_284 = arith.subf %get3A_75, %sub3A_283 : vector<128xf32>
    %jit3A_285 = arith.constant 0.000000e+00 : f32
    %max3A_286 = vector.broadcast %jit3A_285 : f32 to vector<320x128xf32>
    %max3A_287 = arith.maximumf %max3A_286, %add3A_249 : vector<320x128xf32>
    %broadcast_in_dim3A_288 = vector.shape_cast %sub3A_284 : vector<128xf32> to vector<1x128xf32>
    %min3A_289 = vector.broadcast %broadcast_in_dim3A_288 : vector<1x128xf32> to vector<320x128xf32>
    %min3A_290 = arith.minimumf %min3A_289, %max3A_287 : vector<320x128xf32>
    %sub3A_291 = arith.constant 1.000000e+00 : f32
    %sub3A_292 = vector.broadcast %sub3A_291 : f32 to vector<128xf32>
    %sub3A_293 = arith.subf %get3A_77, %sub3A_292 : vector<128xf32>
    %jit3A_294 = arith.constant 0.000000e+00 : f32
    %max3A_295 = vector.broadcast %jit3A_294 : f32 to vector<320x128xf32>
    %max3A_296 = arith.maximumf %max3A_295, %add3A_252 : vector<320x128xf32>
    %broadcast_in_dim3A_297 = vector.shape_cast %sub3A_293 : vector<128xf32> to vector<1x128xf32>
    %min3A_298 = vector.broadcast %broadcast_in_dim3A_297 : vector<1x128xf32> to vector<320x128xf32>
    %min3A_299 = arith.minimumf %min3A_298, %max3A_296 : vector<320x128xf32>
    %broadcast_in_dim3A_300 = vector.shape_cast %get3A_75 : vector<128xf32> to vector<1x128xf32>
    %mul3A_301 = vector.broadcast %broadcast_in_dim3A_300 : vector<1x128xf32> to vector<320x128xf32>
    %mul3A_302 = arith.mulf %min3A_299, %mul3A_301 : vector<320x128xf32>
    %broadcast_in_dim3A_303 = vector.shape_cast %get3A_79 : vector<128xf32> to vector<1x128xf32>
    %add3A_304 = vector.broadcast %broadcast_in_dim3A_303 : vector<1x128xf32> to vector<320x128xf32>
    %add3A_305 = arith.addf %add3A_304, %mul3A_302 : vector<320x128xf32>
    %add3A_306 = arith.addf %add3A_305, %min3A_290 : vector<320x128xf32>
    %convert_element_type3A_307 = arith.fptosi %add3A_306 : vector<320x128xf32> to vector<320x128xi32>
    %mul3A_308 = arith.constant 17 : i32
    %mul3A_309 = vector.broadcast %mul3A_308 : i32 to vector<320x128xi32>
    %mul3A_310 = arith.muli %convert_element_type3A_307, %mul3A_309 : vector<320x128xi32>
    %swap3A_311 = arith.constant 0 : index
    %swap3A_312 = arith.constant 0 : index
    %swap3A_313 = arith.constant 2 : index
    %swap3A_314 = arith.constant 0 : index
    %swap3A_315 = vector.load %arg20[%swap3A_311, %swap3A_312, %swap3A_313, %swap3A_314] : memref<1x320x4x128xi32, #tpu.memory_space<vmem>>, vector<1x320x1x128xi32>
    %swap3A_316 = vector.shape_cast %swap3A_315 : vector<1x320x1x128xi32> to vector<320x128xi32>
    %swap3A_317 = vector.shape_cast %mul3A_310 : vector<320x128xi32> to vector<1x320x1x128xi32>
    tpu.vector_store %arg20[%swap3A_311, %swap3A_312, %swap3A_313, %swap3A_314], %swap3A_317 {strides = array<i32>} : memref<1x320x4x128xi32, #tpu.memory_space<vmem>>, vector<1x320x1x128xi32>,
    %swap3A_318 = arith.constant 0 : index
    %swap3A_319 = arith.constant 0 : index
    %swap3A_320 = arith.constant 2 : index
    %swap3A_321 = arith.constant 0 : index
    %swap3A_322 = vector.load %arg21[%swap3A_318, %swap3A_319, %swap3A_320, %swap3A_321] : memref<1x320x4x128xf32, #tpu.memory_space<vmem>>, vector<1x320x1x128xf32>
    %swap3A_323 = vector.shape_cast %swap3A_322 : vector<1x320x1x128xf32> to vector<320x128xf32>
    %swap3A_324 = vector.shape_cast %select_n3A_281 : vector<320x128xf32> to vector<1x320x1x128xf32>
    tpu.vector_store %arg21[%swap3A_318, %swap3A_319, %swap3A_320, %swap3A_321], %swap3A_324 {strides = array<i32>} : memref<1x320x4x128xf32, #tpu.memory_space<vmem>>, vector<1x320x1x128xf32>,
    %add3A_325 = arith.constant 1.000000e+00 : f32
    %add3A_326 = vector.broadcast %add3A_325 : f32 to vector<320x128xf32>
    %add3A_327 = arith.addf %floor3A, %add3A_326 : vector<320x128xf32>
    %add3A_328 = arith.constant 1.000000e+00 : f32
    %add3A_329 = vector.broadcast %add3A_328 : f32 to vector<320x128xf32>
    %add3A_330 = arith.addf %floor3A_93, %add3A_329 : vector<320x128xf32>
    %ge3A_331 = arith.constant 0.000000e+00 : f32
    %ge3A_332 = vector.broadcast %ge3A_331 : f32 to vector<320x128xf32>
    %ge3A_333 = arith.cmpf oge, %add3A_327, %ge3A_332 : vector<320x128xf32>
    %sub3A_334 = arith.constant 1.000000e+00 : f32
    %sub3A_335 = vector.broadcast %sub3A_334 : f32 to vector<128xf32>
    %sub3A_336 = arith.subf %get3A_75, %sub3A_335 : vector<128xf32>
    %broadcast_in_dim3A_337 = vector.shape_cast %sub3A_336 : vector<128xf32> to vector<1x128xf32>
    %le3A_338 = vector.broadcast %broadcast_in_dim3A_337 : vector<1x128xf32> to vector<320x128xf32>
    %le3A_339 = arith.cmpf ole, %add3A_327, %le3A_338 : vector<320x128xf32>
    %and3A_340 = arith.andi %ge3A_333, %le3A_339 : vector<320x128xi1>
    %ge3A_341 = arith.constant 0.000000e+00 : f32
    %ge3A_342 = vector.broadcast %ge3A_341 : f32 to vector<320x128xf32>
    %ge3A_343 = arith.cmpf oge, %add3A_330, %ge3A_342 : vector<320x128xf32>
    %and3A_344 = arith.andi %and3A_340, %ge3A_343 : vector<320x128xi1>
    %sub3A_345 = arith.constant 1.000000e+00 : f32
    %sub3A_346 = vector.broadcast %sub3A_345 : f32 to vector<128xf32>
    %sub3A_347 = arith.subf %get3A_77, %sub3A_346 : vector<128xf32>
    %broadcast_in_dim3A_348 = vector.shape_cast %sub3A_347 : vector<128xf32> to vector<1x128xf32>
    %le3A_349 = vector.broadcast %broadcast_in_dim3A_348 : vector<1x128xf32> to vector<320x128xf32>
    %le3A_350 = arith.cmpf ole, %add3A_330, %le3A_349 : vector<320x128xf32>
    %and3A_351 = arith.andi %and3A_344, %le3A_350 : vector<320x128xi1>
    %mul3A_352 = arith.mulf %div3A, %sub3A_94 : vector<320x128xf32>
    %mul3A_353 = arith.mulf %mul3A_352, %sub3A_95 : vector<320x128xf32>
    %jit3A_354 = arith.constant 0.000000e+00 : f32
    %broadcast_in_dim3A_355 = vector.broadcast %jit3A_354 : f32 to vector<320x128xf32>
    %select_n3A_356 = arith.select %and3A_351, %mul3A_353, %broadcast_in_dim3A_355 : vector<320x128xi1>, vector<320x128xf32>
    %sub3A_357 = arith.constant 1.000000e+00 : f32
    %sub3A_358 = vector.broadcast %sub3A_357 : f32 to vector<128xf32>
    %sub3A_359 = arith.subf %get3A_75, %sub3A_358 : vector<128xf32>
    %jit3A_360 = arith.constant 0.000000e+00 : f32
    %max3A_361 = vector.broadcast %jit3A_360 : f32 to vector<320x128xf32>
    %max3A_362 = arith.maximumf %max3A_361, %add3A_327 : vector<320x128xf32>
    %broadcast_in_dim3A_363 = vector.shape_cast %sub3A_359 : vector<128xf32> to vector<1x128xf32>
    %min3A_364 = vector.broadcast %broadcast_in_dim3A_363 : vector<1x128xf32> to vector<320x128xf32>
    %min3A_365 = arith.minimumf %min3A_364, %max3A_362 : vector<320x128xf32>
    %sub3A_366 = arith.constant 1.000000e+00 : f32
    %sub3A_367 = vector.broadcast %sub3A_366 : f32 to vector<128xf32>
    %sub3A_368 = arith.subf %get3A_77, %sub3A_367 : vector<128xf32>
    %jit3A_369 = arith.constant 0.000000e+00 : f32
    %max3A_370 = vector.broadcast %jit3A_369 : f32 to vector<320x128xf32>
    %max3A_371 = arith.maximumf %max3A_370, %add3A_330 : vector<320x128xf32>
    %broadcast_in_dim3A_372 = vector.shape_cast %sub3A_368 : vector<128xf32> to vector<1x128xf32>
    %min3A_373 = vector.broadcast %broadcast_in_dim3A_372 : vector<1x128xf32> to vector<320x128xf32>
    %min3A_374 = arith.minimumf %min3A_373, %max3A_371 : vector<320x128xf32>
    %broadcast_in_dim3A_375 = vector.shape_cast %get3A_75 : vector<128xf32> to vector<1x128xf32>
    %mul3A_376 = vector.broadcast %broadcast_in_dim3A_375 : vector<1x128xf32> to vector<320x128xf32>
    %mul3A_377 = arith.mulf %min3A_374, %mul3A_376 : vector<320x128xf32>
    %broadcast_in_dim3A_378 = vector.shape_cast %get3A_79 : vector<128xf32> to vector<1x128xf32>
    %add3A_379 = vector.broadcast %broadcast_in_dim3A_378 : vector<1x128xf32> to vector<320x128xf32>
    %add3A_380 = arith.addf %add3A_379, %mul3A_377 : vector<320x128xf32>
    %add3A_381 = arith.addf %add3A_380, %min3A_365 : vector<320x128xf32>
    %convert_element_type3A_382 = arith.fptosi %add3A_381 : vector<320x128xf32> to vector<320x128xi32>
    %mul3A_383 = arith.constant 17 : i32
    %mul3A_384 = vector.broadcast %mul3A_383 : i32 to vector<320x128xi32>
    %mul3A_385 = arith.muli %convert_element_type3A_382, %mul3A_384 : vector<320x128xi32>
    %swap3A_386 = arith.constant 0 : index
    %swap3A_387 = arith.constant 0 : index
    %swap3A_388 = arith.constant 3 : index
    %swap3A_389 = arith.constant 0 : index
    %swap3A_390 = vector.load %arg20[%swap3A_386, %swap3A_387, %swap3A_388, %swap3A_389] : memref<1x320x4x128xi32, #tpu.memory_space<vmem>>, vector<1x320x1x128xi32>
    %swap3A_391 = vector.shape_cast %swap3A_390 : vector<1x320x1x128xi32> to vector<320x128xi32>
    %swap3A_392 = vector.shape_cast %mul3A_385 : vector<320x128xi32> to vector<1x320x1x128xi32>
    tpu.vector_store %arg20[%swap3A_386, %swap3A_387, %swap3A_388, %swap3A_389], %swap3A_392 {strides = array<i32>} : memref<1x320x4x128xi32, #tpu.memory_space<vmem>>, vector<1x320x1x128xi32>,
    %swap3A_393 = arith.constant 0 : index
    %swap3A_394 = arith.constant 0 : index
    %swap3A_395 = arith.constant 3 : index
    %swap3A_396 = arith.constant 0 : index
    %swap3A_397 = vector.load %arg21[%swap3A_393, %swap3A_394, %swap3A_395, %swap3A_396] : memref<1x320x4x128xf32, #tpu.memory_space<vmem>>, vector<1x320x1x128xf32>
    %swap3A_398 = vector.shape_cast %swap3A_397 : vector<1x320x1x128xf32> to vector<320x128xf32>
    %swap3A_399 = vector.shape_cast %select_n3A_356 : vector<320x128xf32> to vector<1x320x1x128xf32>
    tpu.vector_store %arg21[%swap3A_393, %swap3A_394, %swap3A_395, %swap3A_396], %swap3A_399 {strides = array<i32>} : memref<1x320x4x128xf32, #tpu.memory_space<vmem>>, vector<1x320x1x128xf32>,
    return
  }
  func.func @transform_0(%arg0: i32, %arg1: i32) -> (i32, i32, i32) {
    %c0_i32 = arith.constant 0 : i32
    %c0_i32_0 = arith.constant 0 : i32
    return %arg1, %arg0, %c0_i32 : i32, i32, i32
  }
  func.func @transform_1(%arg0: i32, %arg1: i32) -> (i32, i32, i32) {
    %c0_i32 = arith.constant 0 : i32
    %c0_i32_0 = arith.constant 0 : i32
    return %arg1, %arg0, %c0_i32 : i32, i32, i32
  }
  func.func @transform_2(%arg0: i32, %arg1: i32) -> (i32, i32, i32) {
    %c0_i32 = arith.constant 0 : i32
    %c0_i32_0 = arith.constant 0 : i32
    return %arg1, %arg0, %c0_i32 : i32, i32, i32
  }
  func.func @transform_3(%arg0: i32, %arg1: i32) -> (i32, i32) {
    %c0_i32 = arith.constant 0 : i32
    %c0_i32_0 = arith.constant 0 : i32
    %c0_i32_1 = arith.constant 0 : i32
    return %c0_i32, %c0_i32_0 : i32, i32
  }
  func.func @transform_4(%arg0: i32, %arg1: i32) -> i32 {
    %c0_i32 = arith.constant 0 : i32
    %c0_i32_0 = arith.constant 0 : i32
    return %c0_i32 : i32
  }
  func.func @transform_5(%arg0: i32, %arg1: i32) -> (i32, i32) {
    %c0_i32 = arith.constant 0 : i32
    %c0_i32_0 = arith.constant 0 : i32
    %c0_i32_1 = arith.constant 0 : i32
    return %c0_i32, %c0_i32_0 : i32, i32
  }
  func.func @transform_6(%arg0: i32, %arg1: i32) -> i32 {
    %c0_i32 = arith.constant 0 : i32
    %c0_i32_0 = arith.constant 0 : i32
    return %c0_i32 : i32
  }
  func.func @transform_7(%arg0: i32, %arg1: i32) -> (i32, i32) {
    %c0_i32 = arith.constant 0 : i32
    %c0_i32_0 = arith.constant 0 : i32
    %c0_i32_1 = arith.constant 0 : i32
    return %c0_i32, %c0_i32_0 : i32, i32
  }
  func.func @transform_8(%arg0: i32, %arg1: i32) -> i32 {
    %c0_i32 = arith.constant 0 : i32
    %c0_i32_0 = arith.constant 0 : i32
    return %c0_i32 : i32
  }
  func.func @transform_9(%arg0: i32, %arg1: i32) -> (i32, i32) {
    %c0_i32 = arith.constant 0 : i32
    %c0_i32_0 = arith.constant 0 : i32
    %c0_i32_1 = arith.constant 0 : i32
    return %c0_i32, %c0_i32_0 : i32, i32
  }
  func.func @transform_10(%arg0: i32, %arg1: i32) -> i32 {
    %c0_i32 = arith.constant 0 : i32
    %c0_i32_0 = arith.constant 0 : i32
    return %c0_i32 : i32
  }
  func.func @transform_11(%arg0: i32, %arg1: i32) -> (i32, i32) {
    %c0_i32 = arith.constant 0 : i32
    %c0_i32_0 = arith.constant 0 : i32
    %c0_i32_1 = arith.constant 0 : i32
    return %c0_i32, %c0_i32_0 : i32, i32
  }
  func.func @transform_12(%arg0: i32, %arg1: i32) -> (i32, i32) {
    %c0_i32 = arith.constant 0 : i32
    %c0_i32_0 = arith.constant 0 : i32
    %c0_i32_1 = arith.constant 0 : i32
    return %c0_i32, %c0_i32_0 : i32, i32
  }
  func.func @transform_13(%arg0: i32, %arg1: i32) -> (i32, i32) {
    %c0_i32 = arith.constant 0 : i32
    %c0_i32_0 = arith.constant 0 : i32
    %c0_i32_1 = arith.constant 0 : i32
    return %c0_i32, %c0_i32_0 : i32, i32
  }
  func.func @transform_14(%arg0: i32, %arg1: i32) -> i32 {
    %c0_i32 = arith.constant 0 : i32
    %c0_i32_0 = arith.constant 0 : i32
    return %c0_i32 : i32
  }
  func.func @transform_15(%arg0: i32, %arg1: i32) -> i32 {
    %c0_i32 = arith.constant 0 : i32
    %c0_i32_0 = arith.constant 0 : i32
    return %c0_i32 : i32
  }
  func.func @transform_16(%arg0: i32, %arg1: i32) -> i32 {
    %c0_i32 = arith.constant 0 : i32
    %c0_i32_0 = arith.constant 0 : i32
    return %c0_i32 : i32
  }
  func.func @transform_17(%arg0: i32, %arg1: i32) -> (i32, i32, i32) {
    %c0_i32 = arith.constant 0 : i32
    %c0_i32_0 = arith.constant 0 : i32
    return %arg1, %arg0, %c0_i32 : i32, i32, i32
  }
  func.func @transform_18(%arg0: i32, %arg1: i32) -> (i32, i32, i32, i32) {
    %c0_i32 = arith.constant 0 : i32
    %c0_i32_0 = arith.constant 0 : i32
    %c0_i32_1 = arith.constant 0 : i32
    return %arg1, %arg0, %c0_i32, %c0_i32_0 : i32, i32, i32, i32
  }
  func.func @transform_19(%arg0: i32, %arg1: i32) -> (i32, i32, i32, i32) {
    %c0_i32 = arith.constant 0 : i32
    %c0_i32_0 = arith.constant 0 : i32
    %c0_i32_1 = arith.constant 0 : i32
    return %arg1, %arg0, %c0_i32, %c0_i32_0 : i32, i32, i32, i32
  }
}

module attributes {stable_mosaic.version = 14 : i64} {
  func.func @_outproj_body(%arg0: i32, %arg1: i32, %arg2: memref<1x8x320x33xf32, #tpu.memory_space<vmem>>, %arg3: memref<256x256xf32, #tpu.memory_space<vmem>>, %arg4: memref<256xf32, #tpu.memory_space<vmem>>, %arg5: memref<1x320x256xf32, #tpu.memory_space<vmem>>) attributes {dimension_semantics = [#tpu.dimension_semantics<arbitrary>, #tpu.dimension_semantics<arbitrary>], iteration_bounds = array<i64: 17, 4>, scalar_prefetch = 0 : i64, scratch_operands = 0 : i64, tpu.core_type = #tpu.core_type<tc>, window_params = [{transform_indices = @transform_0, window_bounds = array<i64: 1, 8, 320, 33>}, {pipeline_mode = #tpu.pipeline_mode<synchronous>, transform_indices = @transform_1, window_bounds = array<i64: 256, 256>}, {pipeline_mode = #tpu.pipeline_mode<synchronous>, transform_indices = @transform_2, window_bounds = array<i64: 256>}, {transform_indices = @transform_3, window_bounds = array<i64: 1, 320, 256>}]} {
    %get3A = arith.constant 0 : index
    %get3A_0 = vector.load %arg4[%get3A] : memref<256xf32, #tpu.memory_space<vmem>>, vector<256xf32>
    %get3A_1 = arith.constant 0 : index
    %get3A_2 = arith.constant 0 : index
    %get3A_3 = arith.constant 0 : index
    %get3A_4 = arith.constant 0 : index
    %get3A_5 = vector.load %arg2[%get3A_1, %get3A_2, %get3A_3, %get3A_4] : memref<1x8x320x33xf32, #tpu.memory_space<vmem>>, vector<1x1x320x32xf32>
    %get3A_6 = vector.shape_cast %get3A_5 : vector<1x1x320x32xf32> to vector<320x32xf32>
    %get3A_7 = arith.constant 0 : index
    %get3A_8 = arith.constant 0 : index
    %get3A_9 = vector.load %arg3[%get3A_7, %get3A_8] : memref<256x256xf32, #tpu.memory_space<vmem>>, vector<32x256xf32>
    %dot_general3A = arith.constant dense<0.000000e+00> : vector<320x256xf32>
    %dot_general3A_10 = tpu.matmul %get3A_6, %get3A_9, %dot_general3A {dimension_numbers = #tpu.dot_dimension_numbers<[1], [0], [0], [1], [0, 0, 1, 1], [], []>, precision = #tpu.contract_precision<fp32>, transpose_lhs_hint = false} : vector<320x32xf32>, vector<32x256xf32>, vector<320x256xf32> -> vector<320x256xf32>
    %broadcast_in_dim3A = vector.shape_cast %get3A_0 : vector<256xf32> to vector<1x256xf32>
    %add3A = vector.broadcast %broadcast_in_dim3A : vector<1x256xf32> to vector<320x256xf32>
    %add3A_11 = arith.addf %add3A, %dot_general3A_10 : vector<320x256xf32>
    %get3A_12 = arith.constant 0 : index
    %get3A_13 = arith.constant 1 : index
    %get3A_14 = arith.constant 0 : index
    %get3A_15 = arith.constant 0 : index
    %get3A_16 = vector.load %arg2[%get3A_12, %get3A_13, %get3A_14, %get3A_15] : memref<1x8x320x33xf32, #tpu.memory_space<vmem>>, vector<1x1x320x32xf32>
    %get3A_17 = vector.shape_cast %get3A_16 : vector<1x1x320x32xf32> to vector<320x32xf32>
    %get3A_18 = arith.constant 32 : index
    %get3A_19 = arith.constant 0 : index
    %get3A_20 = vector.load %arg3[%get3A_18, %get3A_19] : memref<256x256xf32, #tpu.memory_space<vmem>>, vector<32x256xf32>
    %dot_general3A_21 = arith.constant dense<0.000000e+00> : vector<320x256xf32>
    %dot_general3A_22 = tpu.matmul %get3A_17, %get3A_20, %dot_general3A_21 {dimension_numbers = #tpu.dot_dimension_numbers<[1], [0], [0], [1], [0, 0, 1, 1], [], []>, precision = #tpu.contract_precision<fp32>, transpose_lhs_hint = false} : vector<320x32xf32>, vector<32x256xf32>, vector<320x256xf32> -> vector<320x256xf32>
    %add3A_23 = arith.addf %add3A_11, %dot_general3A_22 : vector<320x256xf32>
    %get3A_24 = arith.constant 0 : index
    %get3A_25 = arith.constant 2 : index
    %get3A_26 = arith.constant 0 : index
    %get3A_27 = arith.constant 0 : index
    %get3A_28 = vector.load %arg2[%get3A_24, %get3A_25, %get3A_26, %get3A_27] : memref<1x8x320x33xf32, #tpu.memory_space<vmem>>, vector<1x1x320x32xf32>
    %get3A_29 = vector.shape_cast %get3A_28 : vector<1x1x320x32xf32> to vector<320x32xf32>
    %get3A_30 = arith.constant 64 : index
    %get3A_31 = arith.constant 0 : index
    %get3A_32 = vector.load %arg3[%get3A_30, %get3A_31] : memref<256x256xf32, #tpu.memory_space<vmem>>, vector<32x256xf32>
    %dot_general3A_33 = arith.constant dense<0.000000e+00> : vector<320x256xf32>
    %dot_general3A_34 = tpu.matmul %get3A_29, %get3A_32, %dot_general3A_33 {dimension_numbers = #tpu.dot_dimension_numbers<[1], [0], [0], [1], [0, 0, 1, 1], [], []>, precision = #tpu.contract_precision<fp32>, transpose_lhs_hint = false} : vector<320x32xf32>, vector<32x256xf32>, vector<320x256xf32> -> vector<320x256xf32>
    %add3A_35 = arith.addf %add3A_23, %dot_general3A_34 : vector<320x256xf32>
    %get3A_36 = arith.constant 0 : index
    %get3A_37 = arith.constant 3 : index
    %get3A_38 = arith.constant 0 : index
    %get3A_39 = arith.constant 0 : index
    %get3A_40 = vector.load %arg2[%get3A_36, %get3A_37, %get3A_38, %get3A_39] : memref<1x8x320x33xf32, #tpu.memory_space<vmem>>, vector<1x1x320x32xf32>
    %get3A_41 = vector.shape_cast %get3A_40 : vector<1x1x320x32xf32> to vector<320x32xf32>
    %get3A_42 = arith.constant 96 : index
    %get3A_43 = arith.constant 0 : index
    %get3A_44 = vector.load %arg3[%get3A_42, %get3A_43] : memref<256x256xf32, #tpu.memory_space<vmem>>, vector<32x256xf32>
    %dot_general3A_45 = arith.constant dense<0.000000e+00> : vector<320x256xf32>
    %dot_general3A_46 = tpu.matmul %get3A_41, %get3A_44, %dot_general3A_45 {dimension_numbers = #tpu.dot_dimension_numbers<[1], [0], [0], [1], [0, 0, 1, 1], [], []>, precision = #tpu.contract_precision<fp32>, transpose_lhs_hint = false} : vector<320x32xf32>, vector<32x256xf32>, vector<320x256xf32> -> vector<320x256xf32>
    %add3A_47 = arith.addf %add3A_35, %dot_general3A_46 : vector<320x256xf32>
    %get3A_48 = arith.constant 0 : index
    %get3A_49 = arith.constant 4 : index
    %get3A_50 = arith.constant 0 : index
    %get3A_51 = arith.constant 0 : index
    %get3A_52 = vector.load %arg2[%get3A_48, %get3A_49, %get3A_50, %get3A_51] : memref<1x8x320x33xf32, #tpu.memory_space<vmem>>, vector<1x1x320x32xf32>
    %get3A_53 = vector.shape_cast %get3A_52 : vector<1x1x320x32xf32> to vector<320x32xf32>
    %get3A_54 = arith.constant 128 : index
    %get3A_55 = arith.constant 0 : index
    %get3A_56 = vector.load %arg3[%get3A_54, %get3A_55] : memref<256x256xf32, #tpu.memory_space<vmem>>, vector<32x256xf32>
    %dot_general3A_57 = arith.constant dense<0.000000e+00> : vector<320x256xf32>
    %dot_general3A_58 = tpu.matmul %get3A_53, %get3A_56, %dot_general3A_57 {dimension_numbers = #tpu.dot_dimension_numbers<[1], [0], [0], [1], [0, 0, 1, 1], [], []>, precision = #tpu.contract_precision<fp32>, transpose_lhs_hint = false} : vector<320x32xf32>, vector<32x256xf32>, vector<320x256xf32> -> vector<320x256xf32>
    %add3A_59 = arith.addf %add3A_47, %dot_general3A_58 : vector<320x256xf32>
    %get3A_60 = arith.constant 0 : index
    %get3A_61 = arith.constant 5 : index
    %get3A_62 = arith.constant 0 : index
    %get3A_63 = arith.constant 0 : index
    %get3A_64 = vector.load %arg2[%get3A_60, %get3A_61, %get3A_62, %get3A_63] : memref<1x8x320x33xf32, #tpu.memory_space<vmem>>, vector<1x1x320x32xf32>
    %get3A_65 = vector.shape_cast %get3A_64 : vector<1x1x320x32xf32> to vector<320x32xf32>
    %get3A_66 = arith.constant 160 : index
    %get3A_67 = arith.constant 0 : index
    %get3A_68 = vector.load %arg3[%get3A_66, %get3A_67] : memref<256x256xf32, #tpu.memory_space<vmem>>, vector<32x256xf32>
    %dot_general3A_69 = arith.constant dense<0.000000e+00> : vector<320x256xf32>
    %dot_general3A_70 = tpu.matmul %get3A_65, %get3A_68, %dot_general3A_69 {dimension_numbers = #tpu.dot_dimension_numbers<[1], [0], [0], [1], [0, 0, 1, 1], [], []>, precision = #tpu.contract_precision<fp32>, transpose_lhs_hint = false} : vector<320x32xf32>, vector<32x256xf32>, vector<320x256xf32> -> vector<320x256xf32>
    %add3A_71 = arith.addf %add3A_59, %dot_general3A_70 : vector<320x256xf32>
    %get3A_72 = arith.constant 0 : index
    %get3A_73 = arith.constant 6 : index
    %get3A_74 = arith.constant 0 : index
    %get3A_75 = arith.constant 0 : index
    %get3A_76 = vector.load %arg2[%get3A_72, %get3A_73, %get3A_74, %get3A_75] : memref<1x8x320x33xf32, #tpu.memory_space<vmem>>, vector<1x1x320x32xf32>
    %get3A_77 = vector.shape_cast %get3A_76 : vector<1x1x320x32xf32> to vector<320x32xf32>
    %get3A_78 = arith.constant 192 : index
    %get3A_79 = arith.constant 0 : index
    %get3A_80 = vector.load %arg3[%get3A_78, %get3A_79] : memref<256x256xf32, #tpu.memory_space<vmem>>, vector<32x256xf32>
    %dot_general3A_81 = arith.constant dense<0.000000e+00> : vector<320x256xf32>
    %dot_general3A_82 = tpu.matmul %get3A_77, %get3A_80, %dot_general3A_81 {dimension_numbers = #tpu.dot_dimension_numbers<[1], [0], [0], [1], [0, 0, 1, 1], [], []>, precision = #tpu.contract_precision<fp32>, transpose_lhs_hint = false} : vector<320x32xf32>, vector<32x256xf32>, vector<320x256xf32> -> vector<320x256xf32>
    %add3A_83 = arith.addf %add3A_71, %dot_general3A_82 : vector<320x256xf32>
    %get3A_84 = arith.constant 0 : index
    %get3A_85 = arith.constant 7 : index
    %get3A_86 = arith.constant 0 : index
    %get3A_87 = arith.constant 0 : index
    %get3A_88 = vector.load %arg2[%get3A_84, %get3A_85, %get3A_86, %get3A_87] : memref<1x8x320x33xf32, #tpu.memory_space<vmem>>, vector<1x1x320x32xf32>
    %get3A_89 = vector.shape_cast %get3A_88 : vector<1x1x320x32xf32> to vector<320x32xf32>
    %get3A_90 = arith.constant 224 : index
    %get3A_91 = arith.constant 0 : index
    %get3A_92 = vector.load %arg3[%get3A_90, %get3A_91] : memref<256x256xf32, #tpu.memory_space<vmem>>, vector<32x256xf32>
    %dot_general3A_93 = arith.constant dense<0.000000e+00> : vector<320x256xf32>
    %dot_general3A_94 = tpu.matmul %get3A_89, %get3A_92, %dot_general3A_93 {dimension_numbers = #tpu.dot_dimension_numbers<[1], [0], [0], [1], [0, 0, 1, 1], [], []>, precision = #tpu.contract_precision<fp32>, transpose_lhs_hint = false} : vector<320x32xf32>, vector<32x256xf32>, vector<320x256xf32> -> vector<320x256xf32>
    %add3A_95 = arith.addf %add3A_83, %dot_general3A_94 : vector<320x256xf32>
    %swap3A = arith.constant 0 : index
    %swap3A_96 = arith.constant 0 : index
    %swap3A_97 = arith.constant 0 : index
    %swap3A_98 = vector.load %arg5[%swap3A, %swap3A_96, %swap3A_97] : memref<1x320x256xf32, #tpu.memory_space<vmem>>, vector<1x320x256xf32>
    %swap3A_99 = vector.shape_cast %swap3A_98 : vector<1x320x256xf32> to vector<320x256xf32>
    %swap3A_100 = vector.shape_cast %add3A_95 : vector<320x256xf32> to vector<1x320x256xf32>
    tpu.vector_store %arg5[%swap3A, %swap3A_96, %swap3A_97], %swap3A_100 {strides = array<i32>} : memref<1x320x256xf32, #tpu.memory_space<vmem>>, vector<1x320x256xf32>,
    return
  }
  func.func @transform_0(%arg0: i32, %arg1: i32) -> (i32, i32, i32, i32) {
    %c0_i32 = arith.constant 0 : i32
    %c0_i32_0 = arith.constant 0 : i32
    %c0_i32_1 = arith.constant 0 : i32
    return %arg1, %c0_i32, %arg0, %c0_i32_0 : i32, i32, i32, i32
  }
  func.func @transform_1(%arg0: i32, %arg1: i32) -> (i32, i32) {
    %c0_i32 = arith.constant 0 : i32
    %c0_i32_0 = arith.constant 0 : i32
    %c0_i32_1 = arith.constant 0 : i32
    return %c0_i32, %c0_i32_0 : i32, i32
  }
  func.func @transform_2(%arg0: i32, %arg1: i32) -> i32 {
    %c0_i32 = arith.constant 0 : i32
    %c0_i32_0 = arith.constant 0 : i32
    return %c0_i32 : i32
  }
  func.func @transform_3(%arg0: i32, %arg1: i32) -> (i32, i32, i32) {
    %c0_i32 = arith.constant 0 : i32
    %c0_i32_0 = arith.constant 0 : i32
    return %arg1, %arg0, %c0_i32 : i32, i32, i32
  }
}

</mosaic_0001>

<sc_bundles>
// kernel: _run.5.cloned.1.call-start
scs
__scs_entry_jumppad:
0x0: {  	(pc) =	sbr.rel $0x88, $3  }
0x1: {  	(tag) =	ssettag $0x0;
	lr =	simm.s32 $0x1  }
0x2: {  	[smem:$0x3F96] =	sst lr;
	_ =	strace $0xD0000000  }
0x3: {  	_ = 	snop  }
0x4: {  	_ = 	snop  }
0x5: {  	_ = 	snop  }
0x6: {  	_ = 	snop  }
0x7: {  	_ = 	snop  }
__scs_overlays_trampoline_lowered:
0x8: {  	[smem:$0x3FA5] =	sst s0  }
0x9: {  	[smem:$0x3FA6] =	sst s1  }
0xa: {  	[smem:$0x3FA7] =	sst s2  }
0xb: {  	[smem:$0x3FA8] =	sst s3  }
0xc: {  	[smem:$0x3FA9] =	sst s4  }
0xd: {  	[smem:$0x3FAA] =	sst s5  }
0xe: {  	[smem:$0x3FAB] =	sst s6  }
0xf: {  	[smem:$0x3FAC] =	sst s7  }
0x10: {  	[smem:$0x3FAD] =	sst s8  }
0x11: {  	[smem:$0x3FAE] =	sst s9;
	s0 =	simm.s32 @!p0 $0x0  }
0x12: {  	s1 =	sld [smem:$0x3F94];
	s0 =	simm.s32 @p0 $0x1  }
0x13: {  	[smem:$0x3FAF] =	sst s0;
	s0 =	simm.s32 @!p1 $0x0  }
0x14: {  	s2 =	sld [smem:$0x3F93];
	s0 =	simm.s32 @p1 $0x1  }
0x15: {  	[smem:$0x3FB0] =	sst s0;
	s0 =	simm.s32 @!p2 $0x0  }
0x16: {  	s3 =	sld [smem:$0x3FDB];
	s0 =	simm.s32 @p2 $0x1  }
0x17: {  	s4 =	simm.s32 $0x1BF5;
	[smem:$0x3FB2] =	sst s0  }
0x18: {  	s0 =	sld [smem:$0x3F95];
	_ =	swait.ge [sflag:s4], $0x0  }
0x19: {  	s7 =	sld [smem:$0x3F96]  }
0x1a: {  	s8 =	sadd.s32 $0xFFFFE003, lr  }
0x1b: {  	s9 =	sadd.s32 $0xFFFFFEF7, lr;
	s5 =	simm.s32 $0xFFFFFFFF;
	p2 =	slt.u32 s8, $0xFFFFF086  }
0x1c: {  	p1 =	slt.u32 s9, $0xF7A;
	s5 =	simm.s32 @!p2 $0x0  }
0x1d: {  	s5 =	simm.s32 @p1 $0x1;
	p0 =	seq.s32 s7, s2  }
0x1e: {  	s7 =	smul.u32 @!p0 $0xF7A, s2;
	p2 =	seq.s32 @!p0 s5, $0x0  }
0x1f: {  	s9 =	smul.u32 $0xF7A, s1;
	s8 =	simm.s32 @!p0 $0x1BF5;
	p2 =	por !p2, p0  }
0x20: {  	[sflag:s8] =	ssyncset.s32 @!p0 $0xFFFFF086;
	s6 =	sadd.s32 @!p0 s3, s7;
	s7 =	simm.s32 @!p0 $0x108  }
0x21: {  	s3 =	sadd.s32 s3, s9;
	s6 =	sadd.s32 @!p0 $0x88, s6;
	s7 =	simm.s32 @p2 $0x1082  }
0x22: {  	[simem:s7], [sflag:s8] =	dma.local @!p0 [hbm:s6], $0xF7A  }
0x23: {  	s9 =	sor.u32 $0xD0000000, s2;
	s6 =	simm.s32 $0x108;
	_ =	swait.ge @!p0 [sflag:s8], $0x0  }
0x24: {  	s3 =	sadd.s32 $0x88, s3;
	s6 =	simm.s32 @!p1 $0x1082;
	[sflag:s4] =	ssyncset.s32 $0xFFFFF086  }
0x25: {  	[simem:s6], [sflag:s4] =	dma.local [hbm:s3], $0xF7A  }
0x26: {  	[smem:$0x3F96] =	sst s1;
	(tag) =	ssettag s2;
	_ =	strace s9  }
0x27: {  	s1 =	sld [smem:$0x3FA6]  }
0x28: {  	s2 =	sld [smem:$0x3FA7]  }
0x29: {  	s4 =	sld [smem:$0x3FA9]  }
0x2a: {  	p0 =	seq.s32 s5, $0x0;
	s5 =	sld [smem:$0x3FAA]  }
0x2b: {  	s6 =	sld [smem:$0x3FAB]  }
0x2c: {  	s7 =	sld [smem:$0x3FAC]  }
0x2d: {  	s3 =	simm.s32 $0x108;
	s8 =	sld [smem:$0x3FAD]  }
0x2e: {  	s3 =	simm.s32 @!p0 $0x1082;
	s9 =	sld [smem:$0x3FAE]  }
0x2f: {  	lr =	sadd.s32 s0, s3;
	s0 =	sld [smem:$0x3FA5]  }
0x30: {  	s3 =	sld [smem:$0x3FA8]  }
0x31: {  	[smem:$0x3FB1] =	sst s10  }
0x32: {  	s10 =	sld [smem:$0x3FAF];
	_ =	sdelay $0x3  }
0x33: {  	p0 =	seq.s32 s10, $0x1;
	s10 =	sld [smem:$0x3FB1];
	_ =	sdelay $0x3  }
0x34: {  	[smem:$0x3FB1] =	sst s10  }
0x35: {  	s10 =	sld [smem:$0x3FB0];
	_ =	sdelay $0x3  }
0x36: {  	p1 =	seq.s32 s10, $0x1;
	s10 =	sld [smem:$0x3FB1];
	_ =	sdelay $0x3  }
0x37: {  	[smem:$0x3FB1] =	sst s10  }
0x38: {  	s10 =	sld [smem:$0x3FB2]  }
0x39: {  	_ = 	snop;
	(pc) =	sbr.ind lr, $3  }
0x3a: {  	_ = 	snop  }
0x3b: {  	_ = 	snop  }
0x3c: {  	p2 =	seq.s32 s10, $0x1;
	s10 =	sld [smem:$0x3FB1]  }
0x3d: {  	_ =	shalt  }
0x3e: {  	_ =	shalt  }
0x3f: {  	_ =	shalt  }
0x40: {  	_ =	shalt  }
0x41: {  	_ =	shalt  }
0x42: {  	_ =	shalt  }
0x43: {  	_ =	shalt  }
0x44: {  	_ =	shalt  }
0x45: {  	_ =	shalt  }
0x46: {  	_ =	shalt  }
0x47: {  	_ =	shalt  }
0x48: {  	_ =	shalt  }
0x49: {  	_ =	shalt  }
0x4a: {  	_ =	shalt  }
0x4b: {  	_ =	shalt  }
0x4c: {  	_ =	shalt  }
0x4d: {  	_ =	shalt  }
0x4e: {  	_ =	shalt  }
0x4f: {  	_ =	shalt  }
0x50: {  	_ =	shalt  }
0x51: {  	_ =	shalt  }
0x52: {  	_ =	shalt  }
0x53: {  	_ =	shalt  }
0x54: {  	_ =	shalt  }
0x55: {  	_ =	shalt  }
0x56: {  	_ =	shalt  }
0x57: {  	_ =	shalt  }
0x58: {  	_ =	shalt  }
0x59: {  	_ =	shalt  }
0x5a: {  	_ =	shalt  }
0x5b: {  	_ =	shalt  }
0x5c: {  	_ =	shalt  }
0x5d: {  	_ =	shalt  }
0x5e: {  	_ =	shalt  }
0x5f: {  	_ =	shalt  }
0x60: {  	_ =	shalt  }
0x61: {  	_ =	shalt  }
0x62: {  	_ =	shalt  }
0x63: {  	_ =	shalt  }
0x64: {  	_ =	shalt  }
0x65: {  	_ =	shalt  }
0x66: {  	_ =	shalt  }
0x67: {  	_ =	shalt  }
0x68: {  	_ =	shalt  }
0x69: {  	_ =	shalt  }
0x6a: {  	_ =	shalt  }
0x6b: {  	_ =	shalt  }
0x6c: {  	_ =	shalt  }
0x6d: {  	_ =	shalt  }
0x6e: {  	_ =	shalt  }
0x6f: {  	_ =	shalt  }
0x70: {  	_ =	shalt  }
0x71: {  	_ =	shalt  }
0x72: {  	_ =	shalt  }
0x73: {  	_ =	shalt  }
0x74: {  	_ =	shalt  }
0x75: {  	_ =	shalt  }
0x76: {  	_ =	shalt  }
0x77: {  	_ =	shalt  }
0x78: {  	_ =	shalt  }
0x79: {  	_ =	shalt  }
0x7a: {  	_ =	shalt  }
0x7b: {  	_ =	shalt  }
0x7c: {  	_ =	shalt  }
0x7d: {  	_ =	shalt  }
0x7e: {  	_ =	shalt  }
0x7f: {  	_ =	shalt  }
0x80: {  	_ =	shalt  }
0x81: {  	_ =	shalt  }
0x82: {  	_ =	shalt  }
0x83: {  	_ =	shalt  }
0x84: {  	_ =	shalt  }
0x85: {  	_ =	shalt  }
0x86: {  	_ =	shalt  }
0x87: {  	_ =	shalt  }
.Lfunc_end0:
.L_simem_size_0:
called_computation.4_lowered:
.L_overlay_start_0:
0x88: {  	s2 =	sld [smem:$0x3FD9]  }
0x89: {  	s3 =	sld [smem:$0x3FFE];
	_ =	sdelay $0x1  }
0x8a: {  	s1 =	srdreg.scid  }
0x8b: {  	s0 =	sand.u32 $0x1, s1  }
0x8c: {  	s17 =	sshll.u32 s0, $0xA;
	s2 =	sadd.s32 s3, s2  }
0x8d: {  	s2 =	sadd.s32 s2, s17  }
0x8e: {  	[smem:$0x3FBD] =	sst s2  }
0x8f: {  	_ = 	snop  }
0x90: {  	s2 =	sld [smem:$0x3FD0];
	(tm) =	ssettm $0x1  }
0x91: {  	s18 =	sld [smem:$0x3FFB];
	_ =	sdelay $0x3  }
0x92: {  	_ =	strace s18  }
0x93: {  	s3 =	sld [smem:$0x3FFC];
	_ =	sdelay $0x3  }
0x94: {  	_ =	strace s3  }
0x95: {  	s3 =	sld [smem:$0x3FFD];
	_ =	sdelay $0x3  }
0x96: {  	_ =	strace s3  }
0x97: {  	_ =	strace $0x8FFFFFFF  }
0x98: {  	s19 =	sld [smem:$0x3FDB];
	_ =	sdelay $0x1  }
0x99: {  	s4 =	simm.s32 $_scs_section_size  }
0x9a: {  	s5 =	simm.s32 $_size__tile_overlayer_lowered;
	s6 =	simm.s32 $_tile_overlayer_lowered  }
0x9b: {  	s22 =	simm.s32 $0x1BFF;
	s21 =	sshll.u32 s6, $0x1;
	s3 =	sadd.s32 s4, s19  }
0x9c: {  	s7 =	simm.s32 $0x0;
	s20 =	sshll.u32 s5, $0x1;
	s5 =	sadd.s32 s21, s3  }
0x9d: {  	[timem:s7], [sflag:s22] =	dma.local [hbm:s5], s20  }
0x9e: {  	_ =	swait.ge [sflag:s22], s20  }
0x9f: {  	s4 =	ssub.s32 $0x0, s20;
	[sflag:s22] =	ssyncset.done $0x0  }
0xa0: {  	[sflag:s22] =	ssyncadd.s32 s4;
	_ =	sdelay $0x1  }
0xa1: {  	s23 =	simm.s32 $0x1B8B  }
0xa2: {  	_ =	swait.ge [sflag:s23], $0x1  }
0xa3: {  	[sflag:s23] =	ssyncset.done $0x0  }
0xa4: {  	s25 =	simm.s32 $0x1B8E;
	s24 =	sld [smem:$0x3FFE];
	[sflag:s23] =	ssyncadd.s32 $0xFFFFFFFF  }
0xa5: {  	s26 =	simm.s32 $execute0_lowered;
	[smem:$0x3FD2] =	sst s25  }
0xa6: {  	s5 =	sshll.u32 s26, $0x1;
	_ =	strace $0x80000052;
	[dreg:$0x1] =	wrdreg $0xFFFFFFFF  }
0xa7: {  	s28 =	simm.s32 $_size_execute0_lowered;
	s3 =	sadd.s32 s3, s5;
	[dreg:$0x0] =	wrdreg $0x0  }
0xa8: {  	s5 =	sshll.u32 s28, $0x1;
	[dreg:$0x2] =	wrdreg s3  }
0xa9: {  	[dreg:$0x3] =	wrdreg s5  }
0xaa: {  	[dreg:$0x4] =	wrdreg $0xC0  }
0xab: {  	_ =	task [dreg:s7], $0x5FFFF  }
0xac: {  	[dreg:$0x1] =	wrdreg $0xFFFFFFFF  }
0xad: {  	[dreg:$0x0] =	wrdreg $0x60  }
0xae: {  	[dreg:$0x2] =	wrdreg s2  }
0xaf: {  	[dreg:$0x3] =	wrdreg s24  }
0xb0: {  	[dreg:$0x4] =	wrdreg $0x9  }
0xb1: {  	_ =	task.clear_ibuf [dreg:s7], $0x5FFFF;
	_ =	strace $0x90000052  }
0xb2: {  	s29 =	simm.s32 $0x9;
	_ =	strace $0x80000054  }
0xb3: {  	_ =	swait.ge [sflag:s29], $0x1  }
0xb4: {  	[sflag:s29] =	ssyncadd.s32 $0xFFFFFFFF  }
0xb5: {  	_ =	strace $0x90000054  }
0xb6: {  	_ =	sfence  }
0xb7: {  	s30 =	sld [smem:$0x0];
	_ =	sdelay $0x2  }
0xb8: {  	s31 =	sshll.u32 s1, $0xD;
	s1 =	sshrl.u32 s1, $0x2  }
0xb9: {  	s3 =	sand.u32 $0x4000, s31;
	s1 =	sadd.s32 s1, s30  }
0xba: {  	s0 =	sor.u32 s3, s0;
	s1 =	sshll.u32 s1, $0x11  }
0xbb: {  	s0 =	sor.u32 s1, s0  }
0xbc: {  	s0 =	sadd.s32 $0x8F2B, s0  }
0xbd: {  	[sflag:s0] =	ssyncadd.remote.s32 $0x1  }
0xbe: {  	_ =	sfence.sel $0xFFFF  }
0xbf: {  	[dreg:$0x0] =	wrdreg $0xFFFFFFFF;
	(pc) =	sbr.abs _section_cstart, $3  }
0xc0: {  	[dreg:$0x1] =	wrdreg $0xFFFFFFFF  }
0xc1: {  	_ =	task.clear_ibuf [dreg:s7], $0x2FFFF;
	_ =	strace $0x9FFFFFFF  }
0xc2: {  	(tm) =	ssettm $0x7FFFFFFF  }
0xc3: {  	_ =	shalt  }
tec
execute0_lowered:
.L_overlay_start_1:
0x0: {  	(tag) =	ssettag $0x1  }
0x1: {  	s7 =	rddreg [dreg:$0x0]  }
0x2: {  	s5 =	rddreg [dreg:$0x1]  }
0x3: {  	s0 =	rddreg [dreg:$0x2]  }
0x4: {  	s2 =	simm.s32 $0x0;
	s3 =	srdreg.scid;
	s1 =	stileid.u32  }
0x5: {  	s12 =	simm.s32 $0x19280;
	s13 =	simm.s32 $0x1BB80;
	s14 =	simm.s32 $0x0  }
0x6: {  	[smem:$0x7FF] =	sst s2;
	s6 =	sand.u32 $0x1, s3;
	s4 =	sshll.u32 s1, $0x1  }
0x7: {  	s3 =	sadd.s32 $0x15A600, s5;
	_ =	strace $0x80000053;
	s8 =	sor.u32 s6, s4  }
0x8: {  	s4 =	sadd.s32 $0x2B3C00, s5;
	s9 =	ssub.s32 $0x2, s6;
	s10 =	smul.u32 $0x2D28, s8  }
0x9: {  	s5 =	sadd.s32 $0x2600, s5;
	s11 =	sshrl.u32 s9, $0x1;
	s6 =	smul.u32 $0x56540, s8  }
0xa: {  	s8 =	smul.u32 $0x2BD40, s8;
	s9 =	ssub.s32 s9, s11;
	s11 =	simm.s32 $0x16980  }
0xb: {  	s7 =	sadd.s32 s7, s10;
	s9 =	smax.u32 s9, $0x1;
	s10 =	simm.s32 $0x1  }
.LBB2_1:
0xc: {  	[tilespmem:s2], [sflag:$0x1] =	stream.linear.gather [hbm4b:s7+s2], $0x16940, $0x38;
	[tilespmem:$0x1D080] =	vst v63  }
0xd: {  	_ =	swait.ge [sflag:s10], $0x16940  }
0xe: {  	[sflag:s10] =	ssyncset.done $0x0  }
0xf: {  	s15 =	simm.s32 $0x0;
	[sflag:s10] =	ssyncadd.s32 $0xFFFE96C0  }
.LBB2_2:
0x10: {  	s16 =	smul.u32 $0x28A0, s15;
	_ =	sdelay $0x1  }
0x11: {  	s16 =	sadd.s32 s6, s16  }
0x12: {  	s17 =	sshrl.u32 s16, $0x3  }
0x13: {  	s16 =	simm.s32 $0x0;
	s18 =	sadd.s32 s3, s17  }
0x14: {  	[tilespmem:s11], [sflag:$0x1] =	stream.linear.gather [hbm4b:s18+s16], $0x28A0, $0x38;
	[tilespmem:$0x1D080] =	vst v63  }
0x15: {  	_ =	swait.ge [sflag:s10], $0x28A0  }
0x16: {  	[sflag:s10] =	ssyncset.done $0x0  }
0x17: {  	s17 =	sadd.s32 s4, s17;
	[sflag:s10] =	ssyncadd.s32 $0xFFFFD760  }
0x18: {  	[tilespmem:s12], [sflag:$0x1] =	stream.linear.gather [hbm4b:s17+s16], $0x28A0, $0x38;
	[tilespmem:$0x1D080] =	vst v63  }
0x19: {  	_ =	swait.ge [sflag:s10], $0x28A0  }
0x1a: {  	[sflag:s10] =	ssyncset.done $0x0  }
0x1b: {  	s17 =	simm.s32 $0x0;
	[sflag:s10] =	ssyncadd.s32 $0xFFFFD760  }
.LBB2_3:
0x1c: {  	s18 =	sshll.u32 s17, $0x4;
	v0 =	vlaneseq.u32  }
0x1d: {  	v9 =	vor.u32 s18, v0  }
0x1e: {  	v13 =	vmul.u32 $0x41, v9;
	_ =	sdelay $0x1  }
0x1f: {  	v1 =	vadd.s32 s16, v13;
	_ =	sdelay $0x4  }
0x20: {  	v2 =	vld.idx.msk [tilespmem:v1+s11+$0x0], $0xffff;
	_ =	sdelay $0x1  }
0x21: {  	s31 =	simm.s32 $0x1  }
0x22: {  	v26 =	vadd.s32 s31, v13;
	_ =	sdelay $0x1  }
0x23: {  	v3 =	vadd.s32 $0x1, v2  }
0x24: {  	v4 =	vadd.s32 $0x2, v2  }
0x25: {  	v1 =	vld.idx.msk [tilespmem:v1+s12+$0x0], $0xffff;
	v5 =	vadd.s32 $0x6, v2  }
0x26: {  	v36 =	vld.idx.msk [tilespmem:v26+s11+$0x0], $0xffff;
	v6 =	vadd.s32 $0x7, v2  }
0x27: {  	v16 =	vimm.f32 $0.0e+00;
	v10 =	vadd.s32 $0x4, v2;
	v7 =	vld.idx.msk [tilespmem:v2+s2+$0x0], $0xffff  }
0x28: {  	v8 =	vadd.s32 $0xB, v2;
	v11 =	vadd.s32 $0x3, v2;
	v12 =	vadd.s32 $0x9, v2;
	v3 =	vld.idx.msk [tilespmem:v3+s2+$0x0], $0xffff  }
0x29: {  	v14 =	vadd.s32 $0xE, v2;
	v15 =	vadd.s32 $0xA, v2;
	v17 =	vadd.s32 $0xC, v2;
	v4 =	vld.idx.msk [tilespmem:v4+s2+$0x0], $0xffff  }
0x2a: {  	v23 =	vpack.i.f32.bf16 v1, v1;
	v18 =	vadd.s32 $0xF, v2;
	v19 =	vadd.s32 $0x8, v2;
	v5 =	vld.idx.msk [tilespmem:v5+s2+$0x0], $0xffff  }
0x2b: {  	v40 =	vadd.s32 $0x2, v36;
	v52 =	vadd.s32 $0x3, v36;
	v41 =	vadd.s32 $0x6, v36;
	v1 =	vld.idx.msk [tilespmem:v6+s2+$0x0], $0xffff  }
0x2c: {  	v47 =	vadd.s32 $0x4, v36;
	v46 =	vadd.s32 $0x7, v36;
	v37 =	vadd.s32 $0x9, v36;
	v10 =	vld.idx.msk [tilespmem:v10+s2+$0x0], $0xffff  }
0x2d: {  	v49 =	vadd.s32 $0xA, v36;
	v39 =	vadd.s32 $0xC, v36;
	v42 =	vadd.s32 $0xD, v36;
	v11 =	vld.idx.msk [tilespmem:v11+s2+$0x0], $0xffff  }
0x2e: {  	v51 =	vadd.s32 $0xB, v36;
	v56 =	vadd.s32 $0xE, v36;
	v48 =	vadd.s32 $0x8, v36;
	v17 =	vld.idx.msk [tilespmem:v17+s2+$0x0], $0xffff  }
0x2f: {  	v53 =	vadd.s32 $0xF, v36;
	v6 =	vadd.s32 $0xD, v2;
	v7 =	vmul.bf16 v7, v23  }
0x30: {  	v2 =	vadd.s32 $0x5, v2;
	v43 =	vld.idx.msk [tilespmem:v41+s2+$0x0], $0xffff;
	v41 =	vadd.s32 $0x5, v36;
	v3 =	vmul.bf16 v3, v23  }
0x31: {  	v20 =	vunpack.i.u.bf16.f32 v7;
	v4 =	vmul.bf16 v4, v23;
	v1 =	vmul.bf16 v1, v23  }
0x32: {  	v8 =	vld.idx.msk [tilespmem:v8+s2+$0x0], $0xffff;
	v7 =	vunpack.i.l.bf16.f32 v7;
	v10 =	vmul.bf16 v10, v23;
	v5 =	vmul.bf16 v5, v23  }
0x33: {  	v15 =	vld.idx.msk [tilespmem:v15+s2+$0x0], $0xffff;
	v11 =	vmul.bf16 v11, v23;
	v17 =	vmul.bf16 v17, v23;
	v28 =	vadd.f32 v7, v16  }
0x34: {  	v7 =	vld.idx.msk [tilespmem:v14+s2+$0x0], $0xffff;
	v22 =	vadd.f32 v20, v16;
	v14 =	vunpack.i.u.bf16.f32 v3;
	v3 =	vunpack.i.l.bf16.f32 v3  }
0x35: {  	v18 =	vld.idx.msk [tilespmem:v18+s2+$0x0], $0xffff;
	v30 =	vunpack.i.l.bf16.f32 v5;
	v27 =	vunpack.i.u.bf16.f32 v1;
	v34 =	vunpack.i.l.bf16.f32 v1  }
0x36: {  	v33 =	vld.idx.msk [tilespmem:v2+s2+$0x0], $0xffff;
	v24 =	vadd.f32 v3, v16;
	v3 =	vunpack.i.u.bf16.f32 v4;
	v4 =	vunpack.i.l.bf16.f32 v4  }
0x37: {  	v57 =	vunpack.i.u.bf16.f32 v17;
	v27 =	vadd.f32 v27, v16;
	v20 =	vadd.f32 v4, v16  }
0x38: {  	v44 =	vunpack.i.l.bf16.f32 v17;
	v4 =	vld.idx.msk [tilespmem:v19+s2+$0x0], $0xffff;
	v19 =	vadd.f32 v14, v16;
	v21 =	vadd.f32 v3, v16  }
0x39: {  	v3 =	vmul.bf16 v8, v23;
	v8 =	vld.idx.msk [tilespmem:v12+s2+$0x0], $0xffff;
	v14 =	vunpack.i.l.bf16.f32 v10;
	v12 =	vunpack.i.u.bf16.f32 v5  }
0x3a: {  	v5 =	vmul.bf16 v15, v23;
	v15 =	vld.idx.msk [tilespmem:v6+s2+$0x0], $0xffff;
	v6 =	vmul.bf16 v18, v23;
	v10 =	vunpack.i.u.bf16.f32 v10  }
0x3b: {  	v18 =	vadd.f32 v10, v16;
	v33 =	vmul.bf16 v33, v23;
	v25 =	vmul.bf16 v7, v23  }
0x3c: {  	v7 =	vunpack.i.l.bf16.f32 v3;
	v3 =	vunpack.i.u.bf16.f32 v3;
	v31 =	vunpack.i.l.bf16.f32 v6  }
0x3d: {  	v32 =	vunpack.i.u.bf16.f32 v6;
	v45 =	vunpack.i.u.bf16.f32 v33;
	v1 =	vunpack.i.l.bf16.f32 v25  }
0x3e: {  	v29 =	vmul.bf16 v4, v23;
	v4 =	vadd.f32 v7, v16;
	v7 =	vunpack.i.l.bf16.f32 v5  }
0x3f: {  	v5 =	vunpack.i.u.bf16.f32 v5;
	v35 =	vmul.bf16 v15, v23;
	v15 =	vadd.f32 v12, v16  }
0x40: {  	v8 =	vmul.bf16 v8, v23;
	v6 =	vadd.f32 v5, v16;
	v5 =	vadd.f32 v3, v16  }
0x41: {  	v3 =	vadd.f32 v1, v16;
	v1 =	vadd.f32 v31, v16;
	v31 =	vadd.s32 $0x1, v36  }
0x42: {  	v62 =	vunpack.i.l.bf16.f32 v33;
	v23 =	vld.idx.msk [tilespmem:v26+s12+$0x0], $0xffff;
	v26 =	vadd.f32 v14, v16;
	v7 =	vadd.f32 v7, v16  }
0x43: {  	v14 =	vld.idx.msk [tilespmem:v36+s2+$0x0], $0xffff;
	v12 =	vunpack.i.u.bf16.f32 v8;
	v2 =	vunpack.i.l.bf16.f32 v8;
	v8 =	vunpack.i.u.bf16.f32 v25  }
0x44: {  	v25 =	vunpack.i.u.bf16.f32 v11;
	v61 =	vunpack.i.l.bf16.f32 v29;
	v38 =	vunpack.i.u.bf16.f32 v29  }
0x45: {  	v17 =	vld.idx.msk [tilespmem:v40+s2+$0x0], $0xffff;
	v29 =	vunpack.i.u.bf16.f32 v35;
	v11 =	vunpack.i.l.bf16.f32 v11;
	v10 =	vadd.f32 v2, v16  }
0x46: {  	v35 =	vunpack.i.l.bf16.f32 v35;
	v2 =	vadd.f32 v32, v16;
	v12 =	vadd.f32 v12, v16;
	v54 =	vld.idx.msk [tilespmem:v31+s2+$0x0], $0xffff  }
0x47: {  	v25 =	vadd.f32 v25, v16;
	v8 =	vadd.f32 v8, v16;
	v23 =	vpack.i.f32.bf16 v23, v23  }
0x48: {  	v50 =	vld.idx.msk [tilespmem:v46+s2+$0x0], $0xffff;
	v31 =	vadd.f32 v11, v16;
	v11 =	vadd.f32 v29, v16;
	v29 =	vmul.bf16 v14, v23  }
0x49: {  	v46 =	vld.idx.msk [tilespmem:v51+s2+$0x0], $0xffff;
	v36 =	vimm.f32 $0.0e+00;
	v32 =	vadd.f32 v62, v16;
	v14 =	vadd.f32 v35, v16  }
0x4a: {  	v40 =	vld.idx.msk [tilespmem:v49+s2+$0x0], $0xffff;
	v55 =	vmul.bf16 v17, v23;
	v49 =	vunpack.i.u.bf16.f32 v29;
	v29 =	vunpack.i.l.bf16.f32 v29  }
0x4b: {  	v51 =	vld.idx.msk [tilespmem:v47+s2+$0x0], $0xffff;
	v17 =	vadd.f32 v57, v16;
	v33 =	vadd.f32 v29, v28;
	v63 =	vmul.bf16 v54, v23  }
0x4c: {  	v47 =	vld.idx.msk [tilespmem:v56+s2+$0x0], $0xffff;
	v35 =	vimm.f32 $0.0e+00;
	v28 =	vadd.f32 v61, v16;
	v29 =	vadd.f32 v34, v16  }
0x4d: {  	s18 =	simm.s32 $0x2;
	v52 =	vld.idx.msk [tilespmem:v52+s2+$0x0], $0xffff;
	v34 =	vimm.f32 $0.0e+00;
	v54 =	vunpack.i.u.bf16.f32 v63;
	v56 =	vunpack.i.l.bf16.f32 v63  }
.LBB2_4:
0x4e: {  	p0 =	sne.s32 s18, $0x3F;
	v24 =	vadd.f32 v56, v24;
	v53 =	vld.idx.msk [tilespmem:v53+s2+$0x0], $0xffff;
	v16 =	vadd.f32 v45, v16;
	s19 =	smov.u32 s18;
	s18 =	sadd.s32 $0x1, s18  }
0x4f: {  	v45 =	vunpack.i.u.bf16.f32 v55;
	v55 =	vunpack.i.l.bf16.f32 v55;
	v35 =	vadd.f32 v38, v35;
	v48 =	vld.idx.msk [tilespmem:v48+s2+$0x0], $0xffff  }
0x50: {  	v38 =	vmul.bf16 v50, v23;
	v36 =	vadd.f32 v30, v36;
	v34 =	vadd.f32 v44, v34;
	v42 =	vld.idx.msk [tilespmem:v42+s2+$0x0], $0xffff  }
0x51: {  	v22 =	vadd.f32 v49, v22;
	v20 =	vadd.f32 v55, v20;
	v44 =	vmul.bf16 v51, v23;
	v39 =	vld.idx.msk [tilespmem:v39+s2+$0x0], $0xffff  }
0x52: {  	v19 =	vadd.f32 v54, v19;
	v30 =	vmul.bf16 v43, v23;
	v21 =	vadd.f32 v45, v21  }
0x53: {  	v45 =	vmul.bf16 v46, v23;
	v43 =	vmul.bf16 v52, v23;
	v37 =	vld.idx.msk [tilespmem:v37+s2+$0x0], $0xffff  }
0x54: {  	v49 =	vunpack.i.u.bf16.f32 v30;
	v47 =	vmul.bf16 v47, v23;
	v46 =	vunpack.i.l.bf16.f32 v44  }
0x55: {  	v40 =	vmul.bf16 v40, v23;
	v30 =	vunpack.i.l.bf16.f32 v30;
	v50 =	vunpack.i.l.bf16.f32 v45  }
0x56: {  	v51 =	vadd.s32 s19, v13;
	v52 =	vunpack.i.u.bf16.f32 v38;
	v53 =	vmul.bf16 v53, v23  }
0x57: {  	v45 =	vunpack.i.u.bf16.f32 v45;
	v4 =	vadd.f32 v50, v4;
	v48 =	vmul.bf16 v48, v23;
	v41 =	vld.idx.msk [tilespmem:v41+s2+$0x0], $0xffff  }
0x58: {  	v44 =	vunpack.i.u.bf16.f32 v44;
	v50 =	vunpack.i.l.bf16.f32 v40;
	v54 =	vunpack.i.l.bf16.f32 v53  }
0x59: {  	v40 =	vunpack.i.u.bf16.f32 v40;
	v53 =	vunpack.i.u.bf16.f32 v53;
	v37 =	vmul.bf16 v37, v23  }
0x5a: {  	v56 =	vunpack.i.l.bf16.f32 v38;
	v5 =	vadd.f32 v45, v5;
	v6 =	vadd.f32 v40, v6  }
0x5b: {  	v7 =	vadd.f32 v50, v7;
	v38 =	vunpack.i.l.bf16.f32 v47;
	v40 =	vmul.bf16 v42, v23;
	v55 =	vld.idx.msk [tilespmem:v51+s11+$0x0], $0xffff  }
0x5c: {  	v15 =	vadd.f32 v49, v15;
	v3 =	vadd.f32 v38, v3;
	v42 =	vunpack.i.u.bf16.f32 v37  }
0x5d: {  	v18 =	vadd.f32 v44, v18;
	v1 =	vadd.f32 v54, v1;
	v37 =	vunpack.i.l.bf16.f32 v37  }
0x5e: {  	v44 =	vunpack.i.u.bf16.f32 v47;
	v2 =	vadd.f32 v53, v2;
	v10 =	vadd.f32 v37, v10  }
0x5f: {  	v47 =	vunpack.i.l.bf16.f32 v48;
	v37 =	vunpack.i.u.bf16.f32 v43;
	v12 =	vadd.f32 v42, v12  }
0x60: {  	v38 =	vunpack.i.u.bf16.f32 v48;
	v49 =	vmul.bf16 v41, v23;
	v41 =	vunpack.i.u.bf16.f32 v40  }
0x61: {  	v25 =	vadd.f32 v37, v25;
	v48 =	vadd.s32 $0x1, v55;
	v50 =	vadd.s32 $0x2, v55  }
0x62: {  	v23 =	vmul.bf16 v39, v23;
	v57 =	vadd.s32 $0x3, v55;
	v54 =	vadd.s32 $0x4, v55;
	v51 =	vld.idx.msk [tilespmem:v51+s12+$0x0], $0xffff  }
0x63: {  	v26 =	vadd.f32 v46, v26;
	v58 =	vadd.s32 $0x6, v55;
	v59 =	vadd.s32 $0x7, v55;
	v53 =	vld.idx.msk [tilespmem:v55+s2+$0x0], $0xffff  }
0x64: {  	v43 =	vunpack.i.l.bf16.f32 v43;
	v37 =	vadd.s32 $0x9, v55;
	v46 =	vadd.s32 $0xA, v55  }
0x65: {  	v45 =	vunpack.i.u.bf16.f32 v49;
	v39 =	vadd.s32 $0xC, v55;
	v42 =	vadd.s32 $0xD, v55  }
0x66: {  	v8 =	vadd.f32 v44, v8;
	v62 =	vunpack.i.u.bf16.f32 v23;
	v61 =	vadd.s32 $0xB, v55;
	v60 =	vld.idx.msk [tilespmem:v48+s2+$0x0], $0xffff  }
0x67: {  	v31 =	vadd.f32 v43, v31;
	v44 =	vunpack.i.l.bf16.f32 v23;
	v0 =	vadd.s32 $0xE, v55;
	v63 =	vld.idx.msk [tilespmem:v50+s2+$0x0], $0xffff  }
0x68: {  	v11 =	vadd.f32 v41, v11;
	v23 =	vpack.i.f32.bf16 v51, v51;
	v50 =	vunpack.i.l.bf16.f32 v40;
	v43 =	vld.idx.msk [tilespmem:v58+s2+$0x0], $0xffff  }
0x69: {  	v48 =	vadd.s32 $0x8, v55;
	v51 =	vmul.bf16 v53, v23;
	v14 =	vadd.f32 v50, v14;
	v40 =	vld.idx.msk [tilespmem:v46+s2+$0x0], $0xffff  }
.Ltmp0:
0x6a: {  	v41 =	vadd.s32 $0x5, v55;
	v53 =	vadd.s32 $0xF, v55;
	v58 =	vunpack.i.l.bf16.f32 v49;
	v50 =	vld.idx.msk [tilespmem:v59+s2+$0x0], $0xffff;
	(pc) =	sbr.rel @p0 .LBB2_4-.Ltmp0, $4  }
0x6b: {  	v27 =	vadd.f32 v52, v27;
	v49 =	vunpack.i.u.bf16.f32 v51;
	v51 =	vunpack.i.l.bf16.f32 v51;
	v46 =	vld.idx.msk [tilespmem:v61+s2+$0x0], $0xffff  }
0x6c: {  	v28 =	vadd.f32 v47, v28;
	v33 =	vadd.f32 v51, v33;
	v52 =	vmul.bf16 v60, v23;
	v51 =	vld.idx.msk [tilespmem:v54+s2+$0x0], $0xffff  }
0x6d: {  	v29 =	vadd.f32 v56, v29;
	v32 =	vadd.f32 v58, v32;
	v55 =	vmul.bf16 v63, v23;
	v47 =	vld.idx.msk [tilespmem:v0+s2+$0x0], $0xffff  }
0x6e: {  	v17 =	vadd.f32 v62, v17;
	v54 =	vunpack.i.u.bf16.f32 v52;
	v56 =	vunpack.i.l.bf16.f32 v52;
	v52 =	vld.idx.msk [tilespmem:v57+s2+$0x0], $0xffff  }
0x6f: {  	_ = 	snop  }
0x70: {  	v0 =	vadd.f32 v56, v24  }
0x71: {  	v13 =	vadd.f32 v45, v16;
	v59 =	vunpack.i.u.bf16.f32 v55;
	v60 =	vunpack.i.l.bf16.f32 v55  }
0x72: {  	v35 =	vadd.f32 v38, v35;
	v30 =	vadd.f32 v30, v36;
	v9 =	vmul.u32 $0x21, v9  }
0x73: {  	v45 =	vld.idx.msk [tilespmem:v53+s2+$0x0], $0xffff;
	v38 =	vmul.bf16 v50, v23;
	v34 =	vadd.f32 v44, v34;
	v22 =	vadd.f32 v49, v22  }
0x74: {  	v36 =	vld.idx.msk [tilespmem:v48+s2+$0x0], $0xffff;
	v19 =	vadd.f32 v54, v19;
	v43 =	vmul.bf16 v43, v23;
	v61 =	vadd.s32 $0x1, v9  }
0x75: {  	v42 =	vld.idx.msk [tilespmem:v42+s2+$0x0], $0xffff;
	v40 =	vmul.bf16 v40, v23;
	v20 =	vadd.f32 v60, v20;
	v62 =	vadd.s32 $0x2, v9  }
0x76: {  	v39 =	vld.idx.msk [tilespmem:v39+s2+$0x0], $0xffff;
	v16 =	vadd.f32 v59, v21;
	v46 =	vmul.bf16 v46, v23;
	v63 =	vadd.s32 $0x3, v9  }
0x77: {  	v37 =	vld.idx.msk [tilespmem:v37+s2+$0x0], $0xffff;
	v24 =	vmul.bf16 v51, v23;
	v57 =	vadd.s32 $0x4, v9;
	v58 =	vadd.s32 $0x5, v9  }
0x78: {  	v41 =	vld.idx.msk [tilespmem:v41+s2+$0x0], $0xffff;
	v59 =	vadd.s32 $0x6, v9;
	v53 =	vunpack.i.u.bf16.f32 v38;
	v60 =	vadd.s32 $0x7, v9;
	[tilespmem:v9+s13+$0x0] =	vst.idx.msk $0xffff, v33  }
0x79: {  	v49 =	vadd.s32 $0xC, v9;
	v51 =	vadd.s32 $0xD, v9;
	v48 =	vmul.bf16 v52, v23;
	[tilespmem:v61+s13+$0x0] =	vst.idx.msk $0xffff, v22  }
0x7a: {  	v55 =	vadd.s32 $0xE, v9;
	v47 =	vmul.bf16 v47, v23;
	v56 =	vunpack.i.l.bf16.f32 v24;
	[tilespmem:v62+s13+$0x0] =	vst.idx.msk $0xffff, v0  }
0x7b: {  	v24 =	vunpack.i.u.bf16.f32 v24;
	v61 =	vunpack.i.l.bf16.f32 v48;
	v62 =	vadd.s32 $0x8, v9;
	[tilespmem:v63+s13+$0x0] =	vst.idx.msk $0xffff, v19  }
0x7c: {  	v48 =	vunpack.i.u.bf16.f32 v48;
	v31 =	vadd.f32 v61, v31;
	v63 =	vadd.s32 $0x9, v9;
	[tilespmem:v57+s13+$0x0] =	vst.idx.msk $0xffff, v20  }
0x7d: {  	v41 =	vmul.bf16 v41, v23;
	v33 =	vadd.s32 $0xA, v9;
	v25 =	vadd.f32 v48, v25;
	[tilespmem:v58+s13+$0x0] =	vst.idx.msk $0xffff, v16  }
0x7e: {  	v21 =	vmul.bf16 v45, v23;
	v26 =	vadd.f32 v56, v26;
	v45 =	vadd.s32 $0xB, v9;
	[tilespmem:v59+s13+$0x0] =	vst.idx.msk $0xffff, v31  }
0x7f: {  	v44 =	vunpack.i.l.bf16.f32 v46;
	v18 =	vadd.f32 v24, v18;
	v48 =	vunpack.i.l.bf16.f32 v41;
	[tilespmem:v60+s13+$0x0] =	vst.idx.msk $0xffff, v25  }
0x80: {  	v27 =	vadd.f32 v53, v27;
	v50 =	vunpack.i.u.bf16.f32 v41;
	v24 =	vadd.f32 v48, v32;
	[tilespmem:v62+s13+$0x0] =	vst.idx.msk $0xffff, v26  }
0x81: {  	v52 =	vunpack.i.u.bf16.f32 v43;
	v43 =	vunpack.i.l.bf16.f32 v43;
	v13 =	vadd.f32 v50, v13;
	[tilespmem:v63+s13+$0x0] =	vst.idx.msk $0xffff, v18  }
0x82: {  	v54 =	vmul.bf16 v36, v23;
	v57 =	vadd.f32 v43, v30;
	v58 =	vadd.s32 $0xF, v9;
	[tilespmem:v33+s13+$0x0] =	vst.idx.msk $0xffff, v24  }
0x83: {  	v15 =	vadd.f32 v52, v15;
	v59 =	vunpack.i.l.bf16.f32 v38;
	v60 =	vadd.s32 $0x10, v9;
	[tilespmem:v45+s13+$0x0] =	vst.idx.msk $0xffff, v13  }
0x84: {  	v56 =	vunpack.i.u.bf16.f32 v46;
	v62 =	vadd.s32 $0x11, v9;
	v24 =	vadd.f32 v59, v29;
	[tilespmem:v49+s13+$0x0] =	vst.idx.msk $0xffff, v57  }
0x85: {  	v61 =	vmul.bf16 v37, v23;
	v30 =	vadd.s32 $0x12, v9;
	v63 =	vunpack.i.l.bf16.f32 v54;
	[tilespmem:v51+s13+$0x0] =	vst.idx.msk $0xffff, v15  }
0x86: {  	v32 =	vadd.s32 $0x13, v9;
	v31 =	vunpack.i.u.bf16.f32 v54;
	v25 =	vadd.f32 v63, v28;
	[tilespmem:v55+s13+$0x0] =	vst.idx.msk $0xffff, v24  }
0x87: {  	v19 =	vadd.f32 v31, v35;
	v35 =	vadd.s32 $0x14, v9;
	v33 =	vunpack.i.l.bf16.f32 v61;
	[tilespmem:v58+s13+$0x0] =	vst.idx.msk $0xffff, v27  }
0x88: {  	v36 =	vadd.s32 $0x15, v9;
	v22 =	vunpack.i.u.bf16.f32 v61;
	v10 =	vadd.f32 v33, v10;
	[tilespmem:v60+s13+$0x0] =	vst.idx.msk $0xffff, v25  }
0x89: {  	v37 =	vunpack.i.l.bf16.f32 v40;
	v12 =	vadd.f32 v22, v12;
	v38 =	vadd.s32 $0x16, v9;
	[tilespmem:v62+s13+$0x0] =	vst.idx.msk $0xffff, v19  }
0x8a: {  	v40 =	vunpack.i.u.bf16.f32 v40;
	v41 =	vadd.s32 $0x17, v9;
	v7 =	vadd.f32 v37, v7;
	[tilespmem:v30+s13+$0x0] =	vst.idx.msk $0xffff, v10  }
0x8b: {  	v6 =	vadd.f32 v40, v6;
	v43 =	vmul.bf16 v39, v23;
	v45 =	vadd.s32 $0x18, v9;
	[tilespmem:v32+s13+$0x0] =	vst.idx.msk $0xffff, v12  }
0x8c: {  	v4 =	vadd.f32 v44, v4;
	v46 =	vadd.s32 $0x19, v9;
	v5 =	vadd.f32 v56, v5;
	[tilespmem:v35+s13+$0x0] =	vst.idx.msk $0xffff, v7  }
0x8d: {  	v50 =	vadd.s32 $0x1A, v9;
	v48 =	vmul.bf16 v42, v23;
	v49 =	vunpack.i.l.bf16.f32 v43;
	[tilespmem:v36+s13+$0x0] =	vst.idx.msk $0xffff, v6  }
0x8e: {  	v53 =	vadd.s32 $0x1B, v9;
	v51 =	vunpack.i.u.bf16.f32 v43;
	v52 =	vadd.f32 v49, v34;
	[tilespmem:v38+s13+$0x0] =	vst.idx.msk $0xffff, v4  }
0x8f: {  	v54 =	vunpack.i.l.bf16.f32 v48;
	v13 =	vadd.f32 v51, v17;
	v55 =	vadd.s32 $0x1C, v9;
	[tilespmem:v41+s13+$0x0] =	vst.idx.msk $0xffff, v5  }
0x90: {  	v56 =	vunpack.i.u.bf16.f32 v48;
	v57 =	vadd.s32 $0x1D, v9;
	v4 =	vadd.f32 v54, v14;
	[tilespmem:v45+s13+$0x0] =	vst.idx.msk $0xffff, v52  }
0x91: {  	s17 =	sadd.s32 $0x1, s17;
	v59 =	vadd.s32 $0x1E, v9;
	v58 =	vunpack.i.l.bf16.f32 v47;
	v10 =	vadd.f32 v56, v11;
	[tilespmem:v46+s13+$0x0] =	vst.idx.msk $0xffff, v13  }
0x92: {  	p0 =	sne.s32 s17, $0xA;
	v61 =	vadd.s32 $0x1F, v9;
	v3 =	vadd.f32 v58, v3;
	v60 =	vunpack.i.u.bf16.f32 v47;
	[tilespmem:v50+s13+$0x0] =	vst.idx.msk $0xffff, v4  }
.Ltmp1:
0x93: {  	v62 =	vunpack.i.l.bf16.f32 v21;
	v8 =	vadd.f32 v60, v8;
	[tilespmem:v53+s13+$0x0] =	vst.idx.msk $0xffff, v10;
	(pc) =	sbr.rel @p0 .LBB2_3-.Ltmp1, $4  }
0x94: {  	v63 =	vunpack.i.u.bf16.f32 v21;
	v1 =	vadd.f32 v62, v1;
	[tilespmem:v55+s13+$0x0] =	vst.idx.msk $0xffff, v3  }
0x95: {  	v0 =	vadd.f32 v63, v2;
	[tilespmem:v57+s13+$0x0] =	vst.idx.msk $0xffff, v8  }
0x96: {  	[tilespmem:v59+s13+$0x0] =	vst.idx.msk $0xffff, v1  }
0x97: {  	[tilespmem:v61+s13+$0x0] =	vst.idx.msk $0xffff, v0  }
0x98: {  	s16 =	smul.u32 $0x14A0, s15;
	_ =	sdelay $0x1  }
0x99: {  	s15 =	sadd.s32 $0x1, s15;
	s16 =	sadd.s32 s8, s16  }
0x9a: {  	p0 =	sne.s32 s15, $0x22;
	s16 =	sshrl.u32 s16, $0x3  }
.Ltmp2:
0x9b: {  	s16 =	sadd.s32 s5, s16;
	(pc) =	sbr.rel @p0 .LBB2_2-.Ltmp2, $4  }
0x9c: {  	[hbm4b:s16+s2] =	stream.linear.scatter [tilespmem:s13], [sflag:$0x1], $0x14A0, $0x38;
	[tilespmem:$0x1D080] =	vst v63  }
0x9d: {  	_ =	swait.ge [sflag:s10], $0x14A0  }
0x9e: {  	[sflag:s10] =	ssyncset.done $0x0  }
0x9f: {  	[sflag:s10] =	ssyncadd.s32 $0xFFFFEB60  }
0xa0: {  	s14 =	sadd.s32 $0x1, s14  }
0xa1: {  	p0 =	sne.s32 s14, s9  }
.Ltmp3:
0xa2: {  	_ = 	snop;
	(pc) =	sbr.rel @p0 .LBB2_1-.Ltmp3, $1  }
0xa3: {  	_ =	sdelay $0x3  }
0xa4: {  	_ =	sfence.sel $0x180000  }
0xa5: {  	[bflag:$0x0] =	sbarrier.arrive $0xFFFF  }
0xa6: {  	p0 =	sne.s32 s1, $0x0;
	_ =	strace $0x90000053  }
0xa7: {  	s0 =	sadd.s32 @!p0 $0x100000, s0;
	[bflag:$0x2] =	sbarrier.arrive $0xFFFF  }
0xa8: {  	[sflag:s0] =	ssyncadd.tile.s32 @!p0 $0x1;
	_ =	shalt  }
.Lfunc_end2:
_tile_overlayer_lowered:
.L_overlay_start_2:
0xa9: {  	(tag) =	ssettag $0x2  }
0xaa: {  	s0 =	rddreg [dreg:$0x0];
	s2 =	stileid.u32  }
0xab: {  	s1 =	rddreg [dreg:$0x1];
	p0 =	sne.s32 s2, $0x0  }
0xac: {  	s3 =	rddreg [dreg:$0x2];
	[bflag:$0x3] =	sbarrier.arrive $0xFFFF;
	s2 =	simm.s32 @!p0 $0x1C01  }
0xad: {  	[timem:s3], [sflag:s2] =	dma.local @!p0 [hbm:s0], s1  }
0xae: {  	s0 =	simm.s32 @!p0 $0x1  }
0xaf: {  	_ =	swait.ge @!p0 [sflag:s0], s1  }
0xb0: {  	s1 =	ssub.s32 @!p0 $0x0, s1;
	[sflag:s0] =	ssyncset.done @!p0 $0x0  }
0xb1: {  	[sflag:s0] =	ssyncadd.s32 @!p0 s1  }
0xb2: {  	[bflag:$0x3] =	sbarrier.arrive $0xFFFF  }
0xb3: {  	_ =	shalt  }

// kernel: sparse-core-data-format-call.1.cloned.1.call-start
scs
called_computation.1_lowered:
.L_overlay_start_0:
0x0: {  	s2 =	sld [smem:$0x3FD9]  }
0x1: {  	s3 =	sld [smem:$0x3FFE];
	_ =	sdelay $0x1  }
0x2: {  	s1 =	srdreg.scid  }
0x3: {  	s0 =	sand.u32 $0x1, s1  }
0x4: {  	s18 =	sshll.u32 s0, $0xA;
	s2 =	sadd.s32 s3, s2  }
0x5: {  	s2 =	sadd.s32 s2, s18  }
0x6: {  	[smem:$0x3FBD] =	sst s2  }
0x7: {  	_ = 	snop  }
0x8: {  	(tm) =	ssettm $0x1  }
0x9: {  	s19 =	sld [smem:$0x3FFB];
	_ =	sdelay $0x3  }
0xa: {  	_ =	strace s19  }
0xb: {  	s2 =	sld [smem:$0x3FFC];
	_ =	sdelay $0x3  }
0xc: {  	_ =	strace s2  }
0xd: {  	s2 =	sld [smem:$0x3FFD];
	_ =	sdelay $0x3  }
0xe: {  	_ =	strace s2  }
0xf: {  	_ =	strace $0x8FFFFFFF  }
0x10: {  	s20 =	sld [smem:$0x3FDB];
	_ =	sdelay $0x1  }
0x11: {  	s21 =	simm.s32 $_scs_section_size  }
0x12: {  	s4 =	simm.s32 $_size__tile_overlayer_lowered;
	s5 =	simm.s32 $_tile_overlayer_lowered  }
0x13: {  	s6 =	simm.s32 $0x1BFF;
	s22 =	sshll.u32 s5, $0x1;
	s3 =	sadd.s32 s21, s20  }
0x14: {  	s23 =	simm.s32 $0x0;
	s4 =	sshll.u32 s4, $0x1;
	s5 =	sadd.s32 s22, s3  }
0x15: {  	[timem:s23], [sflag:s6] =	dma.local [hbm:s5], s4  }
0x16: {  	_ =	swait.ge [sflag:s6], s4  }
0x17: {  	s4 =	ssub.s32 $0x0, s4;
	[sflag:s6] =	ssyncset.done $0x0  }
0x18: {  	[sflag:s6] =	ssyncadd.s32 s4;
	_ =	sdelay $0x1  }
0x19: {  	s24 =	simm.s32 $0x1B8B  }
0x1a: {  	_ =	swait.ge [sflag:s24], $0x1  }
0x1b: {  	[sflag:s24] =	ssyncset.done $0x0  }
0x1c: {  	[sflag:s24] =	ssyncadd.s32 $0xFFFFFFFF  }
0x1d: {  	s4 =	sld [smem:$0x0]  }
0x1e: {  	s5 =	sand.u32 $0xFFFFFFFE, s1  }
0x1f: {  	p0 =	sne.s32 s1, s5  }
0x20: {  	s5 =	sshll.u32 @p0 s5, $0xE  }
0x21: {  	s5 =	sadd.s32 @p0 $0x11B8D, s5;
	s6 =	sshll.u32 @p0 s4, $0x11  }
0x22: {  	s5 =	sor.u32 @p0 s6, s5  }
0x23: {  	[sflag:s5] =	ssyncadd.remote.s32 @p0 $0x1;
	_ =	sdelay $0x1  }
0x24: {  	s5 =	simm.s32 @p0 $0x1B8D  }
0x25: {  	_ =	swait.eq @p0 [sflag:s5], $0x1  }
0x26: {  	[sflag:s5] =	ssyncadd.s32 @p0 $0xFFFFFFFF  }
0x27: {  	s6 =	sshll.u32 @!p0 s1, $0xE  }
0x28: {  	s6 =	sor.u32 @!p0 $0x4000, s6;
	s5 =	simm.s32 @!p0 $0x1B8D  }
0x29: {  	s4 =	sshll.u32 @!p0 s4, $0x11;
	s6 =	sadd.s32 @!p0 $0x11B8D, s6;
	_ =	swait.eq @!p0 [sflag:s5], $0x1  }
0x2a: {  	s4 =	sor.u32 @!p0 s4, s6;
	[sflag:s5] =	ssyncadd.s32 @!p0 $0xFFFFFFFF  }
0x2b: {  	s26 =	simm.s32 $0x1B8E;
	s25 =	sld [smem:$0x3FFE];
	[sflag:s4] =	ssyncadd.remote.s32 @!p0 $0x1  }
0x2c: {  	s27 =	simm.s32 $execute0_lowered;
	[smem:$0x3FD2] =	sst s26  }
0x2d: {  	s5 =	sshll.u32 s27, $0x1;
	_ =	strace $0x80000049;
	[dreg:$0x1] =	wrdreg $0xFFFFFFFF  }
0x2e: {  	s28 =	simm.s32 $_size_execute0_lowered;
	s3 =	sadd.s32 s3, s5;
	[dreg:$0x0] =	wrdreg $0x0  }
0x2f: {  	s5 =	sshll.u32 s28, $0x1;
	[dreg:$0x2] =	wrdreg s3  }
0x30: {  	[dreg:$0x3] =	wrdreg s5  }
0x31: {  	[dreg:$0x4] =	wrdreg $0xC0  }
0x32: {  	_ =	task [dreg:s23], $0x5FFFF  }
0x33: {  	[dreg:$0x1] =	wrdreg $0xFFFFFFFF  }
0x34: {  	[dreg:$0x0] =	wrdreg $0x60  }
0x35: {  	[dreg:$0x2] =	wrdreg s25  }
0x36: {  	[dreg:$0x3] =	wrdreg $0x9  }
0x37: {  	_ =	task.clear_ibuf [dreg:s23], $0x4FFFF;
	_ =	strace $0x90000049  }
0x38: {  	s29 =	simm.s32 $0x9;
	_ =	strace $0x8000004B  }
0x39: {  	_ =	swait.ge [sflag:s29], $0x1  }
0x3a: {  	[sflag:s29] =	ssyncadd.s32 $0xFFFFFFFF  }
0x3b: {  	_ =	strace $0x9000004B  }
0x3c: {  	_ =	sfence  }
0x3d: {  	s30 =	sld [smem:$0x0];
	_ =	sdelay $0x2  }
0x3e: {  	s31 =	sshll.u32 s1, $0xD;
	s1 =	sshrl.u32 s1, $0x2  }
0x3f: {  	s4 =	sand.u32 $0x4000, s31;
	s1 =	sadd.s32 s1, s30  }
0x40: {  	s0 =	sor.u32 s4, s0;
	s1 =	sshll.u32 s1, $0x11  }
0x41: {  	s0 =	sor.u32 s1, s0  }
0x42: {  	s0 =	sadd.s32 $0x8F2B, s0  }
0x43: {  	[sflag:s0] =	ssyncadd.remote.s32 $0x1  }
0x44: {  	_ =	sfence.sel $0xFFFF  }
0x45: {  	[dreg:$0x0] =	wrdreg $0xFFFFFFFF;
	(pc) =	sbr.abs _section_cstart, $3  }
0x46: {  	[dreg:$0x1] =	wrdreg $0xFFFFFFFF  }
0x47: {  	_ =	task.clear_ibuf [dreg:s23], $0x2FFFF;
	_ =	strace $0x9FFFFFFF  }
0x48: {  	(tm) =	ssettm $0x7FFFFFFF  }
0x49: {  	_ =	shalt  }
tec
execute0_lowered:
.L_overlay_start_1:
0x0: {  	(tag) =	ssettag $0x1  }
0x1: {  	s0 =	stileid.u32  }
0x2: {  	s1 =	rddreg [dreg:$0x0];
	s3 =	srdreg.scid;
	_ =	strace $0x8000004A  }
0x3: {  	s31 =	simm.s32 $0x2;
	s20 =	simm.s32 $0x0;
	s10 =	simm.s32 $0x15800  }
0x4: {  	s11 =	simm.s32 $0x0;
	s22 =	simm.s32 $0x0;
	s18 =	simm.s32 $0x0  }
0x5: {  	s19 =	simm.s32 $0x0;
	s21 =	simm.s32 $0x0;
	s14 =	simm.s32 $0x0  }
0x6: {  	s15 =	simm.s32 $0x0;
	s2 =	sand.u32 $0xC, s0;
	s3 =	sshll.u32 s3, $0x7  }
0x7: {  	s17 =	simm.s32 $0x0;
	s4 =	ssub.s32 $0x10, s2;
	s3 =	sand.u32 $0x80, s3  }
0x8: {  	s13 =	smov.u32 s2;
	s5 =	sand.u32 $0xC, s4;
	s6 =	ssub.s32 $0x1500, s3  }
0x9: {  	s7 =	sshrl.u32 s4, $0x4;
	p0 =	sne.s32 s5, $0x0;
	s5 =	simm.s32 $0x1  }
.Ltmp0:
0xa: {  	s6 =	sshrl.u32 s6, $0x8;
	s5 =	simm.s32 @!p0 $0x0;
	(pc) =	sbr.rel .LBB1_1-.Ltmp0, $4  }
0xb: {  	s4 =	sadd.s32 $0x55A600, s1;
	s8 =	sadd.s32 $0x1, s6;
	s7 =	sadd.s32 s5, s7  }
0xc: {  	s12 =	smov.u32 s3;
	s6 =	simm.s32 $0x1;
	s7 =	smul.u32 s8, s7  }
0xd: {  	s5 =	sadd.s32 $0x2600, s1;
	[sflag:s6] =	ssyncpa.u1 $0x0;
	s8 =	sand.u32 $0x3, s0  }
0xe: {  	[sflag:s31] =	ssyncpa.u1 $0x0;
	s16 =	smov.u32 s8;
	s9 =	sadd.s32 $0x1, s7  }
.LBB1_9:
0xf: {  	s1 =	sadd.s32 $0x100, s12  }
0x10: {  	s18 =	sadd.s32 $0x10, s13;
	s23 =	smov.u32 s13;
	p1 =	sgt.s32 s1, $0x153F  }
0x11: {  	s23 =	smov.u32 @p1 s18  }
0x12: {  	s24 =	smov.u32 s14;
	s18 =	sadd.s32 $0x8, s14;
	p2 =	sgt.s32 s23, $0xF  }
0x13: {  	s24 =	smov.u32 @p2 s18  }
0x14: {  	s25 =	smov.u32 s15;
	s18 =	sadd.s32 $0x4, s15;
	p3 =	sgt.s32 s24, $0x7  }
0x15: {  	p0 =	slt.u32 s17, $0x2;
	s26 =	smov.u32 s16;
	s25 =	smov.u32 @p3 s18  }
0x16: {  	s20 =	smov.u32 s12;
	s18 =	sadd.s32 $0x4, s16;
	p4 =	sgt.s32 s25, $0x3  }
0x17: {  	s22 =	smov.u32 s13;
	s19 =	smov.u32 s15;
	s26 =	smov.u32 @p4 s18  }
0x18: {  	s21 =	smov.u32 s16;
	s1 =	smov.u32 @p1 s3;
	p1 =	sgt.s32 s26, $0x3  }
0x19: {  	s27 =	simm.s32 @!p0 $0x2;
	s26 =	smov.u32 @p1 s8;
	p1 =	sne.s32 s17, s9  }
.Ltmp1:
0x1a: {  	s11 =	sadd.s32 $0x4000, s11;
	_ =	swait.ge @!p0 [sflag:s27], $0x4000;
	(pc) =	sbr.rel @!p1 .LBB1_10-.Ltmp1, $4  }
0x1b: {  	[sflag:s27] =	ssyncset.done @!p0 $0x0;
	s12 =	smov.u32 s1;
	s23 =	smov.u32 @p2 s2  }
0x1c: {  	[sflag:s27] =	ssyncadd.s32 @!p0 $0xFFFFC000;
	s13 =	smov.u32 s23;
	s24 =	simm.s32 @p3 $0x0  }
0x1d: {  	s25 =	simm.s32 @p4 $0x0;
	s18 =	smov.u32 s14;
	s14 =	smov.u32 s24  }
0x1e: {  	s15 =	smov.u32 s25;
	s17 =	sadd.s32 $0x1, s17;
	s16 =	smov.u32 s26  }
.LBB1_1:
0x1f: {  	p0 =	sge.u32 s17, s7  }
0x20: {  	s1 =	sshrl.u32 @!p0 s13, $0x3  }
0x21: {  	s23 =	sshll.u32 @!p0 s12, $0x3;
	s1 =	smul.u32 @!p0 $0xAC00, s1  }
0x22: {  	s24 =	sshll.u32 @!p0 s13, $0x7;
	s23 =	sand.u32 @!p0 $0xFFFFFC00, s23  }
0x23: {  	s1 =	sadd.s32 @!p0 s1, s23;
	s23 =	sand.u32 @!p0 $0x380, s24  }
0x24: {  	s26 =	smul.u32 @!p0 $0x56000, s16;
	s24 =	sand.u32 @!p0 $0x7F, s12;
	s1 =	sor.u32 @!p0 s23, s1  }
0x25: {  	s27 =	smul.u32 @!p0 $0x15800, s15;
	s23 =	sor.u32 @!p0 s24, s1  }
0x26: {  	s24 =	smulhi.u32 @!p0 $0x2FA0BE83, s23  }
0x27: {  	s1 =	smulhi.u32 @!p0 $0x2FA0BE83, s1  }
0x28: {  	s31 =	sadd.s32 $0xFFFFFFFF, s17;
	s28 =	smul.u32 @!p0 $0x2B00, s14;
	s24 =	sshrl.u32 @!p0 s24, $0xA  }
0x29: {  	s25 =	sxor.u32 @!p0 $0xFFFFFFFF, s17;
	s1 =	sshrl.u32 @!p0 s1, $0xA;
	s24 =	smul.u32 @!p0 $0x1580, s24  }
0x2a: {  	s25 =	sshll.u32 @!p0 s25, $0xE;
	s26 =	sadd.s32 @!p0 s4, s26;
	s1 =	sand.u32 @!p0 $0xF, s1  }
0x2b: {  	s1 =	smul.u32 @!p0 $0x2B0, s1;
	s23 =	ssub.s32 @!p0 s23, s24;
	s24 =	sadd.s32 @!p0 s27, s26  }
0x2c: {  	s25 =	sand.u32 @!p0 $0x4000, s25;
	s24 =	sadd.s32 @!p0 s28, s24;
	s26 =	sand.u32 @!p0 $0x7, s23  }
0x2d: {  	s23 =	sshrl.u32 @!p0 s23, $0x3;
	s1 =	sadd.s32 @!p0 s1, s24;
	s24 =	sshll.u32 @!p0 s26, $0x12  }
0x2e: {  	s1 =	sadd.s32 @!p0 s23, s1;
	s23 =	sor.u32 @!p0 $0x200, s24;
	s24 =	simm.s32 @!p0 $0x15800  }
0x2f: {  	[tilespmem:s25], [sflag:$0x1] =	stream.strided.gather @!p0 [hbm4b:s1+s23], $0x4000, s24, s23, $0x38;
	[tilespmem:$0x10000] =	vst v63  }
0x30: {  	p0 =	sge.u32 s31, s7  }
.Ltmp2:
0x31: {  	_ = 	snop;
	(pc) =	sbr.rel @p0 .LBB1_9-.Ltmp2, $1  }
0x32: {  	_ =	sdelay $0x3  }
0x33: {  	s1 =	sand.u32 $0x4000, s11  }
0x34: {  	_ =	swait.ge [sflag:s6], $0x4000;
	s23 =	sshll.u32 s17, $0xE;
	s26 =	simm.s32 $0x0  }
0x35: {  	s24 =	sor.u32 $0x8070, s1;
	[sflag:s6] =	ssyncset.done $0x0;
	s31 =	sand.u32 $0x4000, s23  }
0x36: {  	s25 =	sor.u32 $0x40, s1;
	[sflag:s6] =	ssyncadd.s32 $0xFFFFC000;
	s23 =	sor.u32 $0x8000, s31  }
.LBB1_3:
0x37: {  	s27 =	smov.u32 s25;
	s28 =	smov.u32 s24;
	s29 =	simm.s32 $0x0  }
.LBB1_4:
0x38: {  	v1 =	vmov s27;
	_ =	sdelay $0x3  }
0x39: {  	s30 =	simm.s32 $0x0  }
0x3a: {  	v7 =	vld.idx.msk [tilespmem:v1+s30+$0x30 ss:$0x1], $0xffff  }
0x3b: {  	v0 =	vmov s28;
	v8 =	vld.idx.msk [tilespmem:v1+s30+$0xFFFFFFC0 ss:$0x1], $0xffff  }
0x3c: {  	v6 =	vld.idx.msk [tilespmem:v1+s30+$0xFFFFFFD0 ss:$0x1], $0xffff  }
0x3d: {  	v5 =	vld.idx.msk [tilespmem:v1+s30+$0xFFFFFFE0 ss:$0x1], $0xffff  }
0x3e: {  	v4 =	vld.idx.msk [tilespmem:v1+s30+$0xFFFFFFF0 ss:$0x1], $0xffff  }
0x3f: {  	v2 =	vld.idx.msk [tilespmem:v1+s30+$0x0 ss:$0x1], $0xffff  }
0x40: {  	v3 =	vld.idx.msk [tilespmem:v1+s30+$0x10 ss:$0x1], $0xffff;
	[tilespmem:v0+s30+$0x0 ss:$0x1] =	vst.idx.msk $0xffff, v7  }
0x41: {  	s31 =	simm.s32 $0x80;
	s1 =	simm.s32 $0x400;
	[tilespmem:v0+s30+$0xFFFFFF90 ss:$0x1] =	vst.idx.msk $0xffff, v8;
	v7 =	vld.idx.msk [tilespmem:v1+s30+$0x20 ss:$0x1], $0xffff  }
.LBB1_5:
0x42: {  	p0 =	sne.s32 s1, $0x600;
	v8 =	vld.idx.msk [tilespmem:v1+s31+$0x30 ss:$0x1], $0xffff;
	[tilespmem:v0+s30+$0xFFFFFFA0 ss:$0x1] =	vst.idx.msk $0xffff, v6  }
0x43: {  	v9 =	vld.idx.msk [tilespmem:v1+s31+$0xFFFFFFC0 ss:$0x1], $0xffff;
	[tilespmem:v0+s30+$0xFFFFFFB0 ss:$0x1] =	vst.idx.msk $0xffff, v5  }
0x44: {  	v6 =	vld.idx.msk [tilespmem:v1+s31+$0xFFFFFFD0 ss:$0x1], $0xffff;
	[tilespmem:v0+s30+$0xFFFFFFC0 ss:$0x1] =	vst.idx.msk $0xffff, v4  }
.Ltmp3:
0x45: {  	v5 =	vld.idx.msk [tilespmem:v1+s31+$0xFFFFFFE0 ss:$0x1], $0xffff;
	[tilespmem:v0+s30+$0xFFFFFFD0 ss:$0x1] =	vst.idx.msk $0xffff, v2;
	(pc) =	sbr.rel @p0 .LBB1_5-.Ltmp3, $4  }
0x46: {  	v4 =	vld.idx.msk [tilespmem:v1+s31+$0xFFFFFFF0 ss:$0x1], $0xffff;
	[tilespmem:v0+s30+$0xFFFFFFE0 ss:$0x1] =	vst.idx.msk $0xffff, v3  }
0x47: {  	v2 =	vld.idx.msk [tilespmem:v1+s31+$0x0 ss:$0x1], $0xffff;
	[tilespmem:v0+s30+$0xFFFFFFF0 ss:$0x1] =	vst.idx.msk $0xffff, v7;
	s30 =	smov.u32 s31  }
0x48: {  	v3 =	vld.idx.msk [tilespmem:v1+s30+$0x10 ss:$0x1], $0xffff;
	[tilespmem:v0+s30+$0x0 ss:$0x1] =	vst.idx.msk $0xffff, v8  }
0x49: {  	s31 =	sshra.s32 s1, $0x2;
	s1 =	sadd.s32 $0x200, s1;
	[tilespmem:v0+s30+$0xFFFFFF90 ss:$0x1] =	vst.idx.msk $0xffff, v9;
	v7 =	vld.idx.msk [tilespmem:v1+s30+$0x20 ss:$0x1], $0xffff  }
0x4a: {  	_ =	sdelay $0x3  }
0x4b: {  	[tilespmem:v0+s30+$0xFFFFFFA0 ss:$0x1] =	vst.idx.msk $0xffff, v6  }
0x4c: {  	v56 =	vld.idx.msk [tilespmem:v1+s31+$0x30 ss:$0x1], $0xffff;
	[tilespmem:v0+s30+$0xFFFFFFB0 ss:$0x1] =	vst.idx.msk $0xffff, v5  }
0x4d: {  	v57 =	vld.idx.msk [tilespmem:v1+s31+$0xFFFFFFC0 ss:$0x1], $0xffff;
	[tilespmem:v0+s30+$0xFFFFFFC0 ss:$0x1] =	vst.idx.msk $0xffff, v4  }
0x4e: {  	v58 =	vld.idx.msk [tilespmem:v1+s31+$0xFFFFFFD0 ss:$0x1], $0xffff;
	[tilespmem:v0+s30+$0xFFFFFFD0 ss:$0x1] =	vst.idx.msk $0xffff, v2  }
0x4f: {  	v59 =	vld.idx.msk [tilespmem:v1+s31+$0xFFFFFFE0 ss:$0x1], $0xffff;
	[tilespmem:v0+s30+$0xFFFFFFE0 ss:$0x1] =	vst.idx.msk $0xffff, v3  }
0x50: {  	v60 =	vld.idx.msk [tilespmem:v1+s31+$0xFFFFFFF0 ss:$0x1], $0xffff;
	[tilespmem:v0+s30+$0xFFFFFFF0 ss:$0x1] =	vst.idx.msk $0xffff, v7  }
0x51: {  	v61 =	vld.idx.msk [tilespmem:v1+s31+$0x0 ss:$0x1], $0xffff;
	[tilespmem:v0+s31+$0x0 ss:$0x1] =	vst.idx.msk $0xffff, v56  }
0x52: {  	v62 =	vld.idx.msk [tilespmem:v1+s31+$0x10 ss:$0x1], $0xffff;
	s29 =	sadd.s32 $0x1, s29;
	[tilespmem:v0+s31+$0xFFFFFF90 ss:$0x1] =	vst.idx.msk $0xffff, v57  }
0x53: {  	v63 =	vld.idx.msk [tilespmem:v1+s31+$0x20 ss:$0x1], $0xffff;
	p0 =	sne.s32 s29, $0x8;
	[tilespmem:v0+s31+$0xFFFFFFA0 ss:$0x1] =	vst.idx.msk $0xffff, v58  }
.Ltmp4:
0x54: {  	[tilespmem:v0+s31+$0xFFFFFFB0 ss:$0x1] =	vst.idx.msk $0xffff, v59;
	(pc) =	sbr.rel @p0 .LBB1_4-.Ltmp4, $4  }
0x55: {  	[tilespmem:v0+s31+$0xFFFFFFC0 ss:$0x1] =	vst.idx.msk $0xffff, v60  }
0x56: {  	[tilespmem:v0+s31+$0xFFFFFFD0 ss:$0x1] =	vst.idx.msk $0xffff, v61  }
0x57: {  	[tilespmem:v0+s31+$0xFFFFFFE0 ss:$0x1] =	vst.idx.msk $0xffff, v62  }
0x58: {  	s28 =	sadd.s32 $0x800, s28;
	s27 =	sadd.s32 $0x200, s27;
	[tilespmem:v0+s31+$0xFFFFFFF0 ss:$0x1] =	vst.idx.msk $0xffff, v63  }
0x59: {  	s26 =	sadd.s32 $0x1, s26  }
0x5a: {  	p0 =	sne.s32 s26, $0x4  }
.Ltmp5:
0x5b: {  	_ = 	snop;
	(pc) =	sbr.rel @p0 .LBB1_3-.Ltmp5, $2  }
0x5c: {  	_ =	sdelay $0x2  }
0x5d: {  	s24 =	sadd.s32 $0x200, s24;
	s25 =	sadd.s32 $0x1000, s25  }
0x5e: {  	s1 =	sshrl.u32 s22, $0x3  }
0x5f: {  	s24 =	sshll.u32 s20, $0x3;
	s1 =	smul.u32 $0xAC00, s1  }
0x60: {  	s27 =	sshll.u32 s22, $0x7;
	s24 =	sand.u32 $0xFFFFFC00, s24  }
0x61: {  	s22 =	sand.u32 $0x380, s27;
	s1 =	sadd.s32 s1, s24  }
0x62: {  	s28 =	sand.u32 $0x7F, s20;
	s21 =	smul.u32 $0x56000, s21;
	s1 =	sor.u32 s22, s1  }
0x63: {  	s20 =	sor.u32 s28, s1;
	s1 =	smulhi.u32 $0x2FA0BE83, s1  }
0x64: {  	s29 =	smulhi.u32 $0x2FA0BE83, s20  }
0x65: {  	s19 =	smul.u32 $0x2B00, s19  }
0x66: {  	s18 =	smul.u32 $0xAC00, s18;
	s1 =	sshrl.u32 s1, $0xA;
	s22 =	sshrl.u32 s29, $0xA  }
0x67: {  	s1 =	sand.u32 $0xF, s1;
	s22 =	smul.u32 $0x1580, s22  }
0x68: {  	s21 =	sadd.s32 s5, s21;
	s1 =	smul.u32 $0x2B0, s1  }
.Ltmp6:
0x69: {  	s19 =	sadd.s32 s19, s21;
	s20 =	ssub.s32 s20, s22;
	(pc) =	sbr.rel .LBB1_9-.Ltmp6, $4  }
0x6a: {  	s18 =	sadd.s32 s18, s19;
	s30 =	sand.u32 $0x7, s20  }
0x6b: {  	s1 =	sadd.s32 s1, s18;
	s20 =	sshrl.u32 s20, $0x3;
	s31 =	sshll.u32 s30, $0x12  }
0x6c: {  	s1 =	sadd.s32 s20, s1;
	s18 =	sor.u32 $0x200, s31  }
0x6d: {  	[hbm4b:s1+s18] =	stream.strided.scatter [tilespmem:s23], [sflag:$0x2], $0x4000, s10, s18, $0x38;
	[tilespmem:$0x10000] =	vst v63  }
.LBB1_10:
0x6e: {  	_ =	sfence.sel $0x180000  }
0x6f: {  	s1 =	simm.s32 $0x1;
	[bflag:$0x0] =	sbarrier.arrive $0xFFFF  }
0x70: {  	s31 =	simm.s32 $0x2;
	[sflag:s1] =	ssyncpa.u1 $0x1  }
0x71: {  	[sflag:s31] =	ssyncpa.u1 $0x1  }
0x72: {  	_ =	strace $0x9000004A  }
0x73: {  	[bflag:$0x2] =	sbarrier.arrive $0xFFFF  }
0x74: {  	p0 =	sne.s32 s0, $0x0;
	s0 =	rddreg [dreg:$0x1]  }
0x75: {  	s0 =	sadd.s32 @!p0 $0x100000, s0  }
0x76: {  	[sflag:s0] =	ssyncadd.tile.s32 @!p0 $0x1;
	_ =	shalt  }
.Lfunc_end1:
_tile_overlayer_lowered:
.L_overlay_start_2:
0x77: {  	(tag) =	ssettag $0x2  }
0x78: {  	s0 =	rddreg [dreg:$0x0];
	s2 =	stileid.u32  }
0x79: {  	s1 =	rddreg [dreg:$0x1];
	p0 =	sne.s32 s2, $0x0  }
0x7a: {  	s3 =	rddreg [dreg:$0x2];
	[bflag:$0x3] =	sbarrier.arrive $0xFFFF;
	s2 =	simm.s32 @!p0 $0x1C01  }
0x7b: {  	[timem:s3], [sflag:s2] =	dma.local @!p0 [hbm:s0], s1  }
0x7c: {  	s0 =	simm.s32 @!p0 $0x1  }
0x7d: {  	_ =	swait.ge @!p0 [sflag:s0], s1  }
0x7e: {  	s1 =	ssub.s32 @!p0 $0x0, s1;
	[sflag:s0] =	ssyncset.done @!p0 $0x0  }
0x7f: {  	[sflag:s0] =	ssyncadd.s32 @!p0 s1  }
0x80: {  	[bflag:$0x3] =	sbarrier.arrive $0xFFFF  }
0x81: {  	_ =	shalt  }

// kernel: sparse-core-data-format-call.2.cloned.1.call-start
scs
called_computation.2_lowered:
.L_overlay_start_0:
0x0: {  	s2 =	sld [smem:$0x3FD9]  }
0x1: {  	s3 =	sld [smem:$0x3FFE];
	_ =	sdelay $0x1  }
0x2: {  	s1 =	srdreg.scid  }
0x3: {  	s0 =	sand.u32 $0x1, s1  }
0x4: {  	s18 =	sshll.u32 s0, $0xA;
	s2 =	sadd.s32 s3, s2  }
0x5: {  	s2 =	sadd.s32 s2, s18  }
0x6: {  	[smem:$0x3FBD] =	sst s2  }
0x7: {  	_ = 	snop  }
0x8: {  	(tm) =	ssettm $0x1  }
0x9: {  	s19 =	sld [smem:$0x3FFB];
	_ =	sdelay $0x3  }
0xa: {  	_ =	strace s19  }
0xb: {  	s2 =	sld [smem:$0x3FFC];
	_ =	sdelay $0x3  }
0xc: {  	_ =	strace s2  }
0xd: {  	s2 =	sld [smem:$0x3FFD];
	_ =	sdelay $0x3  }
0xe: {  	_ =	strace s2  }
0xf: {  	_ =	strace $0x8FFFFFFF  }
0x10: {  	s20 =	sld [smem:$0x3FDB];
	_ =	sdelay $0x1  }
0x11: {  	s21 =	simm.s32 $_scs_section_size  }
0x12: {  	s4 =	simm.s32 $_size__tile_overlayer_lowered;
	s5 =	simm.s32 $_tile_overlayer_lowered  }
0x13: {  	s6 =	simm.s32 $0x1BFF;
	s22 =	sshll.u32 s5, $0x1;
	s3 =	sadd.s32 s21, s20  }
0x14: {  	s23 =	simm.s32 $0x0;
	s4 =	sshll.u32 s4, $0x1;
	s5 =	sadd.s32 s22, s3  }
0x15: {  	[timem:s23], [sflag:s6] =	dma.local [hbm:s5], s4  }
0x16: {  	_ =	swait.ge [sflag:s6], s4  }
0x17: {  	s4 =	ssub.s32 $0x0, s4;
	[sflag:s6] =	ssyncset.done $0x0  }
0x18: {  	[sflag:s6] =	ssyncadd.s32 s4;
	_ =	sdelay $0x1  }
0x19: {  	s24 =	simm.s32 $0x1B8B  }
0x1a: {  	_ =	swait.ge [sflag:s24], $0x1  }
0x1b: {  	[sflag:s24] =	ssyncset.done $0x0  }
0x1c: {  	[sflag:s24] =	ssyncadd.s32 $0xFFFFFFFF  }
0x1d: {  	s4 =	sld [smem:$0x0]  }
0x1e: {  	s5 =	sand.u32 $0xFFFFFFFE, s1  }
0x1f: {  	p0 =	sne.s32 s1, s5  }
0x20: {  	s5 =	sshll.u32 @p0 s5, $0xE  }
0x21: {  	s5 =	sadd.s32 @p0 $0x11B8D, s5;
	s6 =	sshll.u32 @p0 s4, $0x11  }
0x22: {  	s5 =	sor.u32 @p0 s6, s5  }
0x23: {  	[sflag:s5] =	ssyncadd.remote.s32 @p0 $0x1;
	_ =	sdelay $0x1  }
0x24: {  	s5 =	simm.s32 @p0 $0x1B8D  }
0x25: {  	_ =	swait.eq @p0 [sflag:s5], $0x1  }
0x26: {  	[sflag:s5] =	ssyncadd.s32 @p0 $0xFFFFFFFF  }
0x27: {  	s6 =	sshll.u32 @!p0 s1, $0xE  }
0x28: {  	s6 =	sor.u32 @!p0 $0x4000, s6;
	s5 =	simm.s32 @!p0 $0x1B8D  }
0x29: {  	s4 =	sshll.u32 @!p0 s4, $0x11;
	s6 =	sadd.s32 @!p0 $0x11B8D, s6;
	_ =	swait.eq @!p0 [sflag:s5], $0x1  }
0x2a: {  	s4 =	sor.u32 @!p0 s4, s6;
	[sflag:s5] =	ssyncadd.s32 @!p0 $0xFFFFFFFF  }
0x2b: {  	s26 =	simm.s32 $0x1B8E;
	s25 =	sld [smem:$0x3FFE];
	[sflag:s4] =	ssyncadd.remote.s32 @!p0 $0x1  }
0x2c: {  	s27 =	simm.s32 $execute0_lowered;
	[smem:$0x3FD2] =	sst s26  }
0x2d: {  	s5 =	sshll.u32 s27, $0x1;
	_ =	strace $0x8000004C;
	[dreg:$0x1] =	wrdreg $0xFFFFFFFF  }
0x2e: {  	s28 =	simm.s32 $_size_execute0_lowered;
	s3 =	sadd.s32 s3, s5;
	[dreg:$0x0] =	wrdreg $0x0  }
0x2f: {  	s5 =	sshll.u32 s28, $0x1;
	[dreg:$0x2] =	wrdreg s3  }
0x30: {  	[dreg:$0x3] =	wrdreg s5  }
0x31: {  	[dreg:$0x4] =	wrdreg $0xC0  }
0x32: {  	_ =	task [dreg:s23], $0x5FFFF  }
0x33: {  	[dreg:$0x1] =	wrdreg $0xFFFFFFFF  }
0x34: {  	[dreg:$0x0] =	wrdreg $0x60  }
0x35: {  	[dreg:$0x2] =	wrdreg s25  }
0x36: {  	[dreg:$0x3] =	wrdreg $0xA  }
0x37: {  	_ =	task.clear_ibuf [dreg:s23], $0x4FFFF;
	_ =	strace $0x9000004C  }
0x38: {  	s29 =	simm.s32 $0xA;
	_ =	strace $0x8000004E  }
0x39: {  	_ =	swait.ge [sflag:s29], $0x1  }
0x3a: {  	[sflag:s29] =	ssyncadd.s32 $0xFFFFFFFF  }
0x3b: {  	_ =	strace $0x9000004E  }
0x3c: {  	_ =	sfence  }
0x3d: {  	s30 =	sld [smem:$0x0];
	_ =	sdelay $0x2  }
0x3e: {  	s31 =	sshll.u32 s1, $0xD;
	s1 =	sshrl.u32 s1, $0x2  }
0x3f: {  	s4 =	sand.u32 $0x4000, s31;
	s1 =	sadd.s32 s1, s30  }
0x40: {  	s0 =	sor.u32 s4, s0;
	s1 =	sshll.u32 s1, $0x11  }
0x41: {  	s0 =	sor.u32 s1, s0  }
0x42: {  	s0 =	sadd.s32 $0x8F2B, s0  }
0x43: {  	[sflag:s0] =	ssyncadd.remote.s32 $0x1  }
0x44: {  	_ =	sfence.sel $0xFFFF  }
0x45: {  	[dreg:$0x0] =	wrdreg $0xFFFFFFFF;
	(pc) =	sbr.abs _section_cstart, $3  }
0x46: {  	[dreg:$0x1] =	wrdreg $0xFFFFFFFF  }
0x47: {  	_ =	task.clear_ibuf [dreg:s23], $0x2FFFF;
	_ =	strace $0x9FFFFFFF  }
0x48: {  	(tm) =	ssettm $0x7FFFFFFF  }
0x49: {  	_ =	shalt  }
tec
execute0_lowered:
.L_overlay_start_1:
0x0: {  	(tag) =	ssettag $0x1  }
0x1: {  	s3 =	rddreg [dreg:$0x0]  }
0x2: {  	s0 =	rddreg [dreg:$0x1]  }
0x3: {  	s1 =	srdreg.scid;
	_ =	strace $0x8000004D;
	s7 =	simm.s32 $0x2  }
0x4: {  	s18 =	simm.s32 $0x0;
	p0 =	por $0x0, $0x0;
	s17 =	simm.s32 $0x0  }
0x5: {  	s19 =	simm.s32 $0x0;
	s20 =	simm.s32 $0x0;
	s8 =	simm.s32 $0x0  }
0x6: {  	s9 =	simm.s32 $0x0;
	s11 =	simm.s32 $0x0;
	s12 =	simm.s32 $0x0  }
0x7: {  	s13 =	simm.s32 $0x0;
	s14 =	simm.s32 $0x0;
	s10 =	simm.s32 $0x0  }
.Ltmp0:
0x8: {  	s4 =	sshll.u32 s1, $0x4;
	s2 =	sadd.s32 $0x402600, s3;
	(pc) =	sbr.rel .LBB1_1-.Ltmp0, $4  }
0x9: {  	s1 =	stileid.u32;
	s3 =	sadd.s32 $0x15A600, s3;
	s4 =	sand.u32 $0x10, s4  }
0xa: {  	s5 =	sand.u32 $0x3, s1;
	s6 =	sor.u32 s1, s4;
	s4 =	simm.s32 $0x1  }
0xb: {  	s16 =	smov.u32 s5;
	[sflag:s4] =	ssyncpa.u1 $0x0;
	s6 =	sshrl.u32 s6, $0x2  }
0xc: {  	[sflag:s7] =	ssyncpa.u1 $0x0;
	s7 =	simm.s32 $0x80;
	s15 =	smov.u32 s6  }
.LBB1_5:
0xd: {  	p1 =	slt.u32 s10, $0x2  }
0xe: {  	s21 =	smov.u32 s20;
	s24 =	smov.u32 s16;
	s10 =	sadd.s32 $0x1, s10  }
0xf: {  	p0 =	por !p0, !p0;
	p2 =	sgt.s32 @!p1 s20, $0x3;
	s22 =	sshra.s32 @!p1 s20, $0x1F  }
0x10: {  	s23 =	sshra.s32 @!p1 s19, $0x1F;
	p4 =	sgt.s32 @!p1 s17, $0x40;
	p2 =	por !p2, p1  }
0x11: {  	s20 =	sand.u32 @!p1 s22, s20;
	s21 =	simm.s32 @p2 $0x3;
	p2 =	sgt.s32 @!p1 s19, $0x7  }
0x12: {  	s22 =	smov.u32 s19;
	s20 =	ssub.s32 @!p1 s21, s20;
	p2 =	por !p2, p1  }
0x13: {  	s19 =	sand.u32 @!p1 s23, s19;
	s21 =	sadd.s32 @!p1 $0xFFFFFFFD, s20;
	s22 =	simm.s32 @p2 $0x7  }
0x14: {  	s20 =	ssub.s32 @!p1 $0x4, s20;
	p3 =	sgt.s32 @!p1 s21, $0x0;
	s19 =	ssub.s32 @!p1 s22, s19  }
0x15: {  	s22 =	smov.u32 s18;
	p2 =	por !p3, p1;
	s21 =	sadd.s32 @!p1 $0xFFFFFFF9, s19  }
0x16: {  	s19 =	ssub.s32 @!p1 $0x8, s19;
	s20 =	simm.s32 @!p2 $0x0;
	p2 =	sgt.s32 @!p1 s18, $0x14C0  }
0x17: {  	p3 =	sgt.s32 @!p1 s21, $0x0;
	s21 =	sshra.s32 @!p1 s18, $0x1F;
	p2 =	por !p2, p1  }
0x18: {  	s18 =	sand.u32 @!p1 s21, s18;
	s21 =	sshra.s32 @!p1 s17, $0x1F;
	p3 =	por !p3, p1  }
0x19: {  	s22 =	simm.s32 @p2 $0x14C0;
	p2 =	por !p4, p1;
	s21 =	sand.u32 @!p1 s21, s17  }
0x1a: {  	s19 =	simm.s32 @!p3 $0x0;
	s17 =	simm.s32 @p2 $0x40;
	s18 =	ssub.s32 @!p1 s22, s18  }
0x1b: {  	s19 =	smul.u32 @!p1 s20, s19;
	s22 =	smov.u32 s14;
	s17 =	ssub.s32 @!p1 s17, s21  }
0x1c: {  	s20 =	sadd.s32 @!p1 $0xFFFFEB40, s18;
	s18 =	ssub.s32 @!p1 $0x1540, s18;
	s21 =	sadd.s32 @!p1 $0xFFFFFFC0, s17  }
0x1d: {  	p2 =	sgt.s32 @!p1 s20, $0x7F;
	s17 =	ssub.s32 @!p1 $0x80, s17;
	p3 =	sgt.s32 @!p1 s21, $0x3F  }
0x1e: {  	s20 =	sadd.s32 $0x40, s14;
	s21 =	sadd.s32 $0x80, s13;
	p3 =	por !p3, p1  }
0x1f: {  	p2 =	por !p2, p1;
	s17 =	simm.s32 @!p3 $0x0;
	p3 =	sgt.s32 s21, $0x153F  }
0x20: {  	s23 =	smov.u32 s15;
	s18 =	simm.s32 @!p2 $0x0;
	s22 =	smov.u32 @p3 s20  }
0x21: {  	s17 =	smul.u32 @!p1 s17, s19;
	s19 =	sadd.s32 $0x8, s15;
	p2 =	sgt.s32 s22, $0x3F  }
0x22: {  	s25 =	simm.s32 @!p1 $0x2;
	s21 =	simm.s32 @p3 $0x0;
	s23 =	smov.u32 @p2 s19  }
0x23: {  	s17 =	smul.u32 @!p1 s18, s17;
	s18 =	sadd.s32 $0x4, s16;
	p3 =	sgt.s32 s23, $0x7  }
0x24: {  	s20 =	smov.u32 s12;
	s12 =	smov.u32 s16;
	s24 =	smov.u32 @p3 s18  }
0x25: {  	s22 =	simm.s32 @p2 $0x0;
	s19 =	smov.u32 s11;
	p2 =	sgt.s32 s24, $0x3  }
0x26: {  	s11 =	smov.u32 s15;
	s24 =	smov.u32 @p2 s5;
	p2 =	sne.s32 s10, $0x2D  }
.Ltmp1:
0x27: {  	s17 =	sand.u32 @!p1 $0x3FFFFFFF, s17;
	s23 =	smov.u32 @p3 s6;
	(pc) =	sbr.rel @!p2 .LBB1_6-.Ltmp1, $4  }
0x28: {  	s18 =	smov.u32 s8;
	s8 =	smov.u32 s13;
	s13 =	smov.u32 s21  }
0x29: {  	_ =	swait.ge @!p1 [sflag:s25], s17;
	s26 =	ssub.s32 @!p1 $0x0, s17;
	s17 =	smov.u32 s9  }
0x2a: {  	s9 =	smov.u32 s14;
	s14 =	smov.u32 s22;
	[sflag:s25] =	ssyncset.done @!p1 $0x0  }
0x2b: {  	s15 =	smov.u32 s23;
	[sflag:s25] =	ssyncadd.s32 @!p1 s26;
	s16 =	smov.u32 s24  }
.LBB1_1:
0x2c: {  	p1 =	sgt.u32 s10, $0x2A  }
0x2d: {  	s21 =	sshrl.u32 @!p1 s14, $0x3  }
0x2e: {  	s22 =	sshll.u32 @!p1 s13, $0x3;
	s21 =	smul.u32 @!p1 $0xAC00, s21  }
0x2f: {  	s23 =	sshll.u32 @!p1 s14, $0x7;
	s22 =	sand.u32 @!p1 $0xFFFFFC00, s22  }
0x30: {  	s21 =	sadd.s32 @!p1 s21, s22;
	s22 =	sand.u32 @!p1 $0x380, s23  }
0x31: {  	s23 =	sand.u32 @!p1 $0x7F, s13;
	s21 =	sor.u32 @!p1 s22, s21  }
0x32: {  	s22 =	sor.u32 @!p1 s23, s21  }
0x33: {  	s23 =	smulhi.u32 @!p1 $0x2FA0BE83, s22  }
0x34: {  	s21 =	smulhi.u32 @!p1 $0x2FA0BE83, s21  }
0x35: {  	s25 =	smul.u32 @!p1 $0x56000, s16;
	s23 =	sshrl.u32 @!p1 s23, $0xA  }
0x36: {  	s24 =	sxor.u32 @!p1 $0xFFFFFFFF, s10;
	s21 =	sshrl.u32 @!p1 s21, $0xA;
	s23 =	smul.u32 @!p1 $0x1580, s23  }
0x37: {  	s26 =	smul.u32 @!p1 $0xAC00, s15;
	s24 =	sshll.u32 @!p1 s24, $0xD;
	s21 =	sand.u32 @!p1 $0x3F, s21  }
0x38: {  	s21 =	smul.u32 @!p1 $0x2B0, s21;
	s22 =	ssub.s32 @!p1 s22, s23;
	s23 =	sadd.s32 @!p1 s2, s25  }
0x39: {  	s24 =	sand.u32 @!p1 $0x2000, s24;
	s23 =	sadd.s32 @!p1 s26, s23;
	s25 =	sand.u32 @!p1 $0x7, s22  }
0x3a: {  	s22 =	sshrl.u32 @!p1 s22, $0x3;
	s21 =	sadd.s32 @!p1 s21, s23;
	s23 =	sshll.u32 @!p1 s25, $0x12  }
0x3b: {  	s21 =	sadd.s32 @!p1 s22, s21;
	s22 =	sor.u32 @!p1 $0x400, s23;
	s23 =	simm.s32 @!p1 $0xAC00  }
0x3c: {  	[tilespmem:s24], [sflag:$0x1] =	stream.strided.gather @!p1 [hbm4b:s21+s22], $0x2000, s23, s22, $0x38;
	[tilespmem:$0x8100] =	vst v63  }
0x3d: {  	p1 =	seq.s32 s10, $0x0  }
0x3e: {  	p2 =	seq.s32 @!p1 s10, $0x2C  }
0x3f: {  	p1 =	por p1, p2  }
.Ltmp2:
0x40: {  	_ = 	snop;
	(pc) =	sbr.rel @p1 .LBB1_5-.Ltmp2, $1  }
0x41: {  	_ =	sdelay $0x3  }
0x42: {  	s21 =	simm.s32 $0x1  }
0x43: {  	_ =	swait.ge [sflag:s4], $0x2000;
	s21 =	simm.s32 @!p0 $0x0  }
0x44: {  	[sflag:s4] =	ssyncset.done $0x0;
	s22 =	sshll.u32 s21, $0xD  }
0x45: {  	[sflag:s4] =	ssyncadd.s32 $0xFFFFE000;
	s22 =	sor.u32 $0x40, s22  }
0x46: {  	s21 =	smul.u32 $0x8200, s21;
	v0 =	vld [tilespmem:s22+$0x30]  }
0x47: {  	v1 =	vld [tilespmem:s22+$0xFFFFFFD0]  }
0x48: {  	s21 =	sshrl.u32 s21, $0x2;
	v5 =	vld [tilespmem:s22+$0xFFFFFFE0]  }
0x49: {  	v6 =	vld [tilespmem:s22+$0xFFFFFFF0];
	s24 =	sor.u32 $0x4000, s21  }
0x4a: {  	s31 =	sand.u32 $0x1, s10;
	v4 =	vld [tilespmem:s22+$0x0];
	s23 =	sadd.s32 $0x0, s24  }
0x4b: {  	v3 =	vld [tilespmem:s22+$0x10];
	s21 =	smul.u32 $0x8200, s31;
	[tilespmem:s23+$0x1C70 ss:$0x41] =	vst.msk $0xffff, v0  }
0x4c: {  	v2 =	vld [tilespmem:s22+$0x20];
	[tilespmem:s23+$0x410 ss:$0x41] =	vst.msk $0xffff, v1  }
0x4d: {  	s21 =	sshrl.u32 s21, $0x2;
	v1 =	vld [tilespmem:s22+$0xFFFFFFC0];
	[tilespmem:s23+$0x820 ss:$0x41] =	vst.msk $0xffff, v5;
	s22 =	sadd.s32 $0x80, s22  }
0x4e: {  	s25 =	simm.s32 $0x4;
	s26 =	simm.s32 $0x8;
	s21 =	sor.u32 $0x4000, s21;
	[tilespmem:s23+$0xC30 ss:$0x41] =	vst.msk $0xffff, v6;
	v0 =	vld [tilespmem:s22+$0x30]  }
.LBB1_3:
0x4f: {  	p1 =	sne.s32 s26, $0xFC;
	v5 =	vld [tilespmem:s22+$0xFFFFFFD0];
	[tilespmem:s23+$0x1040 ss:$0x41] =	vst.msk $0xffff, v4  }
0x50: {  	v6 =	vld [tilespmem:s22+$0xFFFFFFE0];
	[tilespmem:s23+$0x1450 ss:$0x41] =	vst.msk $0xffff, v3  }
0x51: {  	s27 =	sshra.s32 s25, $0x2;
	s25 =	smov.u32 s26;
	v7 =	vld [tilespmem:s22+$0xFFFFFFF0];
	[tilespmem:s23+$0x1860 ss:$0x41] =	vst.msk $0xffff, v2  }
.Ltmp3:
0x52: {  	v4 =	vld [tilespmem:s22+$0x0];
	[tilespmem:s23+$0x0 ss:$0x41] =	vst.msk $0xffff, v1;
	s23 =	sadd.s32 s27, s24;
	(pc) =	sbr.rel @p1 .LBB1_3-.Ltmp3, $4  }
0x53: {  	v3 =	vld [tilespmem:s22+$0x10];
	[tilespmem:s23+$0x1C70 ss:$0x41] =	vst.msk $0xffff, v0  }
0x54: {  	[tilespmem:s23+$0x410 ss:$0x41] =	vst.msk $0xffff, v5;
	v2 =	vld [tilespmem:s22+$0x20]  }
0x55: {  	v1 =	vld [tilespmem:s22+$0xFFFFFFC0];
	[tilespmem:s23+$0x820 ss:$0x41] =	vst.msk $0xffff, v6;
	s22 =	sadd.s32 $0x80, s22  }
0x56: {  	s26 =	sadd.s32 $0x4, s26;
	v0 =	vld [tilespmem:s22+$0x30];
	[tilespmem:s23+$0xC30 ss:$0x41] =	vst.msk $0xffff, v7  }
0x57: {  	s26 =	sshll.u32 s8, $0x7;
	s27 =	sshll.u32 s9, $0x3;
	s25 =	sshra.s32 s25, $0x2  }
0x58: {  	p1 =	sgt.s32 s12, $0x3;
	s29 =	sshra.s32 s12, $0x1F;
	s28 =	sand.u32 $0xFFFFFC00, s26  }
0x59: {  	s27 =	sand.u32 $0xFFFFFC00, s27;
	s24 =	sadd.s32 s25, s24;
	s26 =	sand.u32 $0x380, s26  }
0x5a: {  	s30 =	sand.u32 s29, s12;
	s29 =	sshra.s32 s11, $0x1F;
	s31 =	sadd.s32 s27, s28  }
0x5b: {  	s27 =	smov.u32 s12;
	s28 =	smov.u32 s9;
	s25 =	sor.u32 s26, s31  }
0x5c: {  	s27 =	simm.s32 @!p1 $0x3;
	p1 =	sgt.s32 s11, $0x7;
	s25 =	sshrl.u32 s25, $0x7  }
0x5d: {  	s26 =	ssub.s32 s27, s30;
	s27 =	smov.u32 s11;
	s30 =	sand.u32 s29, s11  }
0x5e: {  	s31 =	sadd.s32 $0xFFFFFFFD, s26;
	s27 =	simm.s32 @!p1 $0x7;
	s26 =	ssub.s32 $0x4, s26  }
0x5f: {  	p1 =	sgt.s32 s31, $0x0;
	s27 =	ssub.s32 s27, s30;
	s30 =	sshra.s32 s9, $0x1F  }
0x60: {  	s26 =	simm.s32 @p1 $0x0;
	p1 =	sgt.s32 s9, $0x40;
	s31 =	sadd.s32 $0xFFFFFFF9, s27  }
0x61: {  	s27 =	ssub.s32 $0x8, s27;
	s29 =	sand.u32 s30, s9;
	s30 =	smul.u32 $0xAA000, s12  }
0x62: {  	s28 =	simm.s32 @!p1 $0x40;
	p1 =	sgt.s32 s31, $0x0;
	s31 =	smulhi.u32 $0xC0C0C1, s25  }
0x63: {  	v5 =	vld [tilespmem:s22+$0xFFFFFFD0];
	[tilespmem:s23+$0x1040 ss:$0x41] =	vst.msk $0xffff, v4;
	s27 =	simm.s32 @p1 $0x0;
	s28 =	ssub.s32 s28, s29;
	p1 =	sgt.s32 s8, $0x14C0  }
0x64: {  	v58 =	vld [tilespmem:s22+$0xFFFFFFE0];
	[tilespmem:s23+$0x1450 ss:$0x41] =	vst.msk $0xffff, v3;
	s26 =	smul.u32 s26, s27;
	s27 =	smov.u32 s8;
	s29 =	sadd.s32 $0xFFFFFFC0, s28  }
0x65: {  	v59 =	vld [tilespmem:s22+$0xFFFFFFF0];
	[tilespmem:s23+$0x1860 ss:$0x41] =	vst.msk $0xffff, v2;
	s31 =	sshrl.u32 s31, $0x4;
	s28 =	ssub.s32 $0x80, s28;
	s27 =	simm.s32 @!p1 $0x14C0  }
0x66: {  	v60 =	vld [tilespmem:s22+$0x0];
	[tilespmem:s23+$0x0 ss:$0x41] =	vst.msk $0xffff, v1;
	p1 =	sgt.s32 s29, $0x3F;
	s29 =	sshra.s32 s8, $0x1F;
	s23 =	smul.u32 $0x1540, s31  }
0x67: {  	v61 =	vld [tilespmem:s22+$0x10];
	[tilespmem:s24+$0x1C70 ss:$0x41] =	vst.msk $0xffff, v0;
	s31 =	smul.u32 $0x15400, s11;
	s29 =	sand.u32 s29, s8;
	s28 =	simm.s32 @p1 $0x0  }
0x68: {  	v62 =	vld [tilespmem:s22+$0x20];
	[tilespmem:s24+$0x410 ss:$0x41] =	vst.msk $0xffff, v5;
	s27 =	ssub.s32 s27, s29;
	s26 =	smul.u32 s28, s26  }
0x69: {  	v63 =	vld [tilespmem:s22+$0xFFFFFFC0];
	[tilespmem:s24+$0x820 ss:$0x41] =	vst.msk $0xffff, v58;
	s23 =	ssub.s32 s25, s23;
	s28 =	sshrl.u32 s9, $0x3;
	s29 =	sadd.s32 $0xFFFFEB40, s27  }
0x6a: {  	[tilespmem:s24+$0xC30 ss:$0x41] =	vst.msk $0xffff, v59;
	s22 =	ssub.s32 $0x1540, s27;
	s27 =	sadd.s32 s3, s30;
	p1 =	sgt.s32 s29, $0x7F  }
.Ltmp4:
0x6b: {  	[tilespmem:s24+$0x1040 ss:$0x41] =	vst.msk $0xffff, v60;
	s25 =	sadd.s32 s31, s27;
	s22 =	simm.s32 @p1 $0x0;
	(pc) =	sbr.rel .LBB1_5-.Ltmp4, $4  }
0x6c: {  	[tilespmem:s24+$0x1450 ss:$0x41] =	vst.msk $0xffff, v61;
	s29 =	sand.u32 $0x7, s9;
	s22 =	smul.u32 s22, s26;
	s26 =	sand.u32 $0xF, s28  }
0x6d: {  	[tilespmem:s24+$0x1860 ss:$0x41] =	vst.msk $0xffff, v62;
	s23 =	sshll.u32 s23, $0x4;
	s30 =	sshll.u32 s29, $0x12;
	s25 =	sadd.s32 s26, s25  }
0x6e: {  	[tilespmem:s24+$0x0 ss:$0x41] =	vst.msk $0xffff, v63;
	s31 =	sor.u32 $0x40, s30;
	s22 =	sand.u32 $0x3FFFFFFF, s22;
	s23 =	sadd.s32 s23, s25  }
0x6f: {  	[hbm4b:s23+s31] =	stream.strided.scatter [tilespmem:s21], [sflag:$0x2], s22, s7, s31, $0x18;
	[tilespmem:$0x8100] =	vst v63  }
.LBB1_6:
0x70: {  	_ =	sfence.sel $0x180000  }
0x71: {  	s2 =	simm.s32 $0x1;
	[bflag:$0x0] =	sbarrier.arrive $0xFFFF  }
0x72: {  	s31 =	simm.s32 $0x2;
	[sflag:s2] =	ssyncpa.u1 $0x1  }
0x73: {  	[sflag:s31] =	ssyncpa.u1 $0x1  }
0x74: {  	p0 =	sne.s32 s1, $0x0;
	_ =	strace $0x9000004D  }
0x75: {  	s0 =	sadd.s32 @!p0 $0x100000, s0;
	[bflag:$0x2] =	sbarrier.arrive $0xFFFF  }
0x76: {  	[sflag:s0] =	ssyncadd.tile.s32 @!p0 $0x1;
	_ =	shalt  }
.Lfunc_end1:
_tile_overlayer_lowered:
.L_overlay_start_2:
0x77: {  	(tag) =	ssettag $0x2  }
0x78: {  	s0 =	rddreg [dreg:$0x0];
	s2 =	stileid.u32  }
0x79: {  	s1 =	rddreg [dreg:$0x1];
	p0 =	sne.s32 s2, $0x0  }
0x7a: {  	s3 =	rddreg [dreg:$0x2];
	[bflag:$0x3] =	sbarrier.arrive $0xFFFF;
	s2 =	simm.s32 @!p0 $0x1C01  }
0x7b: {  	[timem:s3], [sflag:s2] =	dma.local @!p0 [hbm:s0], s1  }
0x7c: {  	s0 =	simm.s32 @!p0 $0x1  }
0x7d: {  	_ =	swait.ge @!p0 [sflag:s0], s1  }
0x7e: {  	s1 =	ssub.s32 @!p0 $0x0, s1;
	[sflag:s0] =	ssyncset.done @!p0 $0x0  }
0x7f: {  	[sflag:s0] =	ssyncadd.s32 @!p0 s1  }
0x80: {  	[bflag:$0x3] =	sbarrier.arrive $0xFFFF  }
0x81: {  	_ =	shalt  }

// kernel: sparse-core-data-format-call.3.cloned.1.call-start
scs
called_computation.3_lowered:
.L_overlay_start_0:
0x0: {  	s1 =	sld [smem:$0x3FD9]  }
0x1: {  	s2 =	sld [smem:$0x3FFE];
	_ =	sdelay $0x1  }
0x2: {  	s3 =	srdreg.scid  }
0x3: {  	s0 =	sand.u32 $0x1, s3  }
0x4: {  	s17 =	sshll.u32 s0, $0xA;
	s1 =	sadd.s32 s2, s1  }
0x5: {  	s1 =	sadd.s32 s1, s17  }
0x6: {  	[smem:$0x3FBD] =	sst s1  }
0x7: {  	_ = 	snop  }
0x8: {  	(tm) =	ssettm $0x1  }
0x9: {  	s18 =	sld [smem:$0x3FFB];
	_ =	sdelay $0x3  }
0xa: {  	_ =	strace s18  }
0xb: {  	s1 =	sld [smem:$0x3FFC];
	_ =	sdelay $0x3  }
0xc: {  	_ =	strace s1  }
0xd: {  	s1 =	sld [smem:$0x3FFD];
	_ =	sdelay $0x3  }
0xe: {  	_ =	strace s1  }
0xf: {  	_ =	strace $0x8FFFFFFF  }
0x10: {  	s19 =	sld [smem:$0x3FDB];
	_ =	sdelay $0x1  }
0x11: {  	s20 =	simm.s32 $_scs_section_size  }
0x12: {  	s4 =	simm.s32 $_size__tile_overlayer_lowered;
	s5 =	simm.s32 $_tile_overlayer_lowered  }
0x13: {  	s23 =	simm.s32 $0x1BFF;
	s22 =	sshll.u32 s5, $0x1;
	s1 =	sadd.s32 s20, s19  }
0x14: {  	s6 =	simm.s32 $0x0;
	s21 =	sshll.u32 s4, $0x1;
	s4 =	sadd.s32 s22, s1  }
0x15: {  	[timem:s6], [sflag:s23] =	dma.local [hbm:s4], s21  }
0x16: {  	_ =	swait.ge [sflag:s23], s21  }
0x17: {  	s2 =	ssub.s32 $0x0, s21;
	[sflag:s23] =	ssyncset.done $0x0  }
0x18: {  	[sflag:s23] =	ssyncadd.s32 s2;
	_ =	sdelay $0x1  }
0x19: {  	s24 =	simm.s32 $0x1B8B  }
0x1a: {  	_ =	swait.ge [sflag:s24], $0x1  }
0x1b: {  	[sflag:s24] =	ssyncset.done $0x0  }
0x1c: {  	s26 =	simm.s32 $0x1B8E;
	s25 =	sld [smem:$0x3FFE];
	[sflag:s24] =	ssyncadd.s32 $0xFFFFFFFF  }
0x1d: {  	s27 =	simm.s32 $execute0_lowered;
	[smem:$0x3FD2] =	sst s26  }
0x1e: {  	s4 =	sshll.u32 s27, $0x1;
	_ =	strace $0x80000046;
	[dreg:$0x1] =	wrdreg $0xFFFFFFFF  }
0x1f: {  	s28 =	simm.s32 $_size_execute0_lowered;
	s1 =	sadd.s32 s1, s4;
	[dreg:$0x0] =	wrdreg $0x0  }
0x20: {  	s4 =	sshll.u32 s28, $0x1;
	[dreg:$0x2] =	wrdreg s1  }
0x21: {  	[dreg:$0x3] =	wrdreg s4  }
0x22: {  	[dreg:$0x4] =	wrdreg $0xC0  }
0x23: {  	_ =	task [dreg:s6], $0x5FFFF  }
0x24: {  	[dreg:$0x1] =	wrdreg $0xFFFFFFFF  }
0x25: {  	[dreg:$0x0] =	wrdreg $0x60  }
0x26: {  	[dreg:$0x2] =	wrdreg s25  }
0x27: {  	[dreg:$0x3] =	wrdreg $0xA  }
0x28: {  	_ =	task.clear_ibuf [dreg:s6], $0x4FFFF;
	_ =	strace $0x90000046  }
0x29: {  	s29 =	simm.s32 $0xA;
	_ =	strace $0x80000048  }
0x2a: {  	_ =	swait.ge [sflag:s29], $0x1  }
0x2b: {  	[sflag:s29] =	ssyncadd.s32 $0xFFFFFFFF  }
0x2c: {  	_ =	strace $0x90000048  }
0x2d: {  	_ =	sfence  }
0x2e: {  	s30 =	sld [smem:$0x0];
	_ =	sdelay $0x2  }
0x2f: {  	s31 =	sshll.u32 s3, $0xD;
	s3 =	sshrl.u32 s3, $0x2  }
0x30: {  	s2 =	sand.u32 $0x4000, s31;
	s1 =	sadd.s32 s3, s30  }
0x31: {  	s0 =	sor.u32 s2, s0;
	s1 =	sshll.u32 s1, $0x11  }
0x32: {  	s0 =	sor.u32 s1, s0  }
0x33: {  	s0 =	sadd.s32 $0x8F2B, s0  }
0x34: {  	[sflag:s0] =	ssyncadd.remote.s32 $0x1  }
0x35: {  	_ =	sfence.sel $0xFFFF  }
0x36: {  	[dreg:$0x0] =	wrdreg $0xFFFFFFFF;
	(pc) =	sbr.abs _section_cstart, $3  }
0x37: {  	[dreg:$0x1] =	wrdreg $0xFFFFFFFF  }
0x38: {  	_ =	task.clear_ibuf [dreg:s6], $0x2FFFF;
	_ =	strace $0x9FFFFFFF  }
0x39: {  	(tm) =	ssettm $0x7FFFFFFF  }
tec
execute0_lowered:
.L_overlay_start_1:
0x0: {  	(tag) =	ssettag $0x1  }
0x1: {  	s0 =	stileid.u32  }
0x2: {  	s1 =	rddreg [dreg:$0x0];
	s3 =	srdreg.scid;
	_ =	strace $0x80000047  }
0x3: {  	s31 =	simm.s32 $0x2;
	s20 =	simm.s32 $0x0;
	s10 =	simm.s32 $0x15800  }
0x4: {  	s11 =	simm.s32 $0x0;
	s22 =	simm.s32 $0x0;
	s18 =	simm.s32 $0x0  }
0x5: {  	s19 =	simm.s32 $0x0;
	s21 =	simm.s32 $0x0;
	s14 =	simm.s32 $0x0  }
0x6: {  	s15 =	simm.s32 $0x0;
	s2 =	sand.u32 $0xC, s0;
	s3 =	sshll.u32 s3, $0x7  }
0x7: {  	s17 =	simm.s32 $0x0;
	s4 =	ssub.s32 $0x10, s2;
	s3 =	sand.u32 $0x80, s3  }
0x8: {  	s13 =	smov.u32 s2;
	s5 =	sand.u32 $0xC, s4;
	s6 =	ssub.s32 $0x1500, s3  }
0x9: {  	s7 =	sshrl.u32 s4, $0x4;
	p0 =	sne.s32 s5, $0x0;
	s5 =	simm.s32 $0x1  }
.Ltmp0:
0xa: {  	s6 =	sshrl.u32 s6, $0x8;
	s5 =	simm.s32 @!p0 $0x0;
	(pc) =	sbr.rel .LBB1_1-.Ltmp0, $4  }
0xb: {  	s4 =	sadd.s32 $0x2AA600, s1;
	s8 =	sadd.s32 $0x1, s6;
	s7 =	sadd.s32 s5, s7  }
0xc: {  	s12 =	smov.u32 s3;
	s6 =	simm.s32 $0x1;
	s7 =	smul.u32 s8, s7  }
0xd: {  	s5 =	sadd.s32 $0x402600, s1;
	[sflag:s6] =	ssyncpa.u1 $0x0;
	s8 =	sand.u32 $0x3, s0  }
0xe: {  	[sflag:s31] =	ssyncpa.u1 $0x0;
	s16 =	smov.u32 s8;
	s9 =	sadd.s32 $0x1, s7  }
.LBB1_9:
0xf: {  	s1 =	sadd.s32 $0x100, s12  }
0x10: {  	s18 =	sadd.s32 $0x10, s13;
	s23 =	smov.u32 s13;
	p1 =	sgt.s32 s1, $0x153F  }
0x11: {  	s23 =	smov.u32 @p1 s18  }
0x12: {  	s24 =	smov.u32 s14;
	s18 =	sadd.s32 $0x8, s14;
	p2 =	sgt.s32 s23, $0xF  }
0x13: {  	s24 =	smov.u32 @p2 s18  }
0x14: {  	s25 =	smov.u32 s15;
	s18 =	sadd.s32 $0x4, s15;
	p3 =	sgt.s32 s24, $0x7  }
0x15: {  	p0 =	slt.u32 s17, $0x2;
	s26 =	smov.u32 s16;
	s25 =	smov.u32 @p3 s18  }
0x16: {  	s20 =	smov.u32 s12;
	s18 =	sadd.s32 $0x4, s16;
	p4 =	sgt.s32 s25, $0x3  }
0x17: {  	s22 =	smov.u32 s13;
	s19 =	smov.u32 s15;
	s26 =	smov.u32 @p4 s18  }
0x18: {  	s21 =	smov.u32 s16;
	s1 =	smov.u32 @p1 s3;
	p1 =	sgt.s32 s26, $0x3  }
0x19: {  	s27 =	simm.s32 @!p0 $0x2;
	s26 =	smov.u32 @p1 s8;
	p1 =	sne.s32 s17, s9  }
.Ltmp1:
0x1a: {  	s11 =	sadd.s32 $0x4000, s11;
	_ =	swait.ge @!p0 [sflag:s27], $0x4000;
	(pc) =	sbr.rel @!p1 .LBB1_10-.Ltmp1, $4  }
0x1b: {  	[sflag:s27] =	ssyncset.done @!p0 $0x0;
	s12 =	smov.u32 s1;
	s23 =	smov.u32 @p2 s2  }
0x1c: {  	[sflag:s27] =	ssyncadd.s32 @!p0 $0xFFFFC000;
	s13 =	smov.u32 s23;
	s24 =	simm.s32 @p3 $0x0  }
0x1d: {  	s25 =	simm.s32 @p4 $0x0;
	s18 =	smov.u32 s14;
	s14 =	smov.u32 s24  }
0x1e: {  	s15 =	smov.u32 s25;
	s17 =	sadd.s32 $0x1, s17;
	s16 =	smov.u32 s26  }
.LBB1_1:
0x1f: {  	p0 =	sge.u32 s17, s7  }
0x20: {  	s1 =	sshrl.u32 @!p0 s13, $0x3  }
0x21: {  	s23 =	sshll.u32 @!p0 s12, $0x3;
	s1 =	smul.u32 @!p0 $0xAC00, s1  }
0x22: {  	s24 =	sshll.u32 @!p0 s13, $0x7;
	s23 =	sand.u32 @!p0 $0xFFFFFC00, s23  }
0x23: {  	s1 =	sadd.s32 @!p0 s1, s23;
	s23 =	sand.u32 @!p0 $0x380, s24  }
0x24: {  	s26 =	smul.u32 @!p0 $0x56000, s16;
	s24 =	sand.u32 @!p0 $0x7F, s12;
	s1 =	sor.u32 @!p0 s23, s1  }
0x25: {  	s27 =	smul.u32 @!p0 $0x15800, s15;
	s23 =	sor.u32 @!p0 s24, s1  }
0x26: {  	s24 =	smulhi.u32 @!p0 $0x2FA0BE83, s23  }
0x27: {  	s1 =	smulhi.u32 @!p0 $0x2FA0BE83, s1  }
0x28: {  	s31 =	sadd.s32 $0xFFFFFFFF, s17;
	s28 =	smul.u32 @!p0 $0x2B00, s14;
	s24 =	sshrl.u32 @!p0 s24, $0xA  }
0x29: {  	s25 =	sxor.u32 @!p0 $0xFFFFFFFF, s17;
	s1 =	sshrl.u32 @!p0 s1, $0xA;
	s24 =	smul.u32 @!p0 $0x1580, s24  }
0x2a: {  	s25 =	sshll.u32 @!p0 s25, $0xE;
	s26 =	sadd.s32 @!p0 s4, s26;
	s1 =	sand.u32 @!p0 $0xF, s1  }
0x2b: {  	s1 =	smul.u32 @!p0 $0x2B0, s1;
	s23 =	ssub.s32 @!p0 s23, s24;
	s24 =	sadd.s32 @!p0 s27, s26  }
0x2c: {  	s25 =	sand.u32 @!p0 $0x4000, s25;
	s24 =	sadd.s32 @!p0 s28, s24;
	s26 =	sand.u32 @!p0 $0x7, s23  }
0x2d: {  	s23 =	sshrl.u32 @!p0 s23, $0x3;
	s1 =	sadd.s32 @!p0 s1, s24;
	s24 =	sshll.u32 @!p0 s26, $0x12  }
0x2e: {  	s1 =	sadd.s32 @!p0 s23, s1;
	s23 =	sor.u32 @!p0 $0x200, s24;
	s24 =	simm.s32 @!p0 $0x15800  }
0x2f: {  	[tilespmem:s25], [sflag:$0x1] =	stream.strided.gather @!p0 [hbm4b:s1+s23], $0x4000, s24, s23, $0x38;
	[tilespmem:$0x10000] =	vst v63  }
0x30: {  	p0 =	sge.u32 s31, s7  }
.Ltmp2:
0x31: {  	_ = 	snop;
	(pc) =	sbr.rel @p0 .LBB1_9-.Ltmp2, $1  }
0x32: {  	_ =	sdelay $0x3  }
0x33: {  	s1 =	sand.u32 $0x4000, s11  }
0x34: {  	_ =	swait.ge [sflag:s6], $0x4000;
	s23 =	sshll.u32 s17, $0xE;
	s26 =	simm.s32 $0x0  }
0x35: {  	s24 =	sor.u32 $0x8070, s1;
	[sflag:s6] =	ssyncset.done $0x0;
	s31 =	sand.u32 $0x4000, s23  }
0x36: {  	s25 =	sor.u32 $0x40, s1;
	[sflag:s6] =	ssyncadd.s32 $0xFFFFC000;
	s23 =	sor.u32 $0x8000, s31  }
.LBB1_3:
0x37: {  	s27 =	smov.u32 s25;
	s28 =	smov.u32 s24;
	s29 =	simm.s32 $0x0  }
.LBB1_4:
0x38: {  	v1 =	vmov s27;
	_ =	sdelay $0x3  }
0x39: {  	s30 =	simm.s32 $0x0  }
0x3a: {  	v7 =	vld.idx.msk [tilespmem:v1+s30+$0x30 ss:$0x1], $0xffff  }
0x3b: {  	v0 =	vmov s28;
	v8 =	vld.idx.msk [tilespmem:v1+s30+$0xFFFFFFC0 ss:$0x1], $0xffff  }
0x3c: {  	v6 =	vld.idx.msk [tilespmem:v1+s30+$0xFFFFFFD0 ss:$0x1], $0xffff  }
0x3d: {  	v5 =	vld.idx.msk [tilespmem:v1+s30+$0xFFFFFFE0 ss:$0x1], $0xffff  }
0x3e: {  	v4 =	vld.idx.msk [tilespmem:v1+s30+$0xFFFFFFF0 ss:$0x1], $0xffff  }
0x3f: {  	v2 =	vld.idx.msk [tilespmem:v1+s30+$0x0 ss:$0x1], $0xffff  }
0x40: {  	v3 =	vld.idx.msk [tilespmem:v1+s30+$0x10 ss:$0x1], $0xffff;
	[tilespmem:v0+s30+$0x0 ss:$0x1] =	vst.idx.msk $0xffff, v7  }
0x41: {  	s31 =	simm.s32 $0x80;
	s1 =	simm.s32 $0x400;
	[tilespmem:v0+s30+$0xFFFFFF90 ss:$0x1] =	vst.idx.msk $0xffff, v8;
	v7 =	vld.idx.msk [tilespmem:v1+s30+$0x20 ss:$0x1], $0xffff  }
.LBB1_5:
0x42: {  	p0 =	sne.s32 s1, $0x600;
	v8 =	vld.idx.msk [tilespmem:v1+s31+$0x30 ss:$0x1], $0xffff;
	[tilespmem:v0+s30+$0xFFFFFFA0 ss:$0x1] =	vst.idx.msk $0xffff, v6  }
0x43: {  	v9 =	vld.idx.msk [tilespmem:v1+s31+$0xFFFFFFC0 ss:$0x1], $0xffff;
	[tilespmem:v0+s30+$0xFFFFFFB0 ss:$0x1] =	vst.idx.msk $0xffff, v5  }
0x44: {  	v6 =	vld.idx.msk [tilespmem:v1+s31+$0xFFFFFFD0 ss:$0x1], $0xffff;
	[tilespmem:v0+s30+$0xFFFFFFC0 ss:$0x1] =	vst.idx.msk $0xffff, v4  }
.Ltmp3:
0x45: {  	v5 =	vld.idx.msk [tilespmem:v1+s31+$0xFFFFFFE0 ss:$0x1], $0xffff;
	[tilespmem:v0+s30+$0xFFFFFFD0 ss:$0x1] =	vst.idx.msk $0xffff, v2;
	(pc) =	sbr.rel @p0 .LBB1_5-.Ltmp3, $4  }
0x46: {  	v4 =	vld.idx.msk [tilespmem:v1+s31+$0xFFFFFFF0 ss:$0x1], $0xffff;
	[tilespmem:v0+s30+$0xFFFFFFE0 ss:$0x1] =	vst.idx.msk $0xffff, v3  }
0x47: {  	v2 =	vld.idx.msk [tilespmem:v1+s31+$0x0 ss:$0x1], $0xffff;
	[tilespmem:v0+s30+$0xFFFFFFF0 ss:$0x1] =	vst.idx.msk $0xffff, v7;
	s30 =	smov.u32 s31  }
0x48: {  	v3 =	vld.idx.msk [tilespmem:v1+s30+$0x10 ss:$0x1], $0xffff;
	[tilespmem:v0+s30+$0x0 ss:$0x1] =	vst.idx.msk $0xffff, v8  }
0x49: {  	s31 =	sshra.s32 s1, $0x2;
	s1 =	sadd.s32 $0x200, s1;
	[tilespmem:v0+s30+$0xFFFFFF90 ss:$0x1] =	vst.idx.msk $0xffff, v9;
	v7 =	vld.idx.msk [tilespmem:v1+s30+$0x20 ss:$0x1], $0xffff  }
0x4a: {  	_ =	sdelay $0x3  }
0x4b: {  	[tilespmem:v0+s30+$0xFFFFFFA0 ss:$0x1] =	vst.idx.msk $0xffff, v6  }
0x4c: {  	v56 =	vld.idx.msk [tilespmem:v1+s31+$0x30 ss:$0x1], $0xffff;
	[tilespmem:v0+s30+$0xFFFFFFB0 ss:$0x1] =	vst.idx.msk $0xffff, v5  }
0x4d: {  	v57 =	vld.idx.msk [tilespmem:v1+s31+$0xFFFFFFC0 ss:$0x1], $0xffff;
	[tilespmem:v0+s30+$0xFFFFFFC0 ss:$0x1] =	vst.idx.msk $0xffff, v4  }
0x4e: {  	v58 =	vld.idx.msk [tilespmem:v1+s31+$0xFFFFFFD0 ss:$0x1], $0xffff;
	[tilespmem:v0+s30+$0xFFFFFFD0 ss:$0x1] =	vst.idx.msk $0xffff, v2  }
0x4f: {  	v59 =	vld.idx.msk [tilespmem:v1+s31+$0xFFFFFFE0 ss:$0x1], $0xffff;
	[tilespmem:v0+s30+$0xFFFFFFE0 ss:$0x1] =	vst.idx.msk $0xffff, v3  }
0x50: {  	v60 =	vld.idx.msk [tilespmem:v1+s31+$0xFFFFFFF0 ss:$0x1], $0xffff;
	[tilespmem:v0+s30+$0xFFFFFFF0 ss:$0x1] =	vst.idx.msk $0xffff, v7  }
0x51: {  	v61 =	vld.idx.msk [tilespmem:v1+s31+$0x0 ss:$0x1], $0xffff;
	[tilespmem:v0+s31+$0x0 ss:$0x1] =	vst.idx.msk $0xffff, v56  }
0x52: {  	v62 =	vld.idx.msk [tilespmem:v1+s31+$0x10 ss:$0x1], $0xffff;
	s29 =	sadd.s32 $0x1, s29;
	[tilespmem:v0+s31+$0xFFFFFF90 ss:$0x1] =	vst.idx.msk $0xffff, v57  }
0x53: {  	v63 =	vld.idx.msk [tilespmem:v1+s31+$0x20 ss:$0x1], $0xffff;
	p0 =	sne.s32 s29, $0x8;
	[tilespmem:v0+s31+$0xFFFFFFA0 ss:$0x1] =	vst.idx.msk $0xffff, v58  }
.Ltmp4:
0x54: {  	[tilespmem:v0+s31+$0xFFFFFFB0 ss:$0x1] =	vst.idx.msk $0xffff, v59;
	(pc) =	sbr.rel @p0 .LBB1_4-.Ltmp4, $4  }
0x55: {  	[tilespmem:v0+s31+$0xFFFFFFC0 ss:$0x1] =	vst.idx.msk $0xffff, v60  }
0x56: {  	[tilespmem:v0+s31+$0xFFFFFFD0 ss:$0x1] =	vst.idx.msk $0xffff, v61  }
0x57: {  	[tilespmem:v0+s31+$0xFFFFFFE0 ss:$0x1] =	vst.idx.msk $0xffff, v62  }
0x58: {  	s28 =	sadd.s32 $0x800, s28;
	s27 =	sadd.s32 $0x200, s27;
	[tilespmem:v0+s31+$0xFFFFFFF0 ss:$0x1] =	vst.idx.msk $0xffff, v63  }
0x59: {  	s26 =	sadd.s32 $0x1, s26  }
0x5a: {  	p0 =	sne.s32 s26, $0x4  }
.Ltmp5:
0x5b: {  	_ = 	snop;
	(pc) =	sbr.rel @p0 .LBB1_3-.Ltmp5, $2  }
0x5c: {  	_ =	sdelay $0x2  }
0x5d: {  	s24 =	sadd.s32 $0x200, s24;
	s25 =	sadd.s32 $0x1000, s25  }
0x5e: {  	s1 =	sshrl.u32 s22, $0x3  }
0x5f: {  	s24 =	sshll.u32 s20, $0x3;
	s1 =	smul.u32 $0xAC00, s1  }
0x60: {  	s27 =	sshll.u32 s22, $0x7;
	s24 =	sand.u32 $0xFFFFFC00, s24  }
0x61: {  	s22 =	sand.u32 $0x380, s27;
	s1 =	sadd.s32 s1, s24  }
0x62: {  	s28 =	sand.u32 $0x7F, s20;
	s21 =	smul.u32 $0x56000, s21;
	s1 =	sor.u32 s22, s1  }
0x63: {  	s20 =	sor.u32 s28, s1;
	s1 =	smulhi.u32 $0x2FA0BE83, s1  }
0x64: {  	s29 =	smulhi.u32 $0x2FA0BE83, s20  }
0x65: {  	s19 =	smul.u32 $0x2B00, s19  }
0x66: {  	s18 =	smul.u32 $0xAC00, s18;
	s1 =	sshrl.u32 s1, $0xA;
	s22 =	sshrl.u32 s29, $0xA  }
0x67: {  	s1 =	sand.u32 $0xF, s1;
	s22 =	smul.u32 $0x1580, s22  }
0x68: {  	s21 =	sadd.s32 s5, s21;
	s1 =	smul.u32 $0x2B0, s1  }
.Ltmp6:
0x69: {  	s19 =	sadd.s32 s19, s21;
	s20 =	ssub.s32 s20, s22;
	(pc) =	sbr.rel .LBB1_9-.Ltmp6, $4  }
0x6a: {  	s18 =	sadd.s32 s18, s19;
	s30 =	sand.u32 $0x7, s20  }
0x6b: {  	s1 =	sadd.s32 s1, s18;
	s20 =	sshrl.u32 s20, $0x3;
	s31 =	sshll.u32 s30, $0x12  }
0x6c: {  	s1 =	sadd.s32 s20, s1;
	s18 =	sor.u32 $0x200, s31  }
0x6d: {  	[hbm4b:s1+s18] =	stream.strided.scatter [tilespmem:s23], [sflag:$0x2], $0x4000, s10, s18, $0x38;
	[tilespmem:$0x10000] =	vst v63  }
.LBB1_10:
0x6e: {  	_ =	sfence.sel $0x180000  }
0x6f: {  	s1 =	simm.s32 $0x1;
	[bflag:$0x0] =	sbarrier.arrive $0xFFFF  }
0x70: {  	s31 =	simm.s32 $0x2;
	[sflag:s1] =	ssyncpa.u1 $0x1  }
0x71: {  	[sflag:s31] =	ssyncpa.u1 $0x1  }
0x72: {  	_ =	strace $0x90000047  }
0x73: {  	[bflag:$0x2] =	sbarrier.arrive $0xFFFF  }
0x74: {  	p0 =	sne.s32 s0, $0x0;
	s0 =	rddreg [dreg:$0x1]  }
0x75: {  	s0 =	sadd.s32 @!p0 $0x100000, s0  }
0x76: {  	[sflag:s0] =	ssyncadd.tile.s32 @!p0 $0x1;
	_ =	shalt  }
.Lfunc_end1:
_tile_overlayer_lowered:
.L_overlay_start_2:
0x77: {  	(tag) =	ssettag $0x2  }
0x78: {  	s0 =	rddreg [dreg:$0x0];
	s2 =	stileid.u32  }
0x79: {  	s1 =	rddreg [dreg:$0x1];
	p0 =	sne.s32 s2, $0x0  }
0x7a: {  	s3 =	rddreg [dreg:$0x2];
	[bflag:$0x3] =	sbarrier.arrive $0xFFFF;
	s2 =	simm.s32 @!p0 $0x1C01  }
0x7b: {  	[timem:s3], [sflag:s2] =	dma.local @!p0 [hbm:s0], s1  }
0x7c: {  	s0 =	simm.s32 @!p0 $0x1  }
0x7d: {  	_ =	swait.ge @!p0 [sflag:s0], s1  }
0x7e: {  	s1 =	ssub.s32 @!p0 $0x0, s1;
	[sflag:s0] =	ssyncset.done @!p0 $0x0  }
0x7f: {  	[sflag:s0] =	ssyncadd.s32 @!p0 s1  }
0x80: {  	[bflag:$0x3] =	sbarrier.arrive $0xFFFF  }
0x81: {  	_ =	shalt  }

// kernel: sparse-core-data-format-call.cloned.1.call-start
scs
called_computation_lowered:
.L_overlay_start_0:
0x0: {  	s2 =	sld [smem:$0x3FD9]  }
0x1: {  	s3 =	sld [smem:$0x3FFE];
	_ =	sdelay $0x1  }
0x2: {  	s1 =	srdreg.scid  }
0x3: {  	s0 =	sand.u32 $0x1, s1  }
0x4: {  	s18 =	sshll.u32 s0, $0xA;
	s2 =	sadd.s32 s3, s2  }
0x5: {  	s2 =	sadd.s32 s2, s18  }
0x6: {  	[smem:$0x3FBD] =	sst s2  }
0x7: {  	_ = 	snop  }
0x8: {  	(tm) =	ssettm $0x1  }
0x9: {  	s19 =	sld [smem:$0x3FFB];
	_ =	sdelay $0x3  }
0xa: {  	_ =	strace s19  }
0xb: {  	s2 =	sld [smem:$0x3FFC];
	_ =	sdelay $0x3  }
0xc: {  	_ =	strace s2  }
0xd: {  	s2 =	sld [smem:$0x3FFD];
	_ =	sdelay $0x3  }
0xe: {  	_ =	strace s2  }
0xf: {  	_ =	strace $0x8FFFFFFF  }
0x10: {  	s20 =	sld [smem:$0x3FDB];
	_ =	sdelay $0x1  }
0x11: {  	s21 =	simm.s32 $_scs_section_size  }
0x12: {  	s4 =	simm.s32 $_size__tile_overlayer_lowered;
	s5 =	simm.s32 $_tile_overlayer_lowered  }
0x13: {  	s6 =	simm.s32 $0x1BFF;
	s22 =	sshll.u32 s5, $0x1;
	s3 =	sadd.s32 s21, s20  }
0x14: {  	s23 =	simm.s32 $0x0;
	s4 =	sshll.u32 s4, $0x1;
	s5 =	sadd.s32 s22, s3  }
0x15: {  	[timem:s23], [sflag:s6] =	dma.local [hbm:s5], s4  }
0x16: {  	_ =	swait.ge [sflag:s6], s4  }
0x17: {  	s4 =	ssub.s32 $0x0, s4;
	[sflag:s6] =	ssyncset.done $0x0  }
0x18: {  	[sflag:s6] =	ssyncadd.s32 s4;
	_ =	sdelay $0x1  }
0x19: {  	s24 =	simm.s32 $0x1B8B  }
0x1a: {  	_ =	swait.ge [sflag:s24], $0x1  }
0x1b: {  	[sflag:s24] =	ssyncset.done $0x0  }
0x1c: {  	[sflag:s24] =	ssyncadd.s32 $0xFFFFFFFF  }
0x1d: {  	s4 =	sld [smem:$0x0]  }
0x1e: {  	s5 =	sand.u32 $0xFFFFFFFE, s1  }
0x1f: {  	p0 =	sne.s32 s1, s5  }
0x20: {  	s5 =	sshll.u32 @p0 s5, $0xE  }
0x21: {  	s5 =	sadd.s32 @p0 $0x11B8D, s5;
	s6 =	sshll.u32 @p0 s4, $0x11  }
0x22: {  	s5 =	sor.u32 @p0 s6, s5  }
0x23: {  	[sflag:s5] =	ssyncadd.remote.s32 @p0 $0x1;
	_ =	sdelay $0x1  }
0x24: {  	s5 =	simm.s32 @p0 $0x1B8D  }
0x25: {  	_ =	swait.eq @p0 [sflag:s5], $0x1  }
0x26: {  	[sflag:s5] =	ssyncadd.s32 @p0 $0xFFFFFFFF  }
0x27: {  	s6 =	sshll.u32 @!p0 s1, $0xE  }
0x28: {  	s6 =	sor.u32 @!p0 $0x4000, s6;
	s5 =	simm.s32 @!p0 $0x1B8D  }
0x29: {  	s4 =	sshll.u32 @!p0 s4, $0x11;
	s6 =	sadd.s32 @!p0 $0x11B8D, s6;
	_ =	swait.eq @!p0 [sflag:s5], $0x1  }
0x2a: {  	s4 =	sor.u32 @!p0 s4, s6;
	[sflag:s5] =	ssyncadd.s32 @!p0 $0xFFFFFFFF  }
0x2b: {  	s26 =	simm.s32 $0x1B8E;
	s25 =	sld [smem:$0x3FFE];
	[sflag:s4] =	ssyncadd.remote.s32 @!p0 $0x1  }
0x2c: {  	s27 =	simm.s32 $execute0_lowered;
	[smem:$0x3FD2] =	sst s26  }
0x2d: {  	s5 =	sshll.u32 s27, $0x1;
	_ =	strace $0x8000004F;
	[dreg:$0x1] =	wrdreg $0xFFFFFFFF  }
0x2e: {  	s28 =	simm.s32 $_size_execute0_lowered;
	s3 =	sadd.s32 s3, s5;
	[dreg:$0x0] =	wrdreg $0x0  }
0x2f: {  	s5 =	sshll.u32 s28, $0x1;
	[dreg:$0x2] =	wrdreg s3  }
0x30: {  	[dreg:$0x3] =	wrdreg s5  }
0x31: {  	[dreg:$0x4] =	wrdreg $0xC0  }
0x32: {  	_ =	task [dreg:s23], $0x5FFFF  }
0x33: {  	[dreg:$0x1] =	wrdreg $0xFFFFFFFF  }
0x34: {  	[dreg:$0x0] =	wrdreg $0x60  }
0x35: {  	[dreg:$0x2] =	wrdreg s25  }
0x36: {  	[dreg:$0x3] =	wrdreg $0x9  }
0x37: {  	_ =	task.clear_ibuf [dreg:s23], $0x4FFFF;
	_ =	strace $0x9000004F  }
0x38: {  	s29 =	simm.s32 $0x9;
	_ =	strace $0x80000051  }
0x39: {  	_ =	swait.ge [sflag:s29], $0x1  }
0x3a: {  	[sflag:s29] =	ssyncadd.s32 $0xFFFFFFFF  }
0x3b: {  	_ =	strace $0x90000051  }
0x3c: {  	_ =	sfence  }
0x3d: {  	s30 =	sld [smem:$0x0];
	_ =	sdelay $0x2  }
0x3e: {  	s31 =	sshll.u32 s1, $0xD;
	s1 =	sshrl.u32 s1, $0x2  }
0x3f: {  	s4 =	sand.u32 $0x4000, s31;
	s1 =	sadd.s32 s1, s30  }
0x40: {  	s0 =	sor.u32 s4, s0;
	s1 =	sshll.u32 s1, $0x11  }
0x41: {  	s0 =	sor.u32 s1, s0  }
0x42: {  	s0 =	sadd.s32 $0x8F2B, s0  }
0x43: {  	[sflag:s0] =	ssyncadd.remote.s32 $0x1  }
0x44: {  	_ =	sfence.sel $0xFFFF  }
0x45: {  	[dreg:$0x0] =	wrdreg $0xFFFFFFFF;
	(pc) =	sbr.abs _section_cstart, $3  }
0x46: {  	[dreg:$0x1] =	wrdreg $0xFFFFFFFF  }
0x47: {  	_ =	task.clear_ibuf [dreg:s23], $0x2FFFF;
	_ =	strace $0x9FFFFFFF  }
0x48: {  	(tm) =	ssettm $0x7FFFFFFF  }
0x49: {  	_ =	shalt  }
tec
execute0_lowered:
.L_overlay_start_1:
0x0: {  	(tag) =	ssettag $0x1  }
0x1: {  	s3 =	rddreg [dreg:$0x0]  }
0x2: {  	s0 =	rddreg [dreg:$0x1]  }
0x3: {  	s1 =	srdreg.scid;
	_ =	strace $0x80000050;
	s7 =	simm.s32 $0x2  }
0x4: {  	s18 =	simm.s32 $0x0;
	p0 =	por $0x0, $0x0;
	s17 =	simm.s32 $0x0  }
0x5: {  	s19 =	simm.s32 $0x0;
	s20 =	simm.s32 $0x0;
	s8 =	simm.s32 $0x0  }
0x6: {  	s9 =	simm.s32 $0x0;
	s11 =	simm.s32 $0x0;
	s12 =	simm.s32 $0x0  }
0x7: {  	s13 =	simm.s32 $0x0;
	s14 =	simm.s32 $0x0;
	s10 =	simm.s32 $0x0  }
.Ltmp0:
0x8: {  	s4 =	sshll.u32 s1, $0x4;
	s2 =	sadd.s32 $0x2600, s3;
	(pc) =	sbr.rel .LBB1_1-.Ltmp0, $4  }
0x9: {  	s1 =	stileid.u32;
	s3 =	sadd.s32 $0x55A600, s3;
	s4 =	sand.u32 $0x10, s4  }
0xa: {  	s5 =	sand.u32 $0x3, s1;
	s6 =	sor.u32 s1, s4;
	s4 =	simm.s32 $0x1  }
0xb: {  	s16 =	smov.u32 s5;
	[sflag:s4] =	ssyncpa.u1 $0x0;
	s6 =	sshrl.u32 s6, $0x2  }
0xc: {  	[sflag:s7] =	ssyncpa.u1 $0x0;
	s7 =	simm.s32 $0x80;
	s15 =	smov.u32 s6  }
.LBB1_5:
0xd: {  	p1 =	slt.u32 s10, $0x2  }
0xe: {  	s21 =	smov.u32 s20;
	s24 =	smov.u32 s16;
	s10 =	sadd.s32 $0x1, s10  }
0xf: {  	p0 =	por !p0, !p0;
	p2 =	sgt.s32 @!p1 s20, $0x3;
	s22 =	sshra.s32 @!p1 s20, $0x1F  }
0x10: {  	s23 =	sshra.s32 @!p1 s19, $0x1F;
	p4 =	sgt.s32 @!p1 s17, $0x40;
	p2 =	por !p2, p1  }
0x11: {  	s20 =	sand.u32 @!p1 s22, s20;
	s21 =	simm.s32 @p2 $0x3;
	p2 =	sgt.s32 @!p1 s19, $0x7  }
0x12: {  	s22 =	smov.u32 s19;
	s20 =	ssub.s32 @!p1 s21, s20;
	p2 =	por !p2, p1  }
0x13: {  	s19 =	sand.u32 @!p1 s23, s19;
	s21 =	sadd.s32 @!p1 $0xFFFFFFFD, s20;
	s22 =	simm.s32 @p2 $0x7  }
0x14: {  	s20 =	ssub.s32 @!p1 $0x4, s20;
	p3 =	sgt.s32 @!p1 s21, $0x0;
	s19 =	ssub.s32 @!p1 s22, s19  }
0x15: {  	s22 =	smov.u32 s18;
	p2 =	por !p3, p1;
	s21 =	sadd.s32 @!p1 $0xFFFFFFF9, s19  }
0x16: {  	s19 =	ssub.s32 @!p1 $0x8, s19;
	s20 =	simm.s32 @!p2 $0x0;
	p2 =	sgt.s32 @!p1 s18, $0x14C0  }
0x17: {  	p3 =	sgt.s32 @!p1 s21, $0x0;
	s21 =	sshra.s32 @!p1 s18, $0x1F;
	p2 =	por !p2, p1  }
0x18: {  	s18 =	sand.u32 @!p1 s21, s18;
	s21 =	sshra.s32 @!p1 s17, $0x1F;
	p3 =	por !p3, p1  }
0x19: {  	s22 =	simm.s32 @p2 $0x14C0;
	p2 =	por !p4, p1;
	s21 =	sand.u32 @!p1 s21, s17  }
0x1a: {  	s19 =	simm.s32 @!p3 $0x0;
	s17 =	simm.s32 @p2 $0x40;
	s18 =	ssub.s32 @!p1 s22, s18  }
0x1b: {  	s19 =	smul.u32 @!p1 s20, s19;
	s22 =	smov.u32 s14;
	s17 =	ssub.s32 @!p1 s17, s21  }
0x1c: {  	s20 =	sadd.s32 @!p1 $0xFFFFEB40, s18;
	s18 =	ssub.s32 @!p1 $0x1540, s18;
	s21 =	sadd.s32 @!p1 $0xFFFFFFC0, s17  }
0x1d: {  	p2 =	sgt.s32 @!p1 s20, $0x7F;
	s17 =	ssub.s32 @!p1 $0x80, s17;
	p3 =	sgt.s32 @!p1 s21, $0x3F  }
0x1e: {  	s20 =	sadd.s32 $0x40, s14;
	s21 =	sadd.s32 $0x80, s13;
	p3 =	por !p3, p1  }
0x1f: {  	p2 =	por !p2, p1;
	s17 =	simm.s32 @!p3 $0x0;
	p3 =	sgt.s32 s21, $0x153F  }
0x20: {  	s23 =	smov.u32 s15;
	s18 =	simm.s32 @!p2 $0x0;
	s22 =	smov.u32 @p3 s20  }
0x21: {  	s17 =	smul.u32 @!p1 s17, s19;
	s19 =	sadd.s32 $0x8, s15;
	p2 =	sgt.s32 s22, $0x3F  }
0x22: {  	s25 =	simm.s32 @!p1 $0x2;
	s21 =	simm.s32 @p3 $0x0;
	s23 =	smov.u32 @p2 s19  }
0x23: {  	s17 =	smul.u32 @!p1 s18, s17;
	s18 =	sadd.s32 $0x4, s16;
	p3 =	sgt.s32 s23, $0x7  }
0x24: {  	s20 =	smov.u32 s12;
	s12 =	smov.u32 s16;
	s24 =	smov.u32 @p3 s18  }
0x25: {  	s22 =	simm.s32 @p2 $0x0;
	s19 =	smov.u32 s11;
	p2 =	sgt.s32 s24, $0x3  }
0x26: {  	s11 =	smov.u32 s15;
	s24 =	smov.u32 @p2 s5;
	p2 =	sne.s32 s10, $0x2D  }
.Ltmp1:
0x27: {  	s17 =	sand.u32 @!p1 $0x3FFFFFFF, s17;
	s23 =	smov.u32 @p3 s6;
	(pc) =	sbr.rel @!p2 .LBB1_6-.Ltmp1, $4  }
0x28: {  	s18 =	smov.u32 s8;
	s8 =	smov.u32 s13;
	s13 =	smov.u32 s21  }
0x29: {  	_ =	swait.ge @!p1 [sflag:s25], s17;
	s26 =	ssub.s32 @!p1 $0x0, s17;
	s17 =	smov.u32 s9  }
0x2a: {  	s9 =	smov.u32 s14;
	s14 =	smov.u32 s22;
	[sflag:s25] =	ssyncset.done @!p1 $0x0  }
0x2b: {  	s15 =	smov.u32 s23;
	[sflag:s25] =	ssyncadd.s32 @!p1 s26;
	s16 =	smov.u32 s24  }
.LBB1_1:
0x2c: {  	p1 =	sgt.u32 s10, $0x2A  }
0x2d: {  	s21 =	sshrl.u32 @!p1 s14, $0x3  }
0x2e: {  	s22 =	sshll.u32 @!p1 s13, $0x3;
	s21 =	smul.u32 @!p1 $0xAC00, s21  }
0x2f: {  	s23 =	sshll.u32 @!p1 s14, $0x7;
	s22 =	sand.u32 @!p1 $0xFFFFFC00, s22  }
0x30: {  	s21 =	sadd.s32 @!p1 s21, s22;
	s22 =	sand.u32 @!p1 $0x380, s23  }
0x31: {  	s23 =	sand.u32 @!p1 $0x7F, s13;
	s21 =	sor.u32 @!p1 s22, s21  }
0x32: {  	s22 =	sor.u32 @!p1 s23, s21  }
0x33: {  	s23 =	smulhi.u32 @!p1 $0x2FA0BE83, s22  }
0x34: {  	s21 =	smulhi.u32 @!p1 $0x2FA0BE83, s21  }
0x35: {  	s25 =	smul.u32 @!p1 $0x56000, s16;
	s23 =	sshrl.u32 @!p1 s23, $0xA  }
0x36: {  	s24 =	sxor.u32 @!p1 $0xFFFFFFFF, s10;
	s21 =	sshrl.u32 @!p1 s21, $0xA;
	s23 =	smul.u32 @!p1 $0x1580, s23  }
0x37: {  	s26 =	smul.u32 @!p1 $0xAC00, s15;
	s24 =	sshll.u32 @!p1 s24, $0xD;
	s21 =	sand.u32 @!p1 $0x3F, s21  }
0x38: {  	s21 =	smul.u32 @!p1 $0x2B0, s21;
	s22 =	ssub.s32 @!p1 s22, s23;
	s23 =	sadd.s32 @!p1 s2, s25  }
0x39: {  	s24 =	sand.u32 @!p1 $0x2000, s24;
	s23 =	sadd.s32 @!p1 s26, s23;
	s25 =	sand.u32 @!p1 $0x7, s22  }
0x3a: {  	s22 =	sshrl.u32 @!p1 s22, $0x3;
	s21 =	sadd.s32 @!p1 s21, s23;
	s23 =	sshll.u32 @!p1 s25, $0x12  }
0x3b: {  	s21 =	sadd.s32 @!p1 s22, s21;
	s22 =	sor.u32 @!p1 $0x400, s23;
	s23 =	simm.s32 @!p1 $0xAC00  }
0x3c: {  	[tilespmem:s24], [sflag:$0x1] =	stream.strided.gather @!p1 [hbm4b:s21+s22], $0x2000, s23, s22, $0x38;
	[tilespmem:$0x8100] =	vst v63  }
0x3d: {  	p1 =	seq.s32 s10, $0x0  }
0x3e: {  	p2 =	seq.s32 @!p1 s10, $0x2C  }
0x3f: {  	p1 =	por p1, p2  }
.Ltmp2:
0x40: {  	_ = 	snop;
	(pc) =	sbr.rel @p1 .LBB1_5-.Ltmp2, $1  }
0x41: {  	_ =	sdelay $0x3  }
0x42: {  	s21 =	simm.s32 $0x1  }
0x43: {  	_ =	swait.ge [sflag:s4], $0x2000;
	s21 =	simm.s32 @!p0 $0x0  }
0x44: {  	[sflag:s4] =	ssyncset.done $0x0;
	s22 =	sshll.u32 s21, $0xD  }
0x45: {  	[sflag:s4] =	ssyncadd.s32 $0xFFFFE000;
	s22 =	sor.u32 $0x40, s22  }
0x46: {  	s21 =	smul.u32 $0x8200, s21;
	v0 =	vld [tilespmem:s22+$0x30]  }
0x47: {  	v1 =	vld [tilespmem:s22+$0xFFFFFFD0]  }
0x48: {  	s21 =	sshrl.u32 s21, $0x2;
	v5 =	vld [tilespmem:s22+$0xFFFFFFE0]  }
0x49: {  	v6 =	vld [tilespmem:s22+$0xFFFFFFF0];
	s24 =	sor.u32 $0x4000, s21  }
0x4a: {  	s31 =	sand.u32 $0x1, s10;
	v4 =	vld [tilespmem:s22+$0x0];
	s23 =	sadd.s32 $0x0, s24  }
0x4b: {  	v3 =	vld [tilespmem:s22+$0x10];
	s21 =	smul.u32 $0x8200, s31;
	[tilespmem:s23+$0x1C70 ss:$0x41] =	vst.msk $0xffff, v0  }
0x4c: {  	v2 =	vld [tilespmem:s22+$0x20];
	[tilespmem:s23+$0x410 ss:$0x41] =	vst.msk $0xffff, v1  }
0x4d: {  	s21 =	sshrl.u32 s21, $0x2;
	v1 =	vld [tilespmem:s22+$0xFFFFFFC0];
	[tilespmem:s23+$0x820 ss:$0x41] =	vst.msk $0xffff, v5;
	s22 =	sadd.s32 $0x80, s22  }
0x4e: {  	s25 =	simm.s32 $0x4;
	s26 =	simm.s32 $0x8;
	s21 =	sor.u32 $0x4000, s21;
	[tilespmem:s23+$0xC30 ss:$0x41] =	vst.msk $0xffff, v6;
	v0 =	vld [tilespmem:s22+$0x30]  }
.LBB1_3:
0x4f: {  	p1 =	sne.s32 s26, $0xFC;
	v5 =	vld [tilespmem:s22+$0xFFFFFFD0];
	[tilespmem:s23+$0x1040 ss:$0x41] =	vst.msk $0xffff, v4  }
0x50: {  	v6 =	vld [tilespmem:s22+$0xFFFFFFE0];
	[tilespmem:s23+$0x1450 ss:$0x41] =	vst.msk $0xffff, v3  }
0x51: {  	s27 =	sshra.s32 s25, $0x2;
	s25 =	smov.u32 s26;
	v7 =	vld [tilespmem:s22+$0xFFFFFFF0];
	[tilespmem:s23+$0x1860 ss:$0x41] =	vst.msk $0xffff, v2  }
.Ltmp3:
0x52: {  	v4 =	vld [tilespmem:s22+$0x0];
	[tilespmem:s23+$0x0 ss:$0x41] =	vst.msk $0xffff, v1;
	s23 =	sadd.s32 s27, s24;
	(pc) =	sbr.rel @p1 .LBB1_3-.Ltmp3, $4  }
0x53: {  	v3 =	vld [tilespmem:s22+$0x10];
	[tilespmem:s23+$0x1C70 ss:$0x41] =	vst.msk $0xffff, v0  }
0x54: {  	[tilespmem:s23+$0x410 ss:$0x41] =	vst.msk $0xffff, v5;
	v2 =	vld [tilespmem:s22+$0x20]  }
0x55: {  	v1 =	vld [tilespmem:s22+$0xFFFFFFC0];
	[tilespmem:s23+$0x820 ss:$0x41] =	vst.msk $0xffff, v6;
	s22 =	sadd.s32 $0x80, s22  }
0x56: {  	s26 =	sadd.s32 $0x4, s26;
	v0 =	vld [tilespmem:s22+$0x30];
	[tilespmem:s23+$0xC30 ss:$0x41] =	vst.msk $0xffff, v7  }
0x57: {  	s26 =	sshll.u32 s8, $0x7;
	s27 =	sshll.u32 s9, $0x3;
	s25 =	sshra.s32 s25, $0x2  }
0x58: {  	p1 =	sgt.s32 s12, $0x3;
	s29 =	sshra.s32 s12, $0x1F;
	s28 =	sand.u32 $0xFFFFFC00, s26  }
0x59: {  	s27 =	sand.u32 $0xFFFFFC00, s27;
	s24 =	sadd.s32 s25, s24;
	s26 =	sand.u32 $0x380, s26  }
0x5a: {  	s30 =	sand.u32 s29, s12;
	s29 =	sshra.s32 s11, $0x1F;
	s31 =	sadd.s32 s27, s28  }
0x5b: {  	s27 =	smov.u32 s12;
	s28 =	smov.u32 s9;
	s25 =	sor.u32 s26, s31  }
0x5c: {  	s27 =	simm.s32 @!p1 $0x3;
	p1 =	sgt.s32 s11, $0x7;
	s25 =	sshrl.u32 s25, $0x7  }
0x5d: {  	s26 =	ssub.s32 s27, s30;
	s27 =	smov.u32 s11;
	s30 =	sand.u32 s29, s11  }
0x5e: {  	s31 =	sadd.s32 $0xFFFFFFFD, s26;
	s27 =	simm.s32 @!p1 $0x7;
	s26 =	ssub.s32 $0x4, s26  }
0x5f: {  	p1 =	sgt.s32 s31, $0x0;
	s27 =	ssub.s32 s27, s30;
	s30 =	sshra.s32 s9, $0x1F  }
0x60: {  	s26 =	simm.s32 @p1 $0x0;
	p1 =	sgt.s32 s9, $0x40;
	s31 =	sadd.s32 $0xFFFFFFF9, s27  }
0x61: {  	s27 =	ssub.s32 $0x8, s27;
	s29 =	sand.u32 s30, s9;
	s30 =	smul.u32 $0xAA000, s12  }
0x62: {  	s28 =	simm.s32 @!p1 $0x40;
	p1 =	sgt.s32 s31, $0x0;
	s31 =	smulhi.u32 $0xC0C0C1, s25  }
0x63: {  	v5 =	vld [tilespmem:s22+$0xFFFFFFD0];
	[tilespmem:s23+$0x1040 ss:$0x41] =	vst.msk $0xffff, v4;
	s27 =	simm.s32 @p1 $0x0;
	s28 =	ssub.s32 s28, s29;
	p1 =	sgt.s32 s8, $0x14C0  }
0x64: {  	v58 =	vld [tilespmem:s22+$0xFFFFFFE0];
	[tilespmem:s23+$0x1450 ss:$0x41] =	vst.msk $0xffff, v3;
	s26 =	smul.u32 s26, s27;
	s27 =	smov.u32 s8;
	s29 =	sadd.s32 $0xFFFFFFC0, s28  }
0x65: {  	v59 =	vld [tilespmem:s22+$0xFFFFFFF0];
	[tilespmem:s23+$0x1860 ss:$0x41] =	vst.msk $0xffff, v2;
	s31 =	sshrl.u32 s31, $0x4;
	s28 =	ssub.s32 $0x80, s28;
	s27 =	simm.s32 @!p1 $0x14C0  }
0x66: {  	v60 =	vld [tilespmem:s22+$0x0];
	[tilespmem:s23+$0x0 ss:$0x41] =	vst.msk $0xffff, v1;
	p1 =	sgt.s32 s29, $0x3F;
	s29 =	sshra.s32 s8, $0x1F;
	s23 =	smul.u32 $0x1540, s31  }
0x67: {  	v61 =	vld [tilespmem:s22+$0x10];
	[tilespmem:s24+$0x1C70 ss:$0x41] =	vst.msk $0xffff, v0;
	s31 =	smul.u32 $0x15400, s11;
	s29 =	sand.u32 s29, s8;
	s28 =	simm.s32 @p1 $0x0  }
0x68: {  	v62 =	vld [tilespmem:s22+$0x20];
	[tilespmem:s24+$0x410 ss:$0x41] =	vst.msk $0xffff, v5;
	s27 =	ssub.s32 s27, s29;
	s26 =	smul.u32 s28, s26  }
0x69: {  	v63 =	vld [tilespmem:s22+$0xFFFFFFC0];
	[tilespmem:s24+$0x820 ss:$0x41] =	vst.msk $0xffff, v58;
	s23 =	ssub.s32 s25, s23;
	s28 =	sshrl.u32 s9, $0x3;
	s29 =	sadd.s32 $0xFFFFEB40, s27  }
0x6a: {  	[tilespmem:s24+$0xC30 ss:$0x41] =	vst.msk $0xffff, v59;
	s22 =	ssub.s32 $0x1540, s27;
	s27 =	sadd.s32 s3, s30;
	p1 =	sgt.s32 s29, $0x7F  }
.Ltmp4:
0x6b: {  	[tilespmem:s24+$0x1040 ss:$0x41] =	vst.msk $0xffff, v60;
	s25 =	sadd.s32 s31, s27;
	s22 =	simm.s32 @p1 $0x0;
	(pc) =	sbr.rel .LBB1_5-.Ltmp4, $4  }
0x6c: {  	[tilespmem:s24+$0x1450 ss:$0x41] =	vst.msk $0xffff, v61;
	s29 =	sand.u32 $0x7, s9;
	s22 =	smul.u32 s22, s26;
	s26 =	sand.u32 $0xF, s28  }
0x6d: {  	[tilespmem:s24+$0x1860 ss:$0x41] =	vst.msk $0xffff, v62;
	s23 =	sshll.u32 s23, $0x4;
	s30 =	sshll.u32 s29, $0x12;
	s25 =	sadd.s32 s26, s25  }
0x6e: {  	[tilespmem:s24+$0x0 ss:$0x41] =	vst.msk $0xffff, v63;
	s31 =	sor.u32 $0x40, s30;
	s22 =	sand.u32 $0x3FFFFFFF, s22;
	s23 =	sadd.s32 s23, s25  }
0x6f: {  	[hbm4b:s23+s31] =	stream.strided.scatter [tilespmem:s21], [sflag:$0x2], s22, s7, s31, $0x18;
	[tilespmem:$0x8100] =	vst v63  }
.LBB1_6:
0x70: {  	_ =	sfence.sel $0x180000  }
0x71: {  	s2 =	simm.s32 $0x1;
	[bflag:$0x0] =	sbarrier.arrive $0xFFFF  }
0x72: {  	s31 =	simm.s32 $0x2;
	[sflag:s2] =	ssyncpa.u1 $0x1  }
0x73: {  	[sflag:s31] =	ssyncpa.u1 $0x1  }
0x74: {  	p0 =	sne.s32 s1, $0x0;
	_ =	strace $0x90000050  }
0x75: {  	s0 =	sadd.s32 @!p0 $0x100000, s0;
	[bflag:$0x2] =	sbarrier.arrive $0xFFFF  }
0x76: {  	[sflag:s0] =	ssyncadd.tile.s32 @!p0 $0x1;
	_ =	shalt  }
.Lfunc_end1:
_tile_overlayer_lowered:
.L_overlay_start_2:
0x77: {  	(tag) =	ssettag $0x2  }
0x78: {  	s0 =	rddreg [dreg:$0x0];
	s2 =	stileid.u32  }
0x79: {  	s1 =	rddreg [dreg:$0x1];
	p0 =	sne.s32 s2, $0x0  }
0x7a: {  	s3 =	rddreg [dreg:$0x2];
	[bflag:$0x3] =	sbarrier.arrive $0xFFFF;
	s2 =	simm.s32 @!p0 $0x1C01  }
0x7b: {  	[timem:s3], [sflag:s2] =	dma.local @!p0 [hbm:s0], s1  }
0x7c: {  	s0 =	simm.s32 @!p0 $0x1  }
0x7d: {  	_ =	swait.ge @!p0 [sflag:s0], s1  }
0x7e: {  	s1 =	ssub.s32 @!p0 $0x0, s1;
	[sflag:s0] =	ssyncset.done @!p0 $0x0  }
0x7f: {  	[sflag:s0] =	ssyncadd.s32 @!p0 s1  }
0x80: {  	[bflag:$0x3] =	sbarrier.arrive $0xFFFF  }
0x81: {  	_ =	shalt  }

</sc_bundles>
